<compile_context>
chip_gen: v7x
topology: tpu7x:2x2x1
jax: 0.10.2.dev20260603
libtpu: 0.0.44.dev20260713+nightly
codegen_flags: <defaults>
</compile_context>

<pallas_src>
import functools

import jax
import jax.numpy as jnp
from jax import lax
from jax.experimental import pallas as pl
from jax.experimental.pallas import tpu as pltpu
from jax.experimental.pallas import tpu_sc as plsc

HIDDEN = 128
N_NODES = 10000
N_EDGES = 320000
BATCH = 4
DT = 300.0
MAX_FLOW = 10.0

NUM_WORKERS = 32
EDGES_PER_WORKER = N_EDGES // NUM_WORKERS
LANES = 16


_MLP_ROWS = BATCH * N_NODES
_MLP_BLK = 10000


def _mlp_body(z_ref, w1_ref, b1_ref, w2_ref, b2_ref, out_ref):
    zb = z_ref[...]
    hid = lax.dot_general(zb, w1_ref[...], (((1,), (0,)), ((), ())),
                          preferred_element_type=jnp.float32)
    hid = hid + b1_ref[...]
    hid = 0.5 * hid * (1.0 + lax.erf(hid * (2.0 ** -0.5)))
    f = lax.dot_general(hid, w2_ref[...], (((1,), (0,)), ((), ())),
                        preferred_element_type=jnp.float32) + b2_ref[...]
    out_ref[...] = jax.nn.sigmoid(f)


def _mlp_coef(z2, W1, b1, W2, b2):
    grid = _MLP_ROWS // _MLP_BLK
    out = pl.pallas_call(
        _mlp_body,
        grid=(grid,),
        in_specs=[
            pl.BlockSpec((_MLP_BLK, HIDDEN), lambda i: (i, 0)),
            pl.BlockSpec((HIDDEN, HIDDEN // 2), lambda i: (0, 0)),
            pl.BlockSpec((1, HIDDEN // 2), lambda i: (0, 0)),
            pl.BlockSpec((HIDDEN // 2, 1), lambda i: (0, 0)),
            pl.BlockSpec((1, 1), lambda i: (0, 0)),
        ],
        out_specs=pl.BlockSpec((_MLP_BLK, 1), lambda i: (i, 0)),
        out_shape=jax.ShapeDtypeStruct((_MLP_ROWS, 1), jnp.float32),
    )(z2, W1, b1.reshape(1, -1), W2, b2.reshape(1, 1))
    return out.reshape(BATCH, N_NODES)



def _sqrt16(a):
    i = plsc.bitcast(a, jnp.int32)
    y = plsc.bitcast(jnp.int32(0x5F3759DF) - (i >> 1), jnp.float32)
    for _ in range(3):
        y = y * (1.5 - 0.5 * a * y * y)
    return a * y


def _edge_body(h_hbm, coef_hbm, src_hbm, dst_hbm, flows_hbm, part_hbm,
               src_v, dst_v, h_v0, h_v1, coef_v0, coef_v1,
               acc_v0, acc_v1, flows_v0, flows_v1,
               sem_h, sem_c, sem_f0, sem_f1, sem_a0, sem_a1):
    wid = lax.axis_index("s") * 2 + lax.axis_index("c")
    base = wid * EDGES_PER_WORKER
    h_v = (h_v0, h_v1)
    coef_v = (coef_v0, coef_v1)
    acc_v = (acc_v0, acc_v1)
    flows_v = (flows_v0, flows_v1)
    sem_f = (sem_f0, sem_f1)
    sem_a = (sem_a0, sem_a1)

    in_d = (pltpu.async_copy(h_hbm.at[0], h_v[0], sem_h),
            pltpu.async_copy(coef_hbm.at[0], coef_v[0], sem_c))
    pltpu.sync_copy(src_hbm.at[pl.ds(base, EDGES_PER_WORKER)], src_v)
    pltpu.sync_copy(dst_hbm.at[pl.ds(base, EDGES_PER_WORKER)], dst_v)

    zero16 = jnp.zeros((LANES,), jnp.float32)
    out_d = [None, None]

    for b in range(BATCH):
        p = b % 2
        for d in in_d:
            d.wait()
        if b + 1 < BATCH:
            in_d = (pltpu.async_copy(h_hbm.at[b + 1], h_v[1 - p], sem_h),
                    pltpu.async_copy(coef_hbm.at[b + 1], coef_v[1 - p],
                                     sem_c))
        if out_d[p] is not None:
            for d in out_d[p]:
                d.wait()
        hp, cp, ap, fp = h_v[p], coef_v[p], acc_v[p], flows_v[p]

        @plsc.parallel_loop(0, N_NODES // LANES, unroll=8)
        def zero_body(i):
            ap[pl.ds(i * LANES, LANES)] = zero16

        @plsc.parallel_loop(0, EDGES_PER_WORKER // LANES, unroll=4)
        def edge_step(i):
            off = i * LANES
            sv = src_v[pl.ds(off, LANES)]
            dv = dst_v[pl.ds(off, LANES)]
            hs = plsc.load_gather(hp, [sv])
            hd = plsc.load_gather(hp, [dv])
            cs = plsc.load_gather(cp, [sv])
            d = hs - hd
            mag = _sqrt16(jnp.abs(d) + 1e-6)
            flow = cs * jnp.sign(d) * mag
            flow = jnp.minimum(jnp.maximum(flow, -MAX_FLOW), MAX_FLOW)
            fp[pl.ds(off, LANES)] = flow
            plsc.addupdate_scatter(ap, [dv], flow)
            plsc.addupdate_scatter(ap, [sv], -flow)

        out_d[p] = (
            pltpu.async_copy(
                fp, flows_hbm.at[pl.ds(b * N_EDGES + base, EDGES_PER_WORKER)],
                sem_f[p]),
            pltpu.async_copy(ap, part_hbm.at[wid * BATCH + b], sem_a[p]),
        )

    for ds_pair in out_d:
        for d in ds_pair:
            d.wait()


_edge_kernel = functools.partial(
    pl.kernel,
    out_type=[
        jax.ShapeDtypeStruct((BATCH * N_EDGES,), jnp.float32),
        jax.ShapeDtypeStruct((NUM_WORKERS * BATCH, N_NODES), jnp.float32),
    ],
    mesh=plsc.VectorSubcoreMesh(core_axis_name="c", subcore_axis_name="s"),
    compiler_params=pltpu.CompilerParams(needs_layout_passes=False),
    scratch_types=[
        pltpu.VMEM((EDGES_PER_WORKER,), jnp.int32),
        pltpu.VMEM((EDGES_PER_WORKER,), jnp.int32),
        pltpu.VMEM((N_NODES,), jnp.float32),
        pltpu.VMEM((N_NODES,), jnp.float32),
        pltpu.VMEM((N_NODES,), jnp.float32),
        pltpu.VMEM((N_NODES,), jnp.float32),
        pltpu.VMEM((N_NODES,), jnp.float32),
        pltpu.VMEM((N_NODES,), jnp.float32),
        pltpu.VMEM((EDGES_PER_WORKER,), jnp.float32),
        pltpu.VMEM((EDGES_PER_WORKER,), jnp.float32),
        pltpu.SemaphoreType.DMA,
        pltpu.SemaphoreType.DMA,
        pltpu.SemaphoreType.DMA,
        pltpu.SemaphoreType.DMA,
        pltpu.SemaphoreType.DMA,
        pltpu.SemaphoreType.DMA,
    ],
)(_edge_body)



def _fin_body(part_ref, rain_ref, area_ref, h_ref, out_ref):
    net = jnp.sum(part_ref[...], axis=0) + rain_ref[...]
    dh = DT * net / (area_ref[...] + 1e-6)
    out_ref[...] = h_ref[...] + jnp.minimum(jnp.maximum(dh, -1.0), 1.0)


def _finalize(part, rainfall, areas2, h):
    return pl.pallas_call(
        _fin_body,
        out_shape=jax.ShapeDtypeStruct((BATCH, N_NODES), jnp.float32),
    )(part, rainfall, areas2, h)


def kernel(h, z, edge_index, edge_type, rainfall, node_areas, W1, b1, W2, b2):
    coef = _mlp_coef(z.reshape(_MLP_ROWS, HIDDEN), W1, b1, W2, b2)
    flows_flat, part = _edge_kernel(h, coef, edge_index[0], edge_index[1])
    flows = flows_flat.reshape(BATCH, N_EDGES)
    h_new = _finalize(part.reshape(NUM_WORKERS, BATCH, N_NODES),
                      rainfall, node_areas.reshape(1, N_NODES), h)
    return (h_new, flows)

# --- scband reference (transcript-rebuilt; emitter-appended) ---
"""Pipeline reference for scband-differentiable-physics-update-40492951666855 (READ-ONLY COPY).

The authoritative reference and input builder live on the scoring server;
editing this copy changes nothing except your own understanding.
"""

import jax, jax.numpy as jnp
import numpy as np

HIDDEN = 128
N_NODES = 10000
N_EDGES = 320000
BATCH = 4
DT = 300.0
MAX_FLOW = 10.0


def setup_inputs(seed: int = 0) -> dict:
    key = jax.random.key(seed)
    ks = jax.random.split(key, 12)
    h = jax.random.normal(ks[0], (BATCH, N_NODES), dtype=jnp.float32)
    z = jax.random.normal(ks[1], (BATCH, N_NODES, HIDDEN), dtype=jnp.float32)
    edge_index = jax.random.randint(ks[2], (2, N_EDGES), 0, N_NODES, dtype=jnp.int32)
    edge_type = jax.random.randint(ks[3], (N_EDGES,), 0, 3, dtype=jnp.int32)
    rainfall = jax.random.uniform(ks[4], (BATCH, N_NODES), dtype=jnp.float32)
    node_areas = jax.random.uniform(ks[5], (N_NODES,), dtype=jnp.float32)
    # flow_coef MLP params: Linear(128 -> 64), GELU, Linear(64 -> 1), Sigmoid
    W1 = jax.random.normal(ks[6], (HIDDEN, HIDDEN // 2), dtype=jnp.float32) * (1.0 / np.sqrt(HIDDEN))
    b1 = jnp.zeros((HIDDEN // 2,), dtype=jnp.float32)
    W2 = jax.random.normal(ks[7], (HIDDEN // 2, 1), dtype=jnp.float32) * (1.0 / np.sqrt(HIDDEN // 2))
    b2 = jnp.zeros((1,), dtype=jnp.float32)
    return {"h": h, "z": z, "edge_index": edge_index, "edge_type": edge_type,
            "rainfall": rainfall, "node_areas": node_areas,
            "W1": W1, "b1": b1, "W2": W2, "b2": b2}


def reference(h, z, edge_index, edge_type, rainfall, node_areas, W1, b1, W2, b2):
    batch = h.shape[0]
    num_nodes = h.shape[1]
    # node_areas provided -> bypass area_head (faithful to torch branch)
    areas = jnp.broadcast_to(node_areas[None, :], (batch, num_nodes))
    src = edge_index[0]
    dst = edge_index[1]
    # gather water levels at edge endpoints
    h_src = h[:, src]
    h_dst = h[:, dst]
    delta_h = h_src - h_dst
    # gather latent states at source nodes and compute flow coefficients
    z_src = z[:, src, :]  # [B, E, HIDDEN]
    hid = jax.nn.gelu(jnp.einsum('bed,dk->bek', z_src, W1) + b1, approximate=False)
    flow_coef = jax.nn.sigmoid((jnp.einsum('bek,ko->beo', hid, W2) + b2)[..., 0])
    flows = flow_coef * jnp.sign(delta_h) * jnp.sqrt(jnp.abs(delta_h) + 1e-06)
    flows = jnp.clip(flows, -MAX_FLOW, MAX_FLOW)
    # mass conservation via scatter-add
    pos = jnp.maximum(flows, 0.0)
    neg = jnp.maximum(-flows, 0.0)
    inflow = jnp.zeros((batch, num_nodes), dtype=h.dtype)
    outflow = jnp.zeros((batch, num_nodes), dtype=h.dtype)
    inflow = inflow.at[:, dst].add(pos)
    outflow = outflow.at[:, src].add(pos)
    inflow = inflow.at[:, src].add(neg)
    outflow = outflow.at[:, dst].add(neg)
    net_flow = inflow - outflow
    net_flow = net_flow + rainfall
    dh = DT * net_flow / (areas + 1e-06)
    h_new = h + jnp.clip(dh, -1.0, 1.0)
    return (h_new, flows)

if __name__ == "__main__":
    import jax
    _d = setup_inputs()
    print(jax.jit(kernel)(*tuple(_d.values())))

</pallas_src>

<mosaic_0001>
#map = affine_map<(d0, d1) -> (0, 0)>
#map1 = affine_map<(d0, d1) -> (0)>
module attributes {stable_mosaic.version = 14 : i64} {
  func.func @_edge_body(%arg0: i32, %arg1: i32, %arg2: memref<4x10000xf32, #tpu.memory_space<hbm>>, %arg3: memref<4x10000xf32, #tpu.memory_space<hbm>>, %arg4: memref<320000xi32, #tpu.memory_space<hbm>>, %arg5: memref<320000xi32, #tpu.memory_space<hbm>>, %arg6: memref<1280000xf32, #tpu.memory_space<hbm>>, %arg7: memref<128x10000xf32, #tpu.memory_space<hbm>>, %arg8: memref<10000xi32, #tpu.memory_space<vmem>>, %arg9: memref<10000xi32, #tpu.memory_space<vmem>>, %arg10: memref<10000xf32, #tpu.memory_space<vmem>>, %arg11: memref<10000xf32, #tpu.memory_space<vmem>>, %arg12: memref<10000xf32, #tpu.memory_space<vmem>>, %arg13: memref<10000xf32, #tpu.memory_space<vmem>>, %arg14: memref<10000xf32, #tpu.memory_space<vmem>>, %arg15: memref<10000xf32, #tpu.memory_space<vmem>>, %arg16: memref<10000xf32, #tpu.memory_space<vmem>>, %arg17: memref<10000xf32, #tpu.memory_space<vmem>>, %arg18: memref<!tpu.dma_semaphore, #tpu.memory_space<semaphore_mem>>, %arg19: memref<!tpu.dma_semaphore, #tpu.memory_space<semaphore_mem>>, %arg20: memref<!tpu.dma_semaphore, #tpu.memory_space<semaphore_mem>>, %arg21: memref<!tpu.dma_semaphore, #tpu.memory_space<semaphore_mem>>, %arg22: memref<!tpu.dma_semaphore, #tpu.memory_space<semaphore_mem>>, %arg23: memref<!tpu.dma_semaphore, #tpu.memory_space<semaphore_mem>>) attributes {dimension_semantics = [#tpu.dimension_semantics<core_parallel>, #tpu.dimension_semantics<subcore_parallel>], iteration_bounds = array<i64: 2, 16>, scalar_prefetch = 0 : i64, scratch_operands = 16 : i64, tpu.core_type = #tpu.core_type<sc_vector_subcore>, window_params = [{transform_indices = #map}, {transform_indices = #map}, {transform_indices = #map1}, {transform_indices = #map1}, {transform_indices = #map1}, {transform_indices = #map}]} {
    %mul3A = arith.constant 2 : i32
    %mul3A_0 = arith.muli %arg1, %mul3A : i32
    %add3A = arith.addi %mul3A_0, %arg0 : i32
    %mul3A_1 = arith.constant 10000 : i32
    %mul3A_2 = arith.muli %add3A, %mul3A_1 : i32
    %dma_start3A = arith.constant 0 : i32
    %dma_start3A_3 = arith.constant 0 : i32
    %dma_start3A_4 = tpu.memref_slice %arg2[%dma_start3A, %dma_start3A_3] : memref<4x10000xf32, #tpu.memory_space<hbm>> -> memref<1x10000xf32, #tpu.memory_space<hbm>>
    %dma_start3A_5 = tpu.memref_squeeze %dma_start3A_4 : memref<1x10000xf32, #tpu.memory_space<hbm>> -> memref<10000xf32, #tpu.memory_space<hbm>>
    %dma_start3A_6 = arith.constant 0 : i32
    %dma_start3A_7 = tpu.memref_slice %arg2[%dma_start3A, %dma_start3A_6] : memref<4x10000xf32, #tpu.memory_space<hbm>> -> memref<1x10000xf32, #tpu.memory_space<hbm>>
    %dma_start3A_8 = tpu.memref_squeeze %dma_start3A_7 : memref<1x10000xf32, #tpu.memory_space<hbm>> -> memref<10000xf32, #tpu.memory_space<hbm>>
    tpu.enqueue_dma source(%dma_start3A_8 : memref<10000xf32, #tpu.memory_space<hbm>>) target(%arg10 : memref<10000xf32, #tpu.memory_space<vmem>>) target_semaphore(%arg18 : memref<!tpu.dma_semaphore, #tpu.memory_space<semaphore_mem>>)
    %dma_start3A_9 = arith.constant 0 : i32
    %dma_start3A_10 = arith.constant 0 : i32
    %dma_start3A_11 = tpu.memref_slice %arg3[%dma_start3A_9, %dma_start3A_10] : memref<4x10000xf32, #tpu.memory_space<hbm>> -> memref<1x10000xf32, #tpu.memory_space<hbm>>
    %dma_start3A_12 = tpu.memref_squeeze %dma_start3A_11 : memref<1x10000xf32, #tpu.memory_space<hbm>> -> memref<10000xf32, #tpu.memory_space<hbm>>
    %dma_start3A_13 = arith.constant 0 : i32
    %dma_start3A_14 = tpu.memref_slice %arg3[%dma_start3A_9, %dma_start3A_13] : memref<4x10000xf32, #tpu.memory_space<hbm>> -> memref<1x10000xf32, #tpu.memory_space<hbm>>
    %dma_start3A_15 = tpu.memref_squeeze %dma_start3A_14 : memref<1x10000xf32, #tpu.memory_space<hbm>> -> memref<10000xf32, #tpu.memory_space<hbm>>
    tpu.enqueue_dma source(%dma_start3A_15 : memref<10000xf32, #tpu.memory_space<hbm>>) target(%arg12 : memref<10000xf32, #tpu.memory_space<vmem>>) target_semaphore(%arg19 : memref<!tpu.dma_semaphore, #tpu.memory_space<semaphore_mem>>)
    "tpu.region"() ({
      %run_scoped3A = tpu.sem_alloc : memref<!tpu.dma_semaphore, #tpu.memory_space<semaphore_mem>>
      %dma_start3A_225 = tpu.memref_slice %arg4[%mul3A_2] : memref<320000xi32, #tpu.memory_space<hbm>> -> memref<10000xi32, #tpu.memory_space<hbm>>
      %dma_start3A_226 = tpu.memref_slice %arg4[%mul3A_2] : memref<320000xi32, #tpu.memory_space<hbm>> -> memref<10000xi32, #tpu.memory_space<hbm>>
      tpu.enqueue_dma source(%dma_start3A_226 : memref<10000xi32, #tpu.memory_space<hbm>>) target(%arg8 : memref<10000xi32, #tpu.memory_space<vmem>>) target_semaphore(%run_scoped3A : memref<!tpu.dma_semaphore, #tpu.memory_space<semaphore_mem>>)
      %dma_wait3A_227 = tpu.memref_slice %arg4[%mul3A_2] : memref<320000xi32, #tpu.memory_space<hbm>> -> memref<10000xi32, #tpu.memory_space<hbm>>
      %dma_wait3A_228 = tpu.memref_slice %arg4[%mul3A_2] : memref<320000xi32, #tpu.memory_space<hbm>> -> memref<10000xi32, #tpu.memory_space<hbm>>
      tpu.wait_dma2 semaphore(%run_scoped3A : memref<!tpu.dma_semaphore, #tpu.memory_space<semaphore_mem>>) src(%dma_wait3A_228 : memref<10000xi32, #tpu.memory_space<hbm>>) dst(%arg8 : memref<10000xi32, #tpu.memory_space<vmem>>)
      tpu.yield
    }) : () -> ()
    "tpu.region"() ({
      %run_scoped3A = tpu.sem_alloc : memref<!tpu.dma_semaphore, #tpu.memory_space<semaphore_mem>>
      %dma_start3A_225 = tpu.memref_slice %arg5[%mul3A_2] : memref<320000xi32, #tpu.memory_space<hbm>> -> memref<10000xi32, #tpu.memory_space<hbm>>
      %dma_start3A_226 = tpu.memref_slice %arg5[%mul3A_2] : memref<320000xi32, #tpu.memory_space<hbm>> -> memref<10000xi32, #tpu.memory_space<hbm>>
      tpu.enqueue_dma source(%dma_start3A_226 : memref<10000xi32, #tpu.memory_space<hbm>>) target(%arg9 : memref<10000xi32, #tpu.memory_space<vmem>>) target_semaphore(%run_scoped3A : memref<!tpu.dma_semaphore, #tpu.memory_space<semaphore_mem>>)
      %dma_wait3A_227 = tpu.memref_slice %arg5[%mul3A_2] : memref<320000xi32, #tpu.memory_space<hbm>> -> memref<10000xi32, #tpu.memory_space<hbm>>
      %dma_wait3A_228 = tpu.memref_slice %arg5[%mul3A_2] : memref<320000xi32, #tpu.memory_space<hbm>> -> memref<10000xi32, #tpu.memory_space<hbm>>
      tpu.wait_dma2 semaphore(%run_scoped3A : memref<!tpu.dma_semaphore, #tpu.memory_space<semaphore_mem>>) src(%dma_wait3A_228 : memref<10000xi32, #tpu.memory_space<hbm>>) dst(%arg9 : memref<10000xi32, #tpu.memory_space<vmem>>)
      tpu.yield
    }) : () -> ()
    %broadcast_in_dim3A = arith.constant 0.000000e+00 : f32
    %broadcast_in_dim3A_16 = vector.broadcast %broadcast_in_dim3A : f32 to vector<16xf32>
    %dma_wait3A = arith.constant 0 : i32
    %dma_wait3A_17 = arith.constant 0 : i32
    %dma_wait3A_18 = tpu.memref_slice %arg2[%dma_wait3A, %dma_wait3A_17] : memref<4x10000xf32, #tpu.memory_space<hbm>> -> memref<1x10000xf32, #tpu.memory_space<hbm>>
    %dma_wait3A_19 = tpu.memref_squeeze %dma_wait3A_18 : memref<1x10000xf32, #tpu.memory_space<hbm>> -> memref<10000xf32, #tpu.memory_space<hbm>>
    %dma_wait3A_20 = arith.constant 0 : i32
    %dma_wait3A_21 = tpu.memref_slice %arg2[%dma_wait3A, %dma_wait3A_20] : memref<4x10000xf32, #tpu.memory_space<hbm>> -> memref<1x10000xf32, #tpu.memory_space<hbm>>
    %dma_wait3A_22 = tpu.memref_squeeze %dma_wait3A_21 : memref<1x10000xf32, #tpu.memory_space<hbm>> -> memref<10000xf32, #tpu.memory_space<hbm>>
    tpu.wait_dma2 semaphore(%arg18 : memref<!tpu.dma_semaphore, #tpu.memory_space<semaphore_mem>>) src(%dma_wait3A_22 : memref<10000xf32, #tpu.memory_space<hbm>>) dst(%arg10 : memref<10000xf32, #tpu.memory_space<vmem>>)
    %dma_wait3A_23 = arith.constant 0 : i32
    %dma_wait3A_24 = arith.constant 0 : i32
    %dma_wait3A_25 = tpu.memref_slice %arg3[%dma_wait3A_23, %dma_wait3A_24] : memref<4x10000xf32, #tpu.memory_space<hbm>> -> memref<1x10000xf32, #tpu.memory_space<hbm>>
    %dma_wait3A_26 = tpu.memref_squeeze %dma_wait3A_25 : memref<1x10000xf32, #tpu.memory_space<hbm>> -> memref<10000xf32, #tpu.memory_space<hbm>>
    %dma_wait3A_27 = arith.constant 0 : i32
    %dma_wait3A_28 = tpu.memref_slice %arg3[%dma_wait3A_23, %dma_wait3A_27] : memref<4x10000xf32, #tpu.memory_space<hbm>> -> memref<1x10000xf32, #tpu.memory_space<hbm>>
    %dma_wait3A_29 = tpu.memref_squeeze %dma_wait3A_28 : memref<1x10000xf32, #tpu.memory_space<hbm>> -> memref<10000xf32, #tpu.memory_space<hbm>>
    tpu.wait_dma2 semaphore(%arg19 : memref<!tpu.dma_semaphore, #tpu.memory_space<semaphore_mem>>) src(%dma_wait3A_29 : memref<10000xf32, #tpu.memory_space<hbm>>) dst(%arg12 : memref<10000xf32, #tpu.memory_space<vmem>>)
    %dma_start3A_30 = arith.constant 1 : i32
    %dma_start3A_31 = arith.constant 0 : i32
    %dma_start3A_32 = tpu.memref_slice %arg2[%dma_start3A_30, %dma_start3A_31] : memref<4x10000xf32, #tpu.memory_space<hbm>> -> memref<1x10000xf32, #tpu.memory_space<hbm>>
    %dma_start3A_33 = tpu.memref_squeeze %dma_start3A_32 : memref<1x10000xf32, #tpu.memory_space<hbm>> -> memref<10000xf32, #tpu.memory_space<hbm>>
    %dma_start3A_34 = arith.constant 0 : i32
    %dma_start3A_35 = tpu.memref_slice %arg2[%dma_start3A_30, %dma_start3A_34] : memref<4x10000xf32, #tpu.memory_space<hbm>> -> memref<1x10000xf32, #tpu.memory_space<hbm>>
    %dma_start3A_36 = tpu.memref_squeeze %dma_start3A_35 : memref<1x10000xf32, #tpu.memory_space<hbm>> -> memref<10000xf32, #tpu.memory_space<hbm>>
    tpu.enqueue_dma source(%dma_start3A_36 : memref<10000xf32, #tpu.memory_space<hbm>>) target(%arg11 : memref<10000xf32, #tpu.memory_space<vmem>>) target_semaphore(%arg18 : memref<!tpu.dma_semaphore, #tpu.memory_space<semaphore_mem>>)
    %dma_start3A_37 = arith.constant 1 : i32
    %dma_start3A_38 = arith.constant 0 : i32
    %dma_start3A_39 = tpu.memref_slice %arg3[%dma_start3A_37, %dma_start3A_38] : memref<4x10000xf32, #tpu.memory_space<hbm>> -> memref<1x10000xf32, #tpu.memory_space<hbm>>
    %dma_start3A_40 = tpu.memref_squeeze %dma_start3A_39 : memref<1x10000xf32, #tpu.memory_space<hbm>> -> memref<10000xf32, #tpu.memory_space<hbm>>
    %dma_start3A_41 = arith.constant 0 : i32
    %dma_start3A_42 = tpu.memref_slice %arg3[%dma_start3A_37, %dma_start3A_41] : memref<4x10000xf32, #tpu.memory_space<hbm>> -> memref<1x10000xf32, #tpu.memory_space<hbm>>
    %dma_start3A_43 = tpu.memref_squeeze %dma_start3A_42 : memref<1x10000xf32, #tpu.memory_space<hbm>> -> memref<10000xf32, #tpu.memory_space<hbm>>
    tpu.enqueue_dma source(%dma_start3A_43 : memref<10000xf32, #tpu.memory_space<hbm>>) target(%arg13 : memref<10000xf32, #tpu.memory_space<vmem>>) target_semaphore(%arg19 : memref<!tpu.dma_semaphore, #tpu.memory_space<semaphore_mem>>)
    %parallel_loop3A = arith.constant 0 : i32
    %parallel_loop3A_44 = arith.constant 625 : i32
    %parallel_loop3A_45 = arith.constant 1 : i32
    scf.for %parallel_loop3A_225 = %parallel_loop3A to %parallel_loop3A_44 step %parallel_loop3A_45  : i32 {
      %parallel_loop3A_226 = arith.constant 16 : i32
      %parallel_loop3A_227 = arith.muli %parallel_loop3A_225, %parallel_loop3A_226 : i32
      %parallel_loop3A_228 = arith.index_cast %parallel_loop3A_227 : i32 to index
      %parallel_loop3A_229 = tpu.vector_load %arg14[%parallel_loop3A_228] {strides = array<i32>} : memref<10000xf32, #tpu.memory_space<vmem>>, vector<16xf32>,
      tpu.vector_store %arg14[%parallel_loop3A_228], %broadcast_in_dim3A_16 {strides = array<i32>} : memref<10000xf32, #tpu.memory_space<vmem>>, vector<16xf32>,
    } {sc.loop_unroll_factor = 8 : i64, sc.parallel_access}
    %parallel_loop3A_46 = arith.constant 0 : i32
    %parallel_loop3A_47 = arith.constant 625 : i32
    %parallel_loop3A_48 = arith.constant 1 : i32
    scf.for %parallel_loop3A_225 = %parallel_loop3A_46 to %parallel_loop3A_47 step %parallel_loop3A_48  : i32 {
      %parallel_loop3A_226 = arith.constant 16 : i32
      %parallel_loop3A_227 = arith.muli %parallel_loop3A_225, %parallel_loop3A_226 : i32
      %parallel_loop3A_228 = arith.index_cast %parallel_loop3A_227 : i32 to index
      %parallel_loop3A_229 = tpu.vector_load %arg8[%parallel_loop3A_228] {strides = array<i32>} : memref<10000xi32, #tpu.memory_space<vmem>>, vector<16xi32>,
      %parallel_loop3A_230 = arith.index_cast %parallel_loop3A_227 : i32 to index
      %parallel_loop3A_231 = tpu.vector_load %arg9[%parallel_loop3A_230] {strides = array<i32>} : memref<10000xi32, #tpu.memory_space<vmem>>, vector<16xi32>,
      %parallel_loop3A_232 = tpu.vector_load_idx %arg10[%parallel_loop3A_229] : memref<10000xf32, #tpu.memory_space<vmem>>[vector<16xi32>], vector<16xf32>,
      %parallel_loop3A_233 = tpu.vector_load_idx %arg10[%parallel_loop3A_231] : memref<10000xf32, #tpu.memory_space<vmem>>[vector<16xi32>], vector<16xf32>,
      %parallel_loop3A_234 = tpu.vector_load_idx %arg12[%parallel_loop3A_229] : memref<10000xf32, #tpu.memory_space<vmem>>[vector<16xi32>], vector<16xf32>,
      %parallel_loop3A_235 = arith.subf %parallel_loop3A_232, %parallel_loop3A_233 : vector<16xf32>
      %parallel_loop3A_236 = math.absf %parallel_loop3A_235 : vector<16xf32>
      %parallel_loop3A_237 = arith.constant 9.99999997E-7 : f32
      %parallel_loop3A_238 = vector.broadcast %parallel_loop3A_237 : f32 to vector<16xf32>
      %parallel_loop3A_239 = arith.addf %parallel_loop3A_236, %parallel_loop3A_238 : vector<16xf32>
      %parallel_loop3A_240 = vector.bitcast %parallel_loop3A_239 : vector<16xf32> to vector<16xi32>
      %parallel_loop3A_241 = arith.constant 1 : i32
      %parallel_loop3A_242 = vector.broadcast %parallel_loop3A_241 : i32 to vector<16xi32>
      %parallel_loop3A_243 = arith.shrsi %parallel_loop3A_240, %parallel_loop3A_242 : vector<16xi32>
      %parallel_loop3A_244 = arith.constant 1597463007 : i32
      %parallel_loop3A_245 = vector.broadcast %parallel_loop3A_244 : i32 to vector<16xi32>
      %parallel_loop3A_246 = arith.subi %parallel_loop3A_245, %parallel_loop3A_243 : vector<16xi32>
      %parallel_loop3A_247 = vector.bitcast %parallel_loop3A_246 : vector<16xi32> to vector<16xf32>
      %parallel_loop3A_248 = arith.constant 5.000000e-01 : f32
      %parallel_loop3A_249 = vector.broadcast %parallel_loop3A_248 : f32 to vector<16xf32>
      %parallel_loop3A_250 = arith.mulf %parallel_loop3A_249, %parallel_loop3A_239 : vector<16xf32>
      %parallel_loop3A_251 = arith.mulf %parallel_loop3A_250, %parallel_loop3A_247 : vector<16xf32>
      %parallel_loop3A_252 = arith.mulf %parallel_loop3A_251, %parallel_loop3A_247 : vector<16xf32>
      %parallel_loop3A_253 = arith.constant 1.500000e+00 : f32
      %parallel_loop3A_254 = vector.broadcast %parallel_loop3A_253 : f32 to vector<16xf32>
      %parallel_loop3A_255 = arith.subf %parallel_loop3A_254, %parallel_loop3A_252 : vector<16xf32>
      %parallel_loop3A_256 = arith.mulf %parallel_loop3A_247, %parallel_loop3A_255 : vector<16xf32>
      %parallel_loop3A_257 = arith.constant 5.000000e-01 : f32
      %parallel_loop3A_258 = vector.broadcast %parallel_loop3A_257 : f32 to vector<16xf32>
      %parallel_loop3A_259 = arith.mulf %parallel_loop3A_258, %parallel_loop3A_239 : vector<16xf32>
      %parallel_loop3A_260 = arith.mulf %parallel_loop3A_259, %parallel_loop3A_256 : vector<16xf32>
      %parallel_loop3A_261 = arith.mulf %parallel_loop3A_260, %parallel_loop3A_256 : vector<16xf32>
      %parallel_loop3A_262 = arith.constant 1.500000e+00 : f32
      %parallel_loop3A_263 = vector.broadcast %parallel_loop3A_262 : f32 to vector<16xf32>
      %parallel_loop3A_264 = arith.subf %parallel_loop3A_263, %parallel_loop3A_261 : vector<16xf32>
      %parallel_loop3A_265 = arith.mulf %parallel_loop3A_256, %parallel_loop3A_264 : vector<16xf32>
      %parallel_loop3A_266 = arith.constant 5.000000e-01 : f32
      %parallel_loop3A_267 = vector.broadcast %parallel_loop3A_266 : f32 to vector<16xf32>
      %parallel_loop3A_268 = arith.mulf %parallel_loop3A_267, %parallel_loop3A_239 : vector<16xf32>
      %parallel_loop3A_269 = arith.mulf %parallel_loop3A_268, %parallel_loop3A_265 : vector<16xf32>
      %parallel_loop3A_270 = arith.mulf %parallel_loop3A_269, %parallel_loop3A_265 : vector<16xf32>
      %parallel_loop3A_271 = arith.constant 1.500000e+00 : f32
      %parallel_loop3A_272 = vector.broadcast %parallel_loop3A_271 : f32 to vector<16xf32>
      %parallel_loop3A_273 = arith.subf %parallel_loop3A_272, %parallel_loop3A_270 : vector<16xf32>
      %parallel_loop3A_274 = arith.mulf %parallel_loop3A_265, %parallel_loop3A_273 : vector<16xf32>
      %parallel_loop3A_275 = arith.mulf %parallel_loop3A_239, %parallel_loop3A_274 : vector<16xf32>
      %parallel_loop3A_276 = tpu.bitcast %parallel_loop3A_235 : vector<16xf32> -> vector<16xi32>
      %parallel_loop3A_277 = arith.constant -2147483648 : i32
      %parallel_loop3A_278 = vector.broadcast %parallel_loop3A_277 : i32 to vector<16xi32>
      %parallel_loop3A_279 = arith.andi %parallel_loop3A_276, %parallel_loop3A_278 : vector<16xi32>
      %parallel_loop3A_280 = arith.constant 1065353216 : i32
      %parallel_loop3A_281 = vector.broadcast %parallel_loop3A_280 : i32 to vector<16xi32>
      %parallel_loop3A_282 = arith.ori %parallel_loop3A_281, %parallel_loop3A_279 : vector<16xi32>
      %parallel_loop3A_283 = tpu.bitcast %parallel_loop3A_282 : vector<16xi32> -> vector<16xf32>
      %parallel_loop3A_284 = math.absf %parallel_loop3A_235 : vector<16xf32>
      %parallel_loop3A_285 = arith.constant 0.000000e+00 : f32
      %parallel_loop3A_286 = vector.broadcast %parallel_loop3A_285 : f32 to vector<16xf32>
      %parallel_loop3A_287 = arith.cmpf ogt, %parallel_loop3A_284, %parallel_loop3A_286 : vector<16xf32>
      %parallel_loop3A_288 = arith.select %parallel_loop3A_287, %parallel_loop3A_283, %parallel_loop3A_235 : vector<16xi1>, vector<16xf32>
      %parallel_loop3A_289 = arith.mulf %parallel_loop3A_234, %parallel_loop3A_288 : vector<16xf32>
      %parallel_loop3A_290 = arith.mulf %parallel_loop3A_289, %parallel_loop3A_275 : vector<16xf32>
      %parallel_loop3A_291 = arith.constant -1.000000e+01 : f32
      %parallel_loop3A_292 = vector.broadcast %parallel_loop3A_291 : f32 to vector<16xf32>
      %parallel_loop3A_293 = arith.maximumf %parallel_loop3A_290, %parallel_loop3A_292 : vector<16xf32>
      %parallel_loop3A_294 = arith.constant 1.000000e+01 : f32
      %parallel_loop3A_295 = vector.broadcast %parallel_loop3A_294 : f32 to vector<16xf32>
      %parallel_loop3A_296 = arith.minimumf %parallel_loop3A_293, %parallel_loop3A_295 : vector<16xf32>
      %parallel_loop3A_297 = arith.index_cast %parallel_loop3A_227 : i32 to index
      %parallel_loop3A_298 = tpu.vector_load %arg16[%parallel_loop3A_297] {strides = array<i32>} : memref<10000xf32, #tpu.memory_space<vmem>>, vector<16xf32>,
      tpu.vector_store %arg16[%parallel_loop3A_297], %parallel_loop3A_296 {strides = array<i32>} : memref<10000xf32, #tpu.memory_space<vmem>>, vector<16xf32>,
      tpu.vector_store_idx %arg14[%parallel_loop3A_231], %parallel_loop3A_296 {add = true} : memref<10000xf32, #tpu.memory_space<vmem>>[vector<16xi32>], vector<16xf32>,
      %parallel_loop3A_299 = arith.constant 0.000000e+00 : f32
      %parallel_loop3A_300 = vector.broadcast %parallel_loop3A_299 : f32 to vector<16xf32>
      %parallel_loop3A_301 = arith.subf %parallel_loop3A_300, %parallel_loop3A_296 : vector<16xf32>
      tpu.vector_store_idx %arg14[%parallel_loop3A_229], %parallel_loop3A_301 {add = true} : memref<10000xf32, #tpu.memory_space<vmem>>[vector<16xi32>], vector<16xf32>,
    } {sc.loop_unroll_factor = 4 : i64, sc.parallel_access}
    %add3A_49 = arith.constant 0 : i32
    %add3A_50 = arith.addi %add3A_49, %mul3A_2 : i32
    %dma_start3A_51 = tpu.memref_slice %arg6[%add3A_50] : memref<1280000xf32, #tpu.memory_space<hbm>> -> memref<10000xf32, #tpu.memory_space<hbm>>
    %dma_start3A_52 = tpu.memref_slice %arg6[%add3A_50] : memref<1280000xf32, #tpu.memory_space<hbm>> -> memref<10000xf32, #tpu.memory_space<hbm>>
    tpu.enqueue_dma source(%arg16 : memref<10000xf32, #tpu.memory_space<vmem>>) target(%dma_start3A_52 : memref<10000xf32, #tpu.memory_space<hbm>>) target_semaphore(%arg20 : memref<!tpu.dma_semaphore, #tpu.memory_space<semaphore_mem>>)
    %mul3A_53 = arith.constant 4 : i32
    %mul3A_54 = arith.muli %add3A, %mul3A_53 : i32
    %add3A_55 = arith.constant 0 : i32
    %add3A_56 = arith.addi %mul3A_54, %add3A_55 : i32
    %dma_start3A_57 = arith.constant 0 : i32
    %dma_start3A_58 = tpu.memref_slice %arg7[%add3A_56, %dma_start3A_57] : memref<128x10000xf32, #tpu.memory_space<hbm>> -> memref<1x10000xf32, #tpu.memory_space<hbm>>
    %dma_start3A_59 = tpu.memref_squeeze %dma_start3A_58 : memref<1x10000xf32, #tpu.memory_space<hbm>> -> memref<10000xf32, #tpu.memory_space<hbm>>
    %dma_start3A_60 = arith.constant 0 : i32
    %dma_start3A_61 = tpu.memref_slice %arg7[%add3A_56, %dma_start3A_60] : memref<128x10000xf32, #tpu.memory_space<hbm>> -> memref<1x10000xf32, #tpu.memory_space<hbm>>
    %dma_start3A_62 = tpu.memref_squeeze %dma_start3A_61 : memref<1x10000xf32, #tpu.memory_space<hbm>> -> memref<10000xf32, #tpu.memory_space<hbm>>
    tpu.enqueue_dma source(%arg14 : memref<10000xf32, #tpu.memory_space<vmem>>) target(%dma_start3A_62 : memref<10000xf32, #tpu.memory_space<hbm>>) target_semaphore(%arg22 : memref<!tpu.dma_semaphore, #tpu.memory_space<semaphore_mem>>)
    %dma_wait3A_63 = arith.constant 1 : i32
    %dma_wait3A_64 = arith.constant 0 : i32
    %dma_wait3A_65 = tpu.memref_slice %arg2[%dma_wait3A_63, %dma_wait3A_64] : memref<4x10000xf32, #tpu.memory_space<hbm>> -> memref<1x10000xf32, #tpu.memory_space<hbm>>
    %dma_wait3A_66 = tpu.memref_squeeze %dma_wait3A_65 : memref<1x10000xf32, #tpu.memory_space<hbm>> -> memref<10000xf32, #tpu.memory_space<hbm>>
    %dma_wait3A_67 = arith.constant 0 : i32
    %dma_wait3A_68 = tpu.memref_slice %arg2[%dma_wait3A_63, %dma_wait3A_67] : memref<4x10000xf32, #tpu.memory_space<hbm>> -> memref<1x10000xf32, #tpu.memory_space<hbm>>
    %dma_wait3A_69 = tpu.memref_squeeze %dma_wait3A_68 : memref<1x10000xf32, #tpu.memory_space<hbm>> -> memref<10000xf32, #tpu.memory_space<hbm>>
    tpu.wait_dma2 semaphore(%arg18 : memref<!tpu.dma_semaphore, #tpu.memory_space<semaphore_mem>>) src(%dma_wait3A_69 : memref<10000xf32, #tpu.memory_space<hbm>>) dst(%arg11 : memref<10000xf32, #tpu.memory_space<vmem>>)
    %dma_wait3A_70 = arith.constant 1 : i32
    %dma_wait3A_71 = arith.constant 0 : i32
    %dma_wait3A_72 = tpu.memref_slice %arg3[%dma_wait3A_70, %dma_wait3A_71] : memref<4x10000xf32, #tpu.memory_space<hbm>> -> memref<1x10000xf32, #tpu.memory_space<hbm>>
    %dma_wait3A_73 = tpu.memref_squeeze %dma_wait3A_72 : memref<1x10000xf32, #tpu.memory_space<hbm>> -> memref<10000xf32, #tpu.memory_space<hbm>>
    %dma_wait3A_74 = arith.constant 0 : i32
    %dma_wait3A_75 = tpu.memref_slice %arg3[%dma_wait3A_70, %dma_wait3A_74] : memref<4x10000xf32, #tpu.memory_space<hbm>> -> memref<1x10000xf32, #tpu.memory_space<hbm>>
    %dma_wait3A_76 = tpu.memref_squeeze %dma_wait3A_75 : memref<1x10000xf32, #tpu.memory_space<hbm>> -> memref<10000xf32, #tpu.memory_space<hbm>>
    tpu.wait_dma2 semaphore(%arg19 : memref<!tpu.dma_semaphore, #tpu.memory_space<semaphore_mem>>) src(%dma_wait3A_76 : memref<10000xf32, #tpu.memory_space<hbm>>) dst(%arg13 : memref<10000xf32, #tpu.memory_space<vmem>>)
    %dma_start3A_77 = arith.constant 2 : i32
    %dma_start3A_78 = arith.constant 0 : i32
    %dma_start3A_79 = tpu.memref_slice %arg2[%dma_start3A_77, %dma_start3A_78] : memref<4x10000xf32, #tpu.memory_space<hbm>> -> memref<1x10000xf32, #tpu.memory_space<hbm>>
    %dma_start3A_80 = tpu.memref_squeeze %dma_start3A_79 : memref<1x10000xf32, #tpu.memory_space<hbm>> -> memref<10000xf32, #tpu.memory_space<hbm>>
    %dma_start3A_81 = arith.constant 0 : i32
    %dma_start3A_82 = tpu.memref_slice %arg2[%dma_start3A_77, %dma_start3A_81] : memref<4x10000xf32, #tpu.memory_space<hbm>> -> memref<1x10000xf32, #tpu.memory_space<hbm>>
    %dma_start3A_83 = tpu.memref_squeeze %dma_start3A_82 : memref<1x10000xf32, #tpu.memory_space<hbm>> -> memref<10000xf32, #tpu.memory_space<hbm>>
    tpu.enqueue_dma source(%dma_start3A_83 : memref<10000xf32, #tpu.memory_space<hbm>>) target(%arg10 : memref<10000xf32, #tpu.memory_space<vmem>>) target_semaphore(%arg18 : memref<!tpu.dma_semaphore, #tpu.memory_space<semaphore_mem>>)
    %dma_start3A_84 = arith.constant 2 : i32
    %dma_start3A_85 = arith.constant 0 : i32
    %dma_start3A_86 = tpu.memref_slice %arg3[%dma_start3A_84, %dma_start3A_85] : memref<4x10000xf32, #tpu.memory_space<hbm>> -> memref<1x10000xf32, #tpu.memory_space<hbm>>
    %dma_start3A_87 = tpu.memref_squeeze %dma_start3A_86 : memref<1x10000xf32, #tpu.memory_space<hbm>> -> memref<10000xf32, #tpu.memory_space<hbm>>
    %dma_start3A_88 = arith.constant 0 : i32
    %dma_start3A_89 = tpu.memref_slice %arg3[%dma_start3A_84, %dma_start3A_88] : memref<4x10000xf32, #tpu.memory_space<hbm>> -> memref<1x10000xf32, #tpu.memory_space<hbm>>
    %dma_start3A_90 = tpu.memref_squeeze %dma_start3A_89 : memref<1x10000xf32, #tpu.memory_space<hbm>> -> memref<10000xf32, #tpu.memory_space<hbm>>
    tpu.enqueue_dma source(%dma_start3A_90 : memref<10000xf32, #tpu.memory_space<hbm>>) target(%arg12 : memref<10000xf32, #tpu.memory_space<vmem>>) target_semaphore(%arg19 : memref<!tpu.dma_semaphore, #tpu.memory_space<semaphore_mem>>)
    %parallel_loop3A_91 = arith.constant 0 : i32
    %parallel_loop3A_92 = arith.constant 625 : i32
    %parallel_loop3A_93 = arith.constant 1 : i32
    scf.for %parallel_loop3A_225 = %parallel_loop3A_91 to %parallel_loop3A_92 step %parallel_loop3A_93  : i32 {
      %parallel_loop3A_226 = arith.constant 16 : i32
      %parallel_loop3A_227 = arith.muli %parallel_loop3A_225, %parallel_loop3A_226 : i32
      %parallel_loop3A_228 = arith.index_cast %parallel_loop3A_227 : i32 to index
      %parallel_loop3A_229 = tpu.vector_load %arg15[%parallel_loop3A_228] {strides = array<i32>} : memref<10000xf32, #tpu.memory_space<vmem>>, vector<16xf32>,
      tpu.vector_store %arg15[%parallel_loop3A_228], %broadcast_in_dim3A_16 {strides = array<i32>} : memref<10000xf32, #tpu.memory_space<vmem>>, vector<16xf32>,
    } {sc.loop_unroll_factor = 8 : i64, sc.parallel_access}
    %parallel_loop3A_94 = arith.constant 0 : i32
    %parallel_loop3A_95 = arith.constant 625 : i32
    %parallel_loop3A_96 = arith.constant 1 : i32
    scf.for %parallel_loop3A_225 = %parallel_loop3A_94 to %parallel_loop3A_95 step %parallel_loop3A_96  : i32 {
      %parallel_loop3A_226 = arith.constant 16 : i32
      %parallel_loop3A_227 = arith.muli %parallel_loop3A_225, %parallel_loop3A_226 : i32
      %parallel_loop3A_228 = arith.index_cast %parallel_loop3A_227 : i32 to index
      %parallel_loop3A_229 = tpu.vector_load %arg8[%parallel_loop3A_228] {strides = array<i32>} : memref<10000xi32, #tpu.memory_space<vmem>>, vector<16xi32>,
      %parallel_loop3A_230 = arith.index_cast %parallel_loop3A_227 : i32 to index
      %parallel_loop3A_231 = tpu.vector_load %arg9[%parallel_loop3A_230] {strides = array<i32>} : memref<10000xi32, #tpu.memory_space<vmem>>, vector<16xi32>,
      %parallel_loop3A_232 = tpu.vector_load_idx %arg11[%parallel_loop3A_229] : memref<10000xf32, #tpu.memory_space<vmem>>[vector<16xi32>], vector<16xf32>,
      %parallel_loop3A_233 = tpu.vector_load_idx %arg11[%parallel_loop3A_231] : memref<10000xf32, #tpu.memory_space<vmem>>[vector<16xi32>], vector<16xf32>,
      %parallel_loop3A_234 = tpu.vector_load_idx %arg13[%parallel_loop3A_229] : memref<10000xf32, #tpu.memory_space<vmem>>[vector<16xi32>], vector<16xf32>,
      %parallel_loop3A_235 = arith.subf %parallel_loop3A_232, %parallel_loop3A_233 : vector<16xf32>
      %parallel_loop3A_236 = math.absf %parallel_loop3A_235 : vector<16xf32>
      %parallel_loop3A_237 = arith.constant 9.99999997E-7 : f32
      %parallel_loop3A_238 = vector.broadcast %parallel_loop3A_237 : f32 to vector<16xf32>
      %parallel_loop3A_239 = arith.addf %parallel_loop3A_236, %parallel_loop3A_238 : vector<16xf32>
      %parallel_loop3A_240 = vector.bitcast %parallel_loop3A_239 : vector<16xf32> to vector<16xi32>
      %parallel_loop3A_241 = arith.constant 1 : i32
      %parallel_loop3A_242 = vector.broadcast %parallel_loop3A_241 : i32 to vector<16xi32>
      %parallel_loop3A_243 = arith.shrsi %parallel_loop3A_240, %parallel_loop3A_242 : vector<16xi32>
      %parallel_loop3A_244 = arith.constant 1597463007 : i32
      %parallel_loop3A_245 = vector.broadcast %parallel_loop3A_244 : i32 to vector<16xi32>
      %parallel_loop3A_246 = arith.subi %parallel_loop3A_245, %parallel_loop3A_243 : vector<16xi32>
      %parallel_loop3A_247 = vector.bitcast %parallel_loop3A_246 : vector<16xi32> to vector<16xf32>
      %parallel_loop3A_248 = arith.constant 5.000000e-01 : f32
      %parallel_loop3A_249 = vector.broadcast %parallel_loop3A_248 : f32 to vector<16xf32>
      %parallel_loop3A_250 = arith.mulf %parallel_loop3A_249, %parallel_loop3A_239 : vector<16xf32>
      %parallel_loop3A_251 = arith.mulf %parallel_loop3A_250, %parallel_loop3A_247 : vector<16xf32>
      %parallel_loop3A_252 = arith.mulf %parallel_loop3A_251, %parallel_loop3A_247 : vector<16xf32>
      %parallel_loop3A_253 = arith.constant 1.500000e+00 : f32
      %parallel_loop3A_254 = vector.broadcast %parallel_loop3A_253 : f32 to vector<16xf32>
      %parallel_loop3A_255 = arith.subf %parallel_loop3A_254, %parallel_loop3A_252 : vector<16xf32>
      %parallel_loop3A_256 = arith.mulf %parallel_loop3A_247, %parallel_loop3A_255 : vector<16xf32>
      %parallel_loop3A_257 = arith.constant 5.000000e-01 : f32
      %parallel_loop3A_258 = vector.broadcast %parallel_loop3A_257 : f32 to vector<16xf32>
      %parallel_loop3A_259 = arith.mulf %parallel_loop3A_258, %parallel_loop3A_239 : vector<16xf32>
      %parallel_loop3A_260 = arith.mulf %parallel_loop3A_259, %parallel_loop3A_256 : vector<16xf32>
      %parallel_loop3A_261 = arith.mulf %parallel_loop3A_260, %parallel_loop3A_256 : vector<16xf32>
      %parallel_loop3A_262 = arith.constant 1.500000e+00 : f32
      %parallel_loop3A_263 = vector.broadcast %parallel_loop3A_262 : f32 to vector<16xf32>
      %parallel_loop3A_264 = arith.subf %parallel_loop3A_263, %parallel_loop3A_261 : vector<16xf32>
      %parallel_loop3A_265 = arith.mulf %parallel_loop3A_256, %parallel_loop3A_264 : vector<16xf32>
      %parallel_loop3A_266 = arith.constant 5.000000e-01 : f32
      %parallel_loop3A_267 = vector.broadcast %parallel_loop3A_266 : f32 to vector<16xf32>
      %parallel_loop3A_268 = arith.mulf %parallel_loop3A_267, %parallel_loop3A_239 : vector<16xf32>
      %parallel_loop3A_269 = arith.mulf %parallel_loop3A_268, %parallel_loop3A_265 : vector<16xf32>
      %parallel_loop3A_270 = arith.mulf %parallel_loop3A_269, %parallel_loop3A_265 : vector<16xf32>
      %parallel_loop3A_271 = arith.constant 1.500000e+00 : f32
      %parallel_loop3A_272 = vector.broadcast %parallel_loop3A_271 : f32 to vector<16xf32>
      %parallel_loop3A_273 = arith.subf %parallel_loop3A_272, %parallel_loop3A_270 : vector<16xf32>
      %parallel_loop3A_274 = arith.mulf %parallel_loop3A_265, %parallel_loop3A_273 : vector<16xf32>
      %parallel_loop3A_275 = arith.mulf %parallel_loop3A_239, %parallel_loop3A_274 : vector<16xf32>
      %parallel_loop3A_276 = tpu.bitcast %parallel_loop3A_235 : vector<16xf32> -> vector<16xi32>
      %parallel_loop3A_277 = arith.constant -2147483648 : i32
      %parallel_loop3A_278 = vector.broadcast %parallel_loop3A_277 : i32 to vector<16xi32>
      %parallel_loop3A_279 = arith.andi %parallel_loop3A_276, %parallel_loop3A_278 : vector<16xi32>
      %parallel_loop3A_280 = arith.constant 1065353216 : i32
      %parallel_loop3A_281 = vector.broadcast %parallel_loop3A_280 : i32 to vector<16xi32>
      %parallel_loop3A_282 = arith.ori %parallel_loop3A_281, %parallel_loop3A_279 : vector<16xi32>
      %parallel_loop3A_283 = tpu.bitcast %parallel_loop3A_282 : vector<16xi32> -> vector<16xf32>
      %parallel_loop3A_284 = math.absf %parallel_loop3A_235 : vector<16xf32>
      %parallel_loop3A_285 = arith.constant 0.000000e+00 : f32
      %parallel_loop3A_286 = vector.broadcast %parallel_loop3A_285 : f32 to vector<16xf32>
      %parallel_loop3A_287 = arith.cmpf ogt, %parallel_loop3A_284, %parallel_loop3A_286 : vector<16xf32>
      %parallel_loop3A_288 = arith.select %parallel_loop3A_287, %parallel_loop3A_283, %parallel_loop3A_235 : vector<16xi1>, vector<16xf32>
      %parallel_loop3A_289 = arith.mulf %parallel_loop3A_234, %parallel_loop3A_288 : vector<16xf32>
      %parallel_loop3A_290 = arith.mulf %parallel_loop3A_289, %parallel_loop3A_275 : vector<16xf32>
      %parallel_loop3A_291 = arith.constant -1.000000e+01 : f32
      %parallel_loop3A_292 = vector.broadcast %parallel_loop3A_291 : f32 to vector<16xf32>
      %parallel_loop3A_293 = arith.maximumf %parallel_loop3A_290, %parallel_loop3A_292 : vector<16xf32>
      %parallel_loop3A_294 = arith.constant 1.000000e+01 : f32
      %parallel_loop3A_295 = vector.broadcast %parallel_loop3A_294 : f32 to vector<16xf32>
      %parallel_loop3A_296 = arith.minimumf %parallel_loop3A_293, %parallel_loop3A_295 : vector<16xf32>
      %parallel_loop3A_297 = arith.index_cast %parallel_loop3A_227 : i32 to index
      %parallel_loop3A_298 = tpu.vector_load %arg17[%parallel_loop3A_297] {strides = array<i32>} : memref<10000xf32, #tpu.memory_space<vmem>>, vector<16xf32>,
      tpu.vector_store %arg17[%parallel_loop3A_297], %parallel_loop3A_296 {strides = array<i32>} : memref<10000xf32, #tpu.memory_space<vmem>>, vector<16xf32>,
      tpu.vector_store_idx %arg15[%parallel_loop3A_231], %parallel_loop3A_296 {add = true} : memref<10000xf32, #tpu.memory_space<vmem>>[vector<16xi32>], vector<16xf32>,
      %parallel_loop3A_299 = arith.constant 0.000000e+00 : f32
      %parallel_loop3A_300 = vector.broadcast %parallel_loop3A_299 : f32 to vector<16xf32>
      %parallel_loop3A_301 = arith.subf %parallel_loop3A_300, %parallel_loop3A_296 : vector<16xf32>
      tpu.vector_store_idx %arg15[%parallel_loop3A_229], %parallel_loop3A_301 {add = true} : memref<10000xf32, #tpu.memory_space<vmem>>[vector<16xi32>], vector<16xf32>,
    } {sc.loop_unroll_factor = 4 : i64, sc.parallel_access}
    %add3A_97 = arith.constant 320000 : i32
    %add3A_98 = arith.addi %add3A_97, %mul3A_2 : i32
    %dma_start3A_99 = tpu.memref_slice %arg6[%add3A_98] : memref<1280000xf32, #tpu.memory_space<hbm>> -> memref<10000xf32, #tpu.memory_space<hbm>>
    %dma_start3A_100 = tpu.memref_slice %arg6[%add3A_98] : memref<1280000xf32, #tpu.memory_space<hbm>> -> memref<10000xf32, #tpu.memory_space<hbm>>
    tpu.enqueue_dma source(%arg17 : memref<10000xf32, #tpu.memory_space<vmem>>) target(%dma_start3A_100 : memref<10000xf32, #tpu.memory_space<hbm>>) target_semaphore(%arg21 : memref<!tpu.dma_semaphore, #tpu.memory_space<semaphore_mem>>)
    %mul3A_101 = arith.constant 4 : i32
    %mul3A_102 = arith.muli %add3A, %mul3A_101 : i32
    %add3A_103 = arith.constant 1 : i32
    %add3A_104 = arith.addi %mul3A_102, %add3A_103 : i32
    %dma_start3A_105 = arith.constant 0 : i32
    %dma_start3A_106 = tpu.memref_slice %arg7[%add3A_104, %dma_start3A_105] : memref<128x10000xf32, #tpu.memory_space<hbm>> -> memref<1x10000xf32, #tpu.memory_space<hbm>>
    %dma_start3A_107 = tpu.memref_squeeze %dma_start3A_106 : memref<1x10000xf32, #tpu.memory_space<hbm>> -> memref<10000xf32, #tpu.memory_space<hbm>>
    %dma_start3A_108 = arith.constant 0 : i32
    %dma_start3A_109 = tpu.memref_slice %arg7[%add3A_104, %dma_start3A_108] : memref<128x10000xf32, #tpu.memory_space<hbm>> -> memref<1x10000xf32, #tpu.memory_space<hbm>>
    %dma_start3A_110 = tpu.memref_squeeze %dma_start3A_109 : memref<1x10000xf32, #tpu.memory_space<hbm>> -> memref<10000xf32, #tpu.memory_space<hbm>>
    tpu.enqueue_dma source(%arg15 : memref<10000xf32, #tpu.memory_space<vmem>>) target(%dma_start3A_110 : memref<10000xf32, #tpu.memory_space<hbm>>) target_semaphore(%arg23 : memref<!tpu.dma_semaphore, #tpu.memory_space<semaphore_mem>>)
    %dma_wait3A_111 = arith.constant 2 : i32
    %dma_wait3A_112 = arith.constant 0 : i32
    %dma_wait3A_113 = tpu.memref_slice %arg2[%dma_wait3A_111, %dma_wait3A_112] : memref<4x10000xf32, #tpu.memory_space<hbm>> -> memref<1x10000xf32, #tpu.memory_space<hbm>>
    %dma_wait3A_114 = tpu.memref_squeeze %dma_wait3A_113 : memref<1x10000xf32, #tpu.memory_space<hbm>> -> memref<10000xf32, #tpu.memory_space<hbm>>
    %dma_wait3A_115 = arith.constant 0 : i32
    %dma_wait3A_116 = tpu.memref_slice %arg2[%dma_wait3A_111, %dma_wait3A_115] : memref<4x10000xf32, #tpu.memory_space<hbm>> -> memref<1x10000xf32, #tpu.memory_space<hbm>>
    %dma_wait3A_117 = tpu.memref_squeeze %dma_wait3A_116 : memref<1x10000xf32, #tpu.memory_space<hbm>> -> memref<10000xf32, #tpu.memory_space<hbm>>
    tpu.wait_dma2 semaphore(%arg18 : memref<!tpu.dma_semaphore, #tpu.memory_space<semaphore_mem>>) src(%dma_wait3A_117 : memref<10000xf32, #tpu.memory_space<hbm>>) dst(%arg10 : memref<10000xf32, #tpu.memory_space<vmem>>)
    %dma_wait3A_118 = arith.constant 2 : i32
    %dma_wait3A_119 = arith.constant 0 : i32
    %dma_wait3A_120 = tpu.memref_slice %arg3[%dma_wait3A_118, %dma_wait3A_119] : memref<4x10000xf32, #tpu.memory_space<hbm>> -> memref<1x10000xf32, #tpu.memory_space<hbm>>
    %dma_wait3A_121 = tpu.memref_squeeze %dma_wait3A_120 : memref<1x10000xf32, #tpu.memory_space<hbm>> -> memref<10000xf32, #tpu.memory_space<hbm>>
    %dma_wait3A_122 = arith.constant 0 : i32
    %dma_wait3A_123 = tpu.memref_slice %arg3[%dma_wait3A_118, %dma_wait3A_122] : memref<4x10000xf32, #tpu.memory_space<hbm>> -> memref<1x10000xf32, #tpu.memory_space<hbm>>
    %dma_wait3A_124 = tpu.memref_squeeze %dma_wait3A_123 : memref<1x10000xf32, #tpu.memory_space<hbm>> -> memref<10000xf32, #tpu.memory_space<hbm>>
    tpu.wait_dma2 semaphore(%arg19 : memref<!tpu.dma_semaphore, #tpu.memory_space<semaphore_mem>>) src(%dma_wait3A_124 : memref<10000xf32, #tpu.memory_space<hbm>>) dst(%arg12 : memref<10000xf32, #tpu.memory_space<vmem>>)
    %dma_start3A_125 = arith.constant 3 : i32
    %dma_start3A_126 = arith.constant 0 : i32
    %dma_start3A_127 = tpu.memref_slice %arg2[%dma_start3A_125, %dma_start3A_126] : memref<4x10000xf32, #tpu.memory_space<hbm>> -> memref<1x10000xf32, #tpu.memory_space<hbm>>
    %dma_start3A_128 = tpu.memref_squeeze %dma_start3A_127 : memref<1x10000xf32, #tpu.memory_space<hbm>> -> memref<10000xf32, #tpu.memory_space<hbm>>
    %dma_start3A_129 = arith.constant 0 : i32
    %dma_start3A_130 = tpu.memref_slice %arg2[%dma_start3A_125, %dma_start3A_129] : memref<4x10000xf32, #tpu.memory_space<hbm>> -> memref<1x10000xf32, #tpu.memory_space<hbm>>
    %dma_start3A_131 = tpu.memref_squeeze %dma_start3A_130 : memref<1x10000xf32, #tpu.memory_space<hbm>> -> memref<10000xf32, #tpu.memory_space<hbm>>
    tpu.enqueue_dma source(%dma_start3A_131 : memref<10000xf32, #tpu.memory_space<hbm>>) target(%arg11 : memref<10000xf32, #tpu.memory_space<vmem>>) target_semaphore(%arg18 : memref<!tpu.dma_semaphore, #tpu.memory_space<semaphore_mem>>)
    %dma_start3A_132 = arith.constant 3 : i32
    %dma_start3A_133 = arith.constant 0 : i32
    %dma_start3A_134 = tpu.memref_slice %arg3[%dma_start3A_132, %dma_start3A_133] : memref<4x10000xf32, #tpu.memory_space<hbm>> -> memref<1x10000xf32, #tpu.memory_space<hbm>>
    %dma_start3A_135 = tpu.memref_squeeze %dma_start3A_134 : memref<1x10000xf32, #tpu.memory_space<hbm>> -> memref<10000xf32, #tpu.memory_space<hbm>>
    %dma_start3A_136 = arith.constant 0 : i32
    %dma_start3A_137 = tpu.memref_slice %arg3[%dma_start3A_132, %dma_start3A_136] : memref<4x10000xf32, #tpu.memory_space<hbm>> -> memref<1x10000xf32, #tpu.memory_space<hbm>>
    %dma_start3A_138 = tpu.memref_squeeze %dma_start3A_137 : memref<1x10000xf32, #tpu.memory_space<hbm>> -> memref<10000xf32, #tpu.memory_space<hbm>>
    tpu.enqueue_dma source(%dma_start3A_138 : memref<10000xf32, #tpu.memory_space<hbm>>) target(%arg13 : memref<10000xf32, #tpu.memory_space<vmem>>) target_semaphore(%arg19 : memref<!tpu.dma_semaphore, #tpu.memory_space<semaphore_mem>>)
    %dma_wait3A_139 = tpu.memref_slice %arg6[%add3A_50] : memref<1280000xf32, #tpu.memory_space<hbm>> -> memref<10000xf32, #tpu.memory_space<hbm>>
    %dma_wait3A_140 = tpu.memref_slice %arg6[%add3A_50] : memref<1280000xf32, #tpu.memory_space<hbm>> -> memref<10000xf32, #tpu.memory_space<hbm>>
    tpu.wait_dma2 semaphore(%arg20 : memref<!tpu.dma_semaphore, #tpu.memory_space<semaphore_mem>>) src(%arg16 : memref<10000xf32, #tpu.memory_space<vmem>>) dst(%dma_wait3A_140 : memref<10000xf32, #tpu.memory_space<hbm>>)
    %dma_wait3A_141 = arith.constant 0 : i32
    %dma_wait3A_142 = tpu.memref_slice %arg7[%add3A_56, %dma_wait3A_141] : memref<128x10000xf32, #tpu.memory_space<hbm>> -> memref<1x10000xf32, #tpu.memory_space<hbm>>
    %dma_wait3A_143 = tpu.memref_squeeze %dma_wait3A_142 : memref<1x10000xf32, #tpu.memory_space<hbm>> -> memref<10000xf32, #tpu.memory_space<hbm>>
    %dma_wait3A_144 = arith.constant 0 : i32
    %dma_wait3A_145 = tpu.memref_slice %arg7[%add3A_56, %dma_wait3A_144] : memref<128x10000xf32, #tpu.memory_space<hbm>> -> memref<1x10000xf32, #tpu.memory_space<hbm>>
    %dma_wait3A_146 = tpu.memref_squeeze %dma_wait3A_145 : memref<1x10000xf32, #tpu.memory_space<hbm>> -> memref<10000xf32, #tpu.memory_space<hbm>>
    tpu.wait_dma2 semaphore(%arg22 : memref<!tpu.dma_semaphore, #tpu.memory_space<semaphore_mem>>) src(%arg14 : memref<10000xf32, #tpu.memory_space<vmem>>) dst(%dma_wait3A_146 : memref<10000xf32, #tpu.memory_space<hbm>>)
    %parallel_loop3A_147 = arith.constant 0 : i32
    %parallel_loop3A_148 = arith.constant 625 : i32
    %parallel_loop3A_149 = arith.constant 1 : i32
    scf.for %parallel_loop3A_225 = %parallel_loop3A_147 to %parallel_loop3A_148 step %parallel_loop3A_149  : i32 {
      %parallel_loop3A_226 = arith.constant 16 : i32
      %parallel_loop3A_227 = arith.muli %parallel_loop3A_225, %parallel_loop3A_226 : i32
      %parallel_loop3A_228 = arith.index_cast %parallel_loop3A_227 : i32 to index
      %parallel_loop3A_229 = tpu.vector_load %arg14[%parallel_loop3A_228] {strides = array<i32>} : memref<10000xf32, #tpu.memory_space<vmem>>, vector<16xf32>,
      tpu.vector_store %arg14[%parallel_loop3A_228], %broadcast_in_dim3A_16 {strides = array<i32>} : memref<10000xf32, #tpu.memory_space<vmem>>, vector<16xf32>,
    } {sc.loop_unroll_factor = 8 : i64, sc.parallel_access}
    %parallel_loop3A_150 = arith.constant 0 : i32
    %parallel_loop3A_151 = arith.constant 625 : i32
    %parallel_loop3A_152 = arith.constant 1 : i32
    scf.for %parallel_loop3A_225 = %parallel_loop3A_150 to %parallel_loop3A_151 step %parallel_loop3A_152  : i32 {
      %parallel_loop3A_226 = arith.constant 16 : i32
      %parallel_loop3A_227 = arith.muli %parallel_loop3A_225, %parallel_loop3A_226 : i32
      %parallel_loop3A_228 = arith.index_cast %parallel_loop3A_227 : i32 to index
      %parallel_loop3A_229 = tpu.vector_load %arg8[%parallel_loop3A_228] {strides = array<i32>} : memref<10000xi32, #tpu.memory_space<vmem>>, vector<16xi32>,
      %parallel_loop3A_230 = arith.index_cast %parallel_loop3A_227 : i32 to index
      %parallel_loop3A_231 = tpu.vector_load %arg9[%parallel_loop3A_230] {strides = array<i32>} : memref<10000xi32, #tpu.memory_space<vmem>>, vector<16xi32>,
      %parallel_loop3A_232 = tpu.vector_load_idx %arg10[%parallel_loop3A_229] : memref<10000xf32, #tpu.memory_space<vmem>>[vector<16xi32>], vector<16xf32>,
      %parallel_loop3A_233 = tpu.vector_load_idx %arg10[%parallel_loop3A_231] : memref<10000xf32, #tpu.memory_space<vmem>>[vector<16xi32>], vector<16xf32>,
      %parallel_loop3A_234 = tpu.vector_load_idx %arg12[%parallel_loop3A_229] : memref<10000xf32, #tpu.memory_space<vmem>>[vector<16xi32>], vector<16xf32>,
      %parallel_loop3A_235 = arith.subf %parallel_loop3A_232, %parallel_loop3A_233 : vector<16xf32>
      %parallel_loop3A_236 = math.absf %parallel_loop3A_235 : vector<16xf32>
      %parallel_loop3A_237 = arith.constant 9.99999997E-7 : f32
      %parallel_loop3A_238 = vector.broadcast %parallel_loop3A_237 : f32 to vector<16xf32>
      %parallel_loop3A_239 = arith.addf %parallel_loop3A_236, %parallel_loop3A_238 : vector<16xf32>
      %parallel_loop3A_240 = vector.bitcast %parallel_loop3A_239 : vector<16xf32> to vector<16xi32>
      %parallel_loop3A_241 = arith.constant 1 : i32
      %parallel_loop3A_242 = vector.broadcast %parallel_loop3A_241 : i32 to vector<16xi32>
      %parallel_loop3A_243 = arith.shrsi %parallel_loop3A_240, %parallel_loop3A_242 : vector<16xi32>
      %parallel_loop3A_244 = arith.constant 1597463007 : i32
      %parallel_loop3A_245 = vector.broadcast %parallel_loop3A_244 : i32 to vector<16xi32>
      %parallel_loop3A_246 = arith.subi %parallel_loop3A_245, %parallel_loop3A_243 : vector<16xi32>
      %parallel_loop3A_247 = vector.bitcast %parallel_loop3A_246 : vector<16xi32> to vector<16xf32>
      %parallel_loop3A_248 = arith.constant 5.000000e-01 : f32
      %parallel_loop3A_249 = vector.broadcast %parallel_loop3A_248 : f32 to vector<16xf32>
      %parallel_loop3A_250 = arith.mulf %parallel_loop3A_249, %parallel_loop3A_239 : vector<16xf32>
      %parallel_loop3A_251 = arith.mulf %parallel_loop3A_250, %parallel_loop3A_247 : vector<16xf32>
      %parallel_loop3A_252 = arith.mulf %parallel_loop3A_251, %parallel_loop3A_247 : vector<16xf32>
      %parallel_loop3A_253 = arith.constant 1.500000e+00 : f32
      %parallel_loop3A_254 = vector.broadcast %parallel_loop3A_253 : f32 to vector<16xf32>
      %parallel_loop3A_255 = arith.subf %parallel_loop3A_254, %parallel_loop3A_252 : vector<16xf32>
      %parallel_loop3A_256 = arith.mulf %parallel_loop3A_247, %parallel_loop3A_255 : vector<16xf32>
      %parallel_loop3A_257 = arith.constant 5.000000e-01 : f32
      %parallel_loop3A_258 = vector.broadcast %parallel_loop3A_257 : f32 to vector<16xf32>
      %parallel_loop3A_259 = arith.mulf %parallel_loop3A_258, %parallel_loop3A_239 : vector<16xf32>
      %parallel_loop3A_260 = arith.mulf %parallel_loop3A_259, %parallel_loop3A_256 : vector<16xf32>
      %parallel_loop3A_261 = arith.mulf %parallel_loop3A_260, %parallel_loop3A_256 : vector<16xf32>
      %parallel_loop3A_262 = arith.constant 1.500000e+00 : f32
      %parallel_loop3A_263 = vector.broadcast %parallel_loop3A_262 : f32 to vector<16xf32>
      %parallel_loop3A_264 = arith.subf %parallel_loop3A_263, %parallel_loop3A_261 : vector<16xf32>
      %parallel_loop3A_265 = arith.mulf %parallel_loop3A_256, %parallel_loop3A_264 : vector<16xf32>
      %parallel_loop3A_266 = arith.constant 5.000000e-01 : f32
      %parallel_loop3A_267 = vector.broadcast %parallel_loop3A_266 : f32 to vector<16xf32>
      %parallel_loop3A_268 = arith.mulf %parallel_loop3A_267, %parallel_loop3A_239 : vector<16xf32>
      %parallel_loop3A_269 = arith.mulf %parallel_loop3A_268, %parallel_loop3A_265 : vector<16xf32>
      %parallel_loop3A_270 = arith.mulf %parallel_loop3A_269, %parallel_loop3A_265 : vector<16xf32>
      %parallel_loop3A_271 = arith.constant 1.500000e+00 : f32
      %parallel_loop3A_272 = vector.broadcast %parallel_loop3A_271 : f32 to vector<16xf32>
      %parallel_loop3A_273 = arith.subf %parallel_loop3A_272, %parallel_loop3A_270 : vector<16xf32>
      %parallel_loop3A_274 = arith.mulf %parallel_loop3A_265, %parallel_loop3A_273 : vector<16xf32>
      %parallel_loop3A_275 = arith.mulf %parallel_loop3A_239, %parallel_loop3A_274 : vector<16xf32>
      %parallel_loop3A_276 = tpu.bitcast %parallel_loop3A_235 : vector<16xf32> -> vector<16xi32>
      %parallel_loop3A_277 = arith.constant -2147483648 : i32
      %parallel_loop3A_278 = vector.broadcast %parallel_loop3A_277 : i32 to vector<16xi32>
      %parallel_loop3A_279 = arith.andi %parallel_loop3A_276, %parallel_loop3A_278 : vector<16xi32>
      %parallel_loop3A_280 = arith.constant 1065353216 : i32
      %parallel_loop3A_281 = vector.broadcast %parallel_loop3A_280 : i32 to vector<16xi32>
      %parallel_loop3A_282 = arith.ori %parallel_loop3A_281, %parallel_loop3A_279 : vector<16xi32>
      %parallel_loop3A_283 = tpu.bitcast %parallel_loop3A_282 : vector<16xi32> -> vector<16xf32>
      %parallel_loop3A_284 = math.absf %parallel_loop3A_235 : vector<16xf32>
      %parallel_loop3A_285 = arith.constant 0.000000e+00 : f32
      %parallel_loop3A_286 = vector.broadcast %parallel_loop3A_285 : f32 to vector<16xf32>
      %parallel_loop3A_287 = arith.cmpf ogt, %parallel_loop3A_284, %parallel_loop3A_286 : vector<16xf32>
      %parallel_loop3A_288 = arith.select %parallel_loop3A_287, %parallel_loop3A_283, %parallel_loop3A_235 : vector<16xi1>, vector<16xf32>
      %parallel_loop3A_289 = arith.mulf %parallel_loop3A_234, %parallel_loop3A_288 : vector<16xf32>
      %parallel_loop3A_290 = arith.mulf %parallel_loop3A_289, %parallel_loop3A_275 : vector<16xf32>
      %parallel_loop3A_291 = arith.constant -1.000000e+01 : f32
      %parallel_loop3A_292 = vector.broadcast %parallel_loop3A_291 : f32 to vector<16xf32>
      %parallel_loop3A_293 = arith.maximumf %parallel_loop3A_290, %parallel_loop3A_292 : vector<16xf32>
      %parallel_loop3A_294 = arith.constant 1.000000e+01 : f32
      %parallel_loop3A_295 = vector.broadcast %parallel_loop3A_294 : f32 to vector<16xf32>
      %parallel_loop3A_296 = arith.minimumf %parallel_loop3A_293, %parallel_loop3A_295 : vector<16xf32>
      %parallel_loop3A_297 = arith.index_cast %parallel_loop3A_227 : i32 to index
      %parallel_loop3A_298 = tpu.vector_load %arg16[%parallel_loop3A_297] {strides = array<i32>} : memref<10000xf32, #tpu.memory_space<vmem>>, vector<16xf32>,
      tpu.vector_store %arg16[%parallel_loop3A_297], %parallel_loop3A_296 {strides = array<i32>} : memref<10000xf32, #tpu.memory_space<vmem>>, vector<16xf32>,
      tpu.vector_store_idx %arg14[%parallel_loop3A_231], %parallel_loop3A_296 {add = true} : memref<10000xf32, #tpu.memory_space<vmem>>[vector<16xi32>], vector<16xf32>,
      %parallel_loop3A_299 = arith.constant 0.000000e+00 : f32
      %parallel_loop3A_300 = vector.broadcast %parallel_loop3A_299 : f32 to vector<16xf32>
      %parallel_loop3A_301 = arith.subf %parallel_loop3A_300, %parallel_loop3A_296 : vector<16xf32>
      tpu.vector_store_idx %arg14[%parallel_loop3A_229], %parallel_loop3A_301 {add = true} : memref<10000xf32, #tpu.memory_space<vmem>>[vector<16xi32>], vector<16xf32>,
    } {sc.loop_unroll_factor = 4 : i64, sc.parallel_access}
    %add3A_153 = arith.constant 640000 : i32
    %add3A_154 = arith.addi %add3A_153, %mul3A_2 : i32
    %dma_start3A_155 = tpu.memref_slice %arg6[%add3A_154] : memref<1280000xf32, #tpu.memory_space<hbm>> -> memref<10000xf32, #tpu.memory_space<hbm>>
    %dma_start3A_156 = tpu.memref_slice %arg6[%add3A_154] : memref<1280000xf32, #tpu.memory_space<hbm>> -> memref<10000xf32, #tpu.memory_space<hbm>>
    tpu.enqueue_dma source(%arg16 : memref<10000xf32, #tpu.memory_space<vmem>>) target(%dma_start3A_156 : memref<10000xf32, #tpu.memory_space<hbm>>) target_semaphore(%arg20 : memref<!tpu.dma_semaphore, #tpu.memory_space<semaphore_mem>>)
    %mul3A_157 = arith.constant 4 : i32
    %mul3A_158 = arith.muli %add3A, %mul3A_157 : i32
    %add3A_159 = arith.constant 2 : i32
    %add3A_160 = arith.addi %mul3A_158, %add3A_159 : i32
    %dma_start3A_161 = arith.constant 0 : i32
    %dma_start3A_162 = tpu.memref_slice %arg7[%add3A_160, %dma_start3A_161] : memref<128x10000xf32, #tpu.memory_space<hbm>> -> memref<1x10000xf32, #tpu.memory_space<hbm>>
    %dma_start3A_163 = tpu.memref_squeeze %dma_start3A_162 : memref<1x10000xf32, #tpu.memory_space<hbm>> -> memref<10000xf32, #tpu.memory_space<hbm>>
    %dma_start3A_164 = arith.constant 0 : i32
    %dma_start3A_165 = tpu.memref_slice %arg7[%add3A_160, %dma_start3A_164] : memref<128x10000xf32, #tpu.memory_space<hbm>> -> memref<1x10000xf32, #tpu.memory_space<hbm>>
    %dma_start3A_166 = tpu.memref_squeeze %dma_start3A_165 : memref<1x10000xf32, #tpu.memory_space<hbm>> -> memref<10000xf32, #tpu.memory_space<hbm>>
    tpu.enqueue_dma source(%arg14 : memref<10000xf32, #tpu.memory_space<vmem>>) target(%dma_start3A_166 : memref<10000xf32, #tpu.memory_space<hbm>>) target_semaphore(%arg22 : memref<!tpu.dma_semaphore, #tpu.memory_space<semaphore_mem>>)
    %dma_wait3A_167 = arith.constant 3 : i32
    %dma_wait3A_168 = arith.constant 0 : i32
    %dma_wait3A_169 = tpu.memref_slice %arg2[%dma_wait3A_167, %dma_wait3A_168] : memref<4x10000xf32, #tpu.memory_space<hbm>> -> memref<1x10000xf32, #tpu.memory_space<hbm>>
    %dma_wait3A_170 = tpu.memref_squeeze %dma_wait3A_169 : memref<1x10000xf32, #tpu.memory_space<hbm>> -> memref<10000xf32, #tpu.memory_space<hbm>>
    %dma_wait3A_171 = arith.constant 0 : i32
    %dma_wait3A_172 = tpu.memref_slice %arg2[%dma_wait3A_167, %dma_wait3A_171] : memref<4x10000xf32, #tpu.memory_space<hbm>> -> memref<1x10000xf32, #tpu.memory_space<hbm>>
    %dma_wait3A_173 = tpu.memref_squeeze %dma_wait3A_172 : memref<1x10000xf32, #tpu.memory_space<hbm>> -> memref<10000xf32, #tpu.memory_space<hbm>>
    tpu.wait_dma2 semaphore(%arg18 : memref<!tpu.dma_semaphore, #tpu.memory_space<semaphore_mem>>) src(%dma_wait3A_173 : memref<10000xf32, #tpu.memory_space<hbm>>) dst(%arg11 : memref<10000xf32, #tpu.memory_space<vmem>>)
    %dma_wait3A_174 = arith.constant 3 : i32
    %dma_wait3A_175 = arith.constant 0 : i32
    %dma_wait3A_176 = tpu.memref_slice %arg3[%dma_wait3A_174, %dma_wait3A_175] : memref<4x10000xf32, #tpu.memory_space<hbm>> -> memref<1x10000xf32, #tpu.memory_space<hbm>>
    %dma_wait3A_177 = tpu.memref_squeeze %dma_wait3A_176 : memref<1x10000xf32, #tpu.memory_space<hbm>> -> memref<10000xf32, #tpu.memory_space<hbm>>
    %dma_wait3A_178 = arith.constant 0 : i32
    %dma_wait3A_179 = tpu.memref_slice %arg3[%dma_wait3A_174, %dma_wait3A_178] : memref<4x10000xf32, #tpu.memory_space<hbm>> -> memref<1x10000xf32, #tpu.memory_space<hbm>>
    %dma_wait3A_180 = tpu.memref_squeeze %dma_wait3A_179 : memref<1x10000xf32, #tpu.memory_space<hbm>> -> memref<10000xf32, #tpu.memory_space<hbm>>
    tpu.wait_dma2 semaphore(%arg19 : memref<!tpu.dma_semaphore, #tpu.memory_space<semaphore_mem>>) src(%dma_wait3A_180 : memref<10000xf32, #tpu.memory_space<hbm>>) dst(%arg13 : memref<10000xf32, #tpu.memory_space<vmem>>)
    %dma_wait3A_181 = tpu.memref_slice %arg6[%add3A_98] : memref<1280000xf32, #tpu.memory_space<hbm>> -> memref<10000xf32, #tpu.memory_space<hbm>>
    %dma_wait3A_182 = tpu.memref_slice %arg6[%add3A_98] : memref<1280000xf32, #tpu.memory_space<hbm>> -> memref<10000xf32, #tpu.memory_space<hbm>>
    tpu.wait_dma2 semaphore(%arg21 : memref<!tpu.dma_semaphore, #tpu.memory_space<semaphore_mem>>) src(%arg17 : memref<10000xf32, #tpu.memory_space<vmem>>) dst(%dma_wait3A_182 : memref<10000xf32, #tpu.memory_space<hbm>>)
    %dma_wait3A_183 = arith.constant 0 : i32
    %dma_wait3A_184 = tpu.memref_slice %arg7[%add3A_104, %dma_wait3A_183] : memref<128x10000xf32, #tpu.memory_space<hbm>> -> memref<1x10000xf32, #tpu.memory_space<hbm>>
    %dma_wait3A_185 = tpu.memref_squeeze %dma_wait3A_184 : memref<1x10000xf32, #tpu.memory_space<hbm>> -> memref<10000xf32, #tpu.memory_space<hbm>>
    %dma_wait3A_186 = arith.constant 0 : i32
    %dma_wait3A_187 = tpu.memref_slice %arg7[%add3A_104, %dma_wait3A_186] : memref<128x10000xf32, #tpu.memory_space<hbm>> -> memref<1x10000xf32, #tpu.memory_space<hbm>>
    %dma_wait3A_188 = tpu.memref_squeeze %dma_wait3A_187 : memref<1x10000xf32, #tpu.memory_space<hbm>> -> memref<10000xf32, #tpu.memory_space<hbm>>
    tpu.wait_dma2 semaphore(%arg23 : memref<!tpu.dma_semaphore, #tpu.memory_space<semaphore_mem>>) src(%arg15 : memref<10000xf32, #tpu.memory_space<vmem>>) dst(%dma_wait3A_188 : memref<10000xf32, #tpu.memory_space<hbm>>)
    %parallel_loop3A_189 = arith.constant 0 : i32
    %parallel_loop3A_190 = arith.constant 625 : i32
    %parallel_loop3A_191 = arith.constant 1 : i32
    scf.for %parallel_loop3A_225 = %parallel_loop3A_189 to %parallel_loop3A_190 step %parallel_loop3A_191  : i32 {
      %parallel_loop3A_226 = arith.constant 16 : i32
      %parallel_loop3A_227 = arith.muli %parallel_loop3A_225, %parallel_loop3A_226 : i32
      %parallel_loop3A_228 = arith.index_cast %parallel_loop3A_227 : i32 to index
      %parallel_loop3A_229 = tpu.vector_load %arg15[%parallel_loop3A_228] {strides = array<i32>} : memref<10000xf32, #tpu.memory_space<vmem>>, vector<16xf32>,
      tpu.vector_store %arg15[%parallel_loop3A_228], %broadcast_in_dim3A_16 {strides = array<i32>} : memref<10000xf32, #tpu.memory_space<vmem>>, vector<16xf32>,
    } {sc.loop_unroll_factor = 8 : i64, sc.parallel_access}
    %parallel_loop3A_192 = arith.constant 0 : i32
    %parallel_loop3A_193 = arith.constant 625 : i32
    %parallel_loop3A_194 = arith.constant 1 : i32
    scf.for %parallel_loop3A_225 = %parallel_loop3A_192 to %parallel_loop3A_193 step %parallel_loop3A_194  : i32 {
      %parallel_loop3A_226 = arith.constant 16 : i32
      %parallel_loop3A_227 = arith.muli %parallel_loop3A_225, %parallel_loop3A_226 : i32
      %parallel_loop3A_228 = arith.index_cast %parallel_loop3A_227 : i32 to index
      %parallel_loop3A_229 = tpu.vector_load %arg8[%parallel_loop3A_228] {strides = array<i32>} : memref<10000xi32, #tpu.memory_space<vmem>>, vector<16xi32>,
      %parallel_loop3A_230 = arith.index_cast %parallel_loop3A_227 : i32 to index
      %parallel_loop3A_231 = tpu.vector_load %arg9[%parallel_loop3A_230] {strides = array<i32>} : memref<10000xi32, #tpu.memory_space<vmem>>, vector<16xi32>,
      %parallel_loop3A_232 = tpu.vector_load_idx %arg11[%parallel_loop3A_229] : memref<10000xf32, #tpu.memory_space<vmem>>[vector<16xi32>], vector<16xf32>,
      %parallel_loop3A_233 = tpu.vector_load_idx %arg11[%parallel_loop3A_231] : memref<10000xf32, #tpu.memory_space<vmem>>[vector<16xi32>], vector<16xf32>,
      %parallel_loop3A_234 = tpu.vector_load_idx %arg13[%parallel_loop3A_229] : memref<10000xf32, #tpu.memory_space<vmem>>[vector<16xi32>], vector<16xf32>,
      %parallel_loop3A_235 = arith.subf %parallel_loop3A_232, %parallel_loop3A_233 : vector<16xf32>
      %parallel_loop3A_236 = math.absf %parallel_loop3A_235 : vector<16xf32>
      %parallel_loop3A_237 = arith.constant 9.99999997E-7 : f32
      %parallel_loop3A_238 = vector.broadcast %parallel_loop3A_237 : f32 to vector<16xf32>
      %parallel_loop3A_239 = arith.addf %parallel_loop3A_236, %parallel_loop3A_238 : vector<16xf32>
      %parallel_loop3A_240 = vector.bitcast %parallel_loop3A_239 : vector<16xf32> to vector<16xi32>
      %parallel_loop3A_241 = arith.constant 1 : i32
      %parallel_loop3A_242 = vector.broadcast %parallel_loop3A_241 : i32 to vector<16xi32>
      %parallel_loop3A_243 = arith.shrsi %parallel_loop3A_240, %parallel_loop3A_242 : vector<16xi32>
      %parallel_loop3A_244 = arith.constant 1597463007 : i32
      %parallel_loop3A_245 = vector.broadcast %parallel_loop3A_244 : i32 to vector<16xi32>
      %parallel_loop3A_246 = arith.subi %parallel_loop3A_245, %parallel_loop3A_243 : vector<16xi32>
      %parallel_loop3A_247 = vector.bitcast %parallel_loop3A_246 : vector<16xi32> to vector<16xf32>
      %parallel_loop3A_248 = arith.constant 5.000000e-01 : f32
      %parallel_loop3A_249 = vector.broadcast %parallel_loop3A_248 : f32 to vector<16xf32>
      %parallel_loop3A_250 = arith.mulf %parallel_loop3A_249, %parallel_loop3A_239 : vector<16xf32>
      %parallel_loop3A_251 = arith.mulf %parallel_loop3A_250, %parallel_loop3A_247 : vector<16xf32>
      %parallel_loop3A_252 = arith.mulf %parallel_loop3A_251, %parallel_loop3A_247 : vector<16xf32>
      %parallel_loop3A_253 = arith.constant 1.500000e+00 : f32
      %parallel_loop3A_254 = vector.broadcast %parallel_loop3A_253 : f32 to vector<16xf32>
      %parallel_loop3A_255 = arith.subf %parallel_loop3A_254, %parallel_loop3A_252 : vector<16xf32>
      %parallel_loop3A_256 = arith.mulf %parallel_loop3A_247, %parallel_loop3A_255 : vector<16xf32>
      %parallel_loop3A_257 = arith.constant 5.000000e-01 : f32
      %parallel_loop3A_258 = vector.broadcast %parallel_loop3A_257 : f32 to vector<16xf32>
      %parallel_loop3A_259 = arith.mulf %parallel_loop3A_258, %parallel_loop3A_239 : vector<16xf32>
      %parallel_loop3A_260 = arith.mulf %parallel_loop3A_259, %parallel_loop3A_256 : vector<16xf32>
      %parallel_loop3A_261 = arith.mulf %parallel_loop3A_260, %parallel_loop3A_256 : vector<16xf32>
      %parallel_loop3A_262 = arith.constant 1.500000e+00 : f32
      %parallel_loop3A_263 = vector.broadcast %parallel_loop3A_262 : f32 to vector<16xf32>
      %parallel_loop3A_264 = arith.subf %parallel_loop3A_263, %parallel_loop3A_261 : vector<16xf32>
      %parallel_loop3A_265 = arith.mulf %parallel_loop3A_256, %parallel_loop3A_264 : vector<16xf32>
      %parallel_loop3A_266 = arith.constant 5.000000e-01 : f32
      %parallel_loop3A_267 = vector.broadcast %parallel_loop3A_266 : f32 to vector<16xf32>
      %parallel_loop3A_268 = arith.mulf %parallel_loop3A_267, %parallel_loop3A_239 : vector<16xf32>
      %parallel_loop3A_269 = arith.mulf %parallel_loop3A_268, %parallel_loop3A_265 : vector<16xf32>
      %parallel_loop3A_270 = arith.mulf %parallel_loop3A_269, %parallel_loop3A_265 : vector<16xf32>
      %parallel_loop3A_271 = arith.constant 1.500000e+00 : f32
      %parallel_loop3A_272 = vector.broadcast %parallel_loop3A_271 : f32 to vector<16xf32>
      %parallel_loop3A_273 = arith.subf %parallel_loop3A_272, %parallel_loop3A_270 : vector<16xf32>
      %parallel_loop3A_274 = arith.mulf %parallel_loop3A_265, %parallel_loop3A_273 : vector<16xf32>
      %parallel_loop3A_275 = arith.mulf %parallel_loop3A_239, %parallel_loop3A_274 : vector<16xf32>
      %parallel_loop3A_276 = tpu.bitcast %parallel_loop3A_235 : vector<16xf32> -> vector<16xi32>
      %parallel_loop3A_277 = arith.constant -2147483648 : i32
      %parallel_loop3A_278 = vector.broadcast %parallel_loop3A_277 : i32 to vector<16xi32>
      %parallel_loop3A_279 = arith.andi %parallel_loop3A_276, %parallel_loop3A_278 : vector<16xi32>
      %parallel_loop3A_280 = arith.constant 1065353216 : i32
      %parallel_loop3A_281 = vector.broadcast %parallel_loop3A_280 : i32 to vector<16xi32>
      %parallel_loop3A_282 = arith.ori %parallel_loop3A_281, %parallel_loop3A_279 : vector<16xi32>
      %parallel_loop3A_283 = tpu.bitcast %parallel_loop3A_282 : vector<16xi32> -> vector<16xf32>
      %parallel_loop3A_284 = math.absf %parallel_loop3A_235 : vector<16xf32>
      %parallel_loop3A_285 = arith.constant 0.000000e+00 : f32
      %parallel_loop3A_286 = vector.broadcast %parallel_loop3A_285 : f32 to vector<16xf32>
      %parallel_loop3A_287 = arith.cmpf ogt, %parallel_loop3A_284, %parallel_loop3A_286 : vector<16xf32>
      %parallel_loop3A_288 = arith.select %parallel_loop3A_287, %parallel_loop3A_283, %parallel_loop3A_235 : vector<16xi1>, vector<16xf32>
      %parallel_loop3A_289 = arith.mulf %parallel_loop3A_234, %parallel_loop3A_288 : vector<16xf32>
      %parallel_loop3A_290 = arith.mulf %parallel_loop3A_289, %parallel_loop3A_275 : vector<16xf32>
      %parallel_loop3A_291 = arith.constant -1.000000e+01 : f32
      %parallel_loop3A_292 = vector.broadcast %parallel_loop3A_291 : f32 to vector<16xf32>
      %parallel_loop3A_293 = arith.maximumf %parallel_loop3A_290, %parallel_loop3A_292 : vector<16xf32>
      %parallel_loop3A_294 = arith.constant 1.000000e+01 : f32
      %parallel_loop3A_295 = vector.broadcast %parallel_loop3A_294 : f32 to vector<16xf32>
      %parallel_loop3A_296 = arith.minimumf %parallel_loop3A_293, %parallel_loop3A_295 : vector<16xf32>
      %parallel_loop3A_297 = arith.index_cast %parallel_loop3A_227 : i32 to index
      %parallel_loop3A_298 = tpu.vector_load %arg17[%parallel_loop3A_297] {strides = array<i32>} : memref<10000xf32, #tpu.memory_space<vmem>>, vector<16xf32>,
      tpu.vector_store %arg17[%parallel_loop3A_297], %parallel_loop3A_296 {strides = array<i32>} : memref<10000xf32, #tpu.memory_space<vmem>>, vector<16xf32>,
      tpu.vector_store_idx %arg15[%parallel_loop3A_231], %parallel_loop3A_296 {add = true} : memref<10000xf32, #tpu.memory_space<vmem>>[vector<16xi32>], vector<16xf32>,
      %parallel_loop3A_299 = arith.constant 0.000000e+00 : f32
      %parallel_loop3A_300 = vector.broadcast %parallel_loop3A_299 : f32 to vector<16xf32>
      %parallel_loop3A_301 = arith.subf %parallel_loop3A_300, %parallel_loop3A_296 : vector<16xf32>
      tpu.vector_store_idx %arg15[%parallel_loop3A_229], %parallel_loop3A_301 {add = true} : memref<10000xf32, #tpu.memory_space<vmem>>[vector<16xi32>], vector<16xf32>,
    } {sc.loop_unroll_factor = 4 : i64, sc.parallel_access}
    %add3A_195 = arith.constant 960000 : i32
    %add3A_196 = arith.addi %add3A_195, %mul3A_2 : i32
    %dma_start3A_197 = tpu.memref_slice %arg6[%add3A_196] : memref<1280000xf32, #tpu.memory_space<hbm>> -> memref<10000xf32, #tpu.memory_space<hbm>>
    %dma_start3A_198 = tpu.memref_slice %arg6[%add3A_196] : memref<1280000xf32, #tpu.memory_space<hbm>> -> memref<10000xf32, #tpu.memory_space<hbm>>
    tpu.enqueue_dma source(%arg17 : memref<10000xf32, #tpu.memory_space<vmem>>) target(%dma_start3A_198 : memref<10000xf32, #tpu.memory_space<hbm>>) target_semaphore(%arg21 : memref<!tpu.dma_semaphore, #tpu.memory_space<semaphore_mem>>)
    %mul3A_199 = arith.constant 4 : i32
    %mul3A_200 = arith.muli %add3A, %mul3A_199 : i32
    %add3A_201 = arith.constant 3 : i32
    %add3A_202 = arith.addi %mul3A_200, %add3A_201 : i32
    %dma_start3A_203 = arith.constant 0 : i32
    %dma_start3A_204 = tpu.memref_slice %arg7[%add3A_202, %dma_start3A_203] : memref<128x10000xf32, #tpu.memory_space<hbm>> -> memref<1x10000xf32, #tpu.memory_space<hbm>>
    %dma_start3A_205 = tpu.memref_squeeze %dma_start3A_204 : memref<1x10000xf32, #tpu.memory_space<hbm>> -> memref<10000xf32, #tpu.memory_space<hbm>>
    %dma_start3A_206 = arith.constant 0 : i32
    %dma_start3A_207 = tpu.memref_slice %arg7[%add3A_202, %dma_start3A_206] : memref<128x10000xf32, #tpu.memory_space<hbm>> -> memref<1x10000xf32, #tpu.memory_space<hbm>>
    %dma_start3A_208 = tpu.memref_squeeze %dma_start3A_207 : memref<1x10000xf32, #tpu.memory_space<hbm>> -> memref<10000xf32, #tpu.memory_space<hbm>>
    tpu.enqueue_dma source(%arg15 : memref<10000xf32, #tpu.memory_space<vmem>>) target(%dma_start3A_208 : memref<10000xf32, #tpu.memory_space<hbm>>) target_semaphore(%arg23 : memref<!tpu.dma_semaphore, #tpu.memory_space<semaphore_mem>>)
    %dma_wait3A_209 = tpu.memref_slice %arg6[%add3A_154] : memref<1280000xf32, #tpu.memory_space<hbm>> -> memref<10000xf32, #tpu.memory_space<hbm>>
    %dma_wait3A_210 = tpu.memref_slice %arg6[%add3A_154] : memref<1280000xf32, #tpu.memory_space<hbm>> -> memref<10000xf32, #tpu.memory_space<hbm>>
    tpu.wait_dma2 semaphore(%arg20 : memref<!tpu.dma_semaphore, #tpu.memory_space<semaphore_mem>>) src(%arg16 : memref<10000xf32, #tpu.memory_space<vmem>>) dst(%dma_wait3A_210 : memref<10000xf32, #tpu.memory_space<hbm>>)
    %dma_wait3A_211 = arith.constant 0 : i32
    %dma_wait3A_212 = tpu.memref_slice %arg7[%add3A_160, %dma_wait3A_211] : memref<128x10000xf32, #tpu.memory_space<hbm>> -> memref<1x10000xf32, #tpu.memory_space<hbm>>
    %dma_wait3A_213 = tpu.memref_squeeze %dma_wait3A_212 : memref<1x10000xf32, #tpu.memory_space<hbm>> -> memref<10000xf32, #tpu.memory_space<hbm>>
    %dma_wait3A_214 = arith.constant 0 : i32
    %dma_wait3A_215 = tpu.memref_slice %arg7[%add3A_160, %dma_wait3A_214] : memref<128x10000xf32, #tpu.memory_space<hbm>> -> memref<1x10000xf32, #tpu.memory_space<hbm>>
    %dma_wait3A_216 = tpu.memref_squeeze %dma_wait3A_215 : memref<1x10000xf32, #tpu.memory_space<hbm>> -> memref<10000xf32, #tpu.memory_space<hbm>>
    tpu.wait_dma2 semaphore(%arg22 : memref<!tpu.dma_semaphore, #tpu.memory_space<semaphore_mem>>) src(%arg14 : memref<10000xf32, #tpu.memory_space<vmem>>) dst(%dma_wait3A_216 : memref<10000xf32, #tpu.memory_space<hbm>>)
    %dma_wait3A_217 = tpu.memref_slice %arg6[%add3A_196] : memref<1280000xf32, #tpu.memory_space<hbm>> -> memref<10000xf32, #tpu.memory_space<hbm>>
    %dma_wait3A_218 = tpu.memref_slice %arg6[%add3A_196] : memref<1280000xf32, #tpu.memory_space<hbm>> -> memref<10000xf32, #tpu.memory_space<hbm>>
    tpu.wait_dma2 semaphore(%arg21 : memref<!tpu.dma_semaphore, #tpu.memory_space<semaphore_mem>>) src(%arg17 : memref<10000xf32, #tpu.memory_space<vmem>>) dst(%dma_wait3A_218 : memref<10000xf32, #tpu.memory_space<hbm>>)
    %dma_wait3A_219 = arith.constant 0 : i32
    %dma_wait3A_220 = tpu.memref_slice %arg7[%add3A_202, %dma_wait3A_219] : memref<128x10000xf32, #tpu.memory_space<hbm>> -> memref<1x10000xf32, #tpu.memory_space<hbm>>
    %dma_wait3A_221 = tpu.memref_squeeze %dma_wait3A_220 : memref<1x10000xf32, #tpu.memory_space<hbm>> -> memref<10000xf32, #tpu.memory_space<hbm>>
    %dma_wait3A_222 = arith.constant 0 : i32
    %dma_wait3A_223 = tpu.memref_slice %arg7[%add3A_202, %dma_wait3A_222] : memref<128x10000xf32, #tpu.memory_space<hbm>> -> memref<1x10000xf32, #tpu.memory_space<hbm>>
    %dma_wait3A_224 = tpu.memref_squeeze %dma_wait3A_223 : memref<1x10000xf32, #tpu.memory_space<hbm>> -> memref<10000xf32, #tpu.memory_space<hbm>>
    tpu.wait_dma2 semaphore(%arg23 : memref<!tpu.dma_semaphore, #tpu.memory_space<semaphore_mem>>) src(%arg15 : memref<10000xf32, #tpu.memory_space<vmem>>) dst(%dma_wait3A_224 : memref<10000xf32, #tpu.memory_space<hbm>>)
    return
  }
}

module attributes {stable_mosaic.version = 14 : i64} {
  func.func @_mlp_body(%arg0: i32, %arg1: memref<10000x128xf32, #tpu.memory_space<vmem>>, %arg2: memref<128x64xf32, #tpu.memory_space<vmem>>, %arg3: memref<1x64xf32, #tpu.memory_space<vmem>>, %arg4: memref<64x1xf32, #tpu.memory_space<vmem>>, %arg5: memref<1x1xf32, #tpu.memory_space<vmem>>, %arg6: memref<10000x1xf32, #tpu.memory_space<vmem>>) attributes {dimension_semantics = [#tpu.dimension_semantics<arbitrary>], iteration_bounds = array<i64: 4>, scalar_prefetch = 0 : i64, scratch_operands = 0 : i64, tpu.core_type = #tpu.core_type<tc>, window_params = [{transform_indices = @transform_0, window_bounds = array<i64: 10000, 128>}, {pipeline_mode = #tpu.pipeline_mode<synchronous>, transform_indices = @transform_1, window_bounds = array<i64: 128, 64>}, {pipeline_mode = #tpu.pipeline_mode<synchronous>, transform_indices = @transform_2, window_bounds = array<i64: 1, 64>}, {pipeline_mode = #tpu.pipeline_mode<synchronous>, transform_indices = @transform_3, window_bounds = array<i64: 64, 1>}, {pipeline_mode = #tpu.pipeline_mode<synchronous>, transform_indices = @transform_4, window_bounds = array<i64: 1, 1>}, {transform_indices = @transform_5, window_bounds = array<i64: 10000, 1>}]} {
    %get3A = arith.constant 0 : index
    %get3A_0 = arith.constant 0 : index
    %get3A_1 = vector.load %arg1[%get3A, %get3A_0] : memref<10000x128xf32, #tpu.memory_space<vmem>>, vector<10000x128xf32>
    %get3A_2 = arith.constant 0 : index
    %get3A_3 = arith.constant 0 : index
    %get3A_4 = vector.load %arg2[%get3A_2, %get3A_3] : memref<128x64xf32, #tpu.memory_space<vmem>>, vector<128x64xf32>
    %dot_general3A = arith.constant dense<0.000000e+00> : vector<10000x64xf32>
    %dot_general3A_5 = tpu.matmul %get3A_1, %get3A_4, %dot_general3A {dimension_numbers = #tpu.dot_dimension_numbers<[1], [0], [0], [1], [0, 0, 1, 1], [], []>, transpose_lhs_hint = false} : vector<10000x128xf32>, vector<128x64xf32>, vector<10000x64xf32> -> vector<10000x64xf32>
    %get3A_6 = arith.constant 0 : index
    %get3A_7 = arith.constant 0 : index
    %get3A_8 = vector.load %arg3[%get3A_6, %get3A_7] : memref<1x64xf32, #tpu.memory_space<vmem>>, vector<1x64xf32>
    %add3A = vector.broadcast %get3A_8 : vector<1x64xf32> to vector<10000x64xf32>
    %add3A_9 = arith.addf %dot_general3A_5, %add3A : vector<10000x64xf32>
    %mul3A = arith.constant 5.000000e-01 : f32
    %mul3A_10 = vector.broadcast %mul3A : f32 to vector<10000x64xf32>
    %mul3A_11 = arith.mulf %mul3A_10, %add3A_9 : vector<10000x64xf32>
    %mul3A_12 = arith.constant 0.707106769 : f32
    %mul3A_13 = vector.broadcast %mul3A_12 : f32 to vector<10000x64xf32>
    %mul3A_14 = arith.mulf %add3A_9, %mul3A_13 : vector<10000x64xf32>
    %erf3A = math.erf %mul3A_14 : vector<10000x64xf32>
    %add3A_15 = arith.constant 1.000000e+00 : f32
    %add3A_16 = vector.broadcast %add3A_15 : f32 to vector<10000x64xf32>
    %add3A_17 = arith.addf %add3A_16, %erf3A : vector<10000x64xf32>
    %mul3A_18 = arith.mulf %mul3A_11, %add3A_17 : vector<10000x64xf32>
    %get3A_19 = arith.constant 0 : index
    %get3A_20 = arith.constant 0 : index
    %get3A_21 = vector.load %arg4[%get3A_19, %get3A_20] : memref<64x1xf32, #tpu.memory_space<vmem>>, vector<64x1xf32>
    %dot_general3A_22 = arith.constant dense<0.000000e+00> : vector<10000x1xf32>
    %dot_general3A_23 = tpu.matmul %mul3A_18, %get3A_21, %dot_general3A_22 {dimension_numbers = #tpu.dot_dimension_numbers<[1], [0], [0], [1], [0, 0, 1, 1], [], []>, transpose_lhs_hint = false} : vector<10000x64xf32>, vector<64x1xf32>, vector<10000x1xf32> -> vector<10000x1xf32>
    %get3A_24 = arith.constant 0 : index
    %get3A_25 = arith.constant 0 : index
    %get3A_26 = vector.load %arg5[%get3A_24, %get3A_25] : memref<1x1xf32, #tpu.memory_space<vmem>>, vector<1x1xf32>
    %add3A_27 = vector.broadcast %get3A_26 : vector<1x1xf32> to vector<10000x1xf32>
    %add3A_28 = arith.addf %dot_general3A_23, %add3A_27 : vector<10000x1xf32>
    %logistic3A = arith.negf %add3A_28 : vector<10000x1xf32>
    %logistic3A_29 = math.exp %logistic3A : vector<10000x1xf32>
    %logistic3A_30 = arith.constant 1.000000e+00 : f32
    %logistic3A_31 = vector.broadcast %logistic3A_30 : f32 to vector<10000x1xf32>
    %logistic3A_32 = arith.addf %logistic3A_31, %logistic3A_29 : vector<10000x1xf32>
    %logistic3A_33 = arith.divf %logistic3A_31, %logistic3A_32 : vector<10000x1xf32>
    %swap3A = arith.constant 0 : index
    %swap3A_34 = arith.constant 0 : index
    %swap3A_35 = vector.load %arg6[%swap3A, %swap3A_34] : memref<10000x1xf32, #tpu.memory_space<vmem>>, vector<10000x1xf32>
    tpu.vector_store %arg6[%swap3A, %swap3A_34], %logistic3A_33 {strides = array<i32>} : memref<10000x1xf32, #tpu.memory_space<vmem>>, vector<10000x1xf32>,
    return
  }
  func.func @transform_0(%arg0: i32) -> (i32, i32) {
    %c0_i32 = arith.constant 0 : i32
    %c0_i32_0 = arith.constant 0 : i32
    return %arg0, %c0_i32 : i32, i32
  }
  func.func @transform_1(%arg0: i32) -> (i32, i32) {
    %c0_i32 = arith.constant 0 : i32
    %c0_i32_0 = arith.constant 0 : i32
    %c0_i32_1 = arith.constant 0 : i32
    return %c0_i32, %c0_i32_0 : i32, i32
  }
  func.func @transform_2(%arg0: i32) -> (i32, i32) {
    %c0_i32 = arith.constant 0 : i32
    %c0_i32_0 = arith.constant 0 : i32
    %c0_i32_1 = arith.constant 0 : i32
    return %c0_i32, %c0_i32_0 : i32, i32
  }
  func.func @transform_3(%arg0: i32) -> (i32, i32) {
    %c0_i32 = arith.constant 0 : i32
    %c0_i32_0 = arith.constant 0 : i32
    %c0_i32_1 = arith.constant 0 : i32
    return %c0_i32, %c0_i32_0 : i32, i32
  }
  func.func @transform_4(%arg0: i32) -> (i32, i32) {
    %c0_i32 = arith.constant 0 : i32
    %c0_i32_0 = arith.constant 0 : i32
    %c0_i32_1 = arith.constant 0 : i32
    return %c0_i32, %c0_i32_0 : i32, i32
  }
  func.func @transform_5(%arg0: i32) -> (i32, i32) {
    %c0_i32 = arith.constant 0 : i32
    %c0_i32_0 = arith.constant 0 : i32
    return %arg0, %c0_i32 : i32, i32
  }
}

module attributes {stable_mosaic.version = 14 : i64} {
  func.func @_fin_body(%arg0: memref<32x4x10000xf32, #tpu.memory_space<vmem>>, %arg1: memref<4x10000xf32, #tpu.memory_space<vmem>>, %arg2: memref<1x10000xf32, #tpu.memory_space<vmem>>, %arg3: memref<4x10000xf32, #tpu.memory_space<vmem>>, %arg4: memref<4x10000xf32, #tpu.memory_space<vmem>>) attributes {dimension_semantics = [], scalar_prefetch = 0 : i64, scratch_operands = 0 : i64, tpu.core_type = #tpu.core_type<tc>} {
    %get3A = arith.constant 0 : index
    %get3A_0 = arith.constant 0 : index
    %get3A_1 = arith.constant 0 : index
    %get3A_2 = vector.load %arg0[%get3A, %get3A_0, %get3A_1] : memref<32x4x10000xf32, #tpu.memory_space<vmem>>, vector<32x4x10000xf32>
    %reduce_sum3A = arith.constant dense<0.000000e+00> : vector<4x10000xf32>
    %reduce_sum3A_3 = vector.multi_reduction <add>, %get3A_2, %reduce_sum3A [0] : vector<32x4x10000xf32> to vector<4x10000xf32>
    %get3A_4 = arith.constant 0 : index
    %get3A_5 = arith.constant 0 : index
    %get3A_6 = vector.load %arg1[%get3A_4, %get3A_5] : memref<4x10000xf32, #tpu.memory_space<vmem>>, vector<4x10000xf32>
    %add3A = arith.addf %reduce_sum3A_3, %get3A_6 : vector<4x10000xf32>
    %mul3A = arith.constant 3.000000e+02 : f32
    %mul3A_7 = vector.broadcast %mul3A : f32 to vector<4x10000xf32>
    %mul3A_8 = arith.mulf %mul3A_7, %add3A : vector<4x10000xf32>
    %get3A_9 = arith.constant 0 : index
    %get3A_10 = arith.constant 0 : index
    %get3A_11 = vector.load %arg2[%get3A_9, %get3A_10] : memref<1x10000xf32, #tpu.memory_space<vmem>>, vector<1x10000xf32>
    %add3A_12 = arith.constant 9.99999997E-7 : f32
    %add3A_13 = vector.broadcast %add3A_12 : f32 to vector<1x10000xf32>
    %add3A_14 = arith.addf %get3A_11, %add3A_13 : vector<1x10000xf32>
    %div3A = vector.broadcast %add3A_14 : vector<1x10000xf32> to vector<4x10000xf32>
    %div3A_15 = arith.divf %mul3A_8, %div3A : vector<4x10000xf32>
    %get3A_16 = arith.constant 0 : index
    %get3A_17 = arith.constant 0 : index
    %get3A_18 = vector.load %arg3[%get3A_16, %get3A_17] : memref<4x10000xf32, #tpu.memory_space<vmem>>, vector<4x10000xf32>
    %max3A = arith.constant -1.000000e+00 : f32
    %max3A_19 = vector.broadcast %max3A : f32 to vector<4x10000xf32>
    %max3A_20 = arith.maximumf %div3A_15, %max3A_19 : vector<4x10000xf32>
    %min3A = arith.constant 1.000000e+00 : f32
    %min3A_21 = vector.broadcast %min3A : f32 to vector<4x10000xf32>
    %min3A_22 = arith.minimumf %max3A_20, %min3A_21 : vector<4x10000xf32>
    %add3A_23 = arith.addf %get3A_18, %min3A_22 : vector<4x10000xf32>
    %swap3A = arith.constant 0 : index
    %swap3A_24 = arith.constant 0 : index
    %swap3A_25 = vector.load %arg4[%swap3A, %swap3A_24] : memref<4x10000xf32, #tpu.memory_space<vmem>>, vector<4x10000xf32>
    tpu.vector_store %arg4[%swap3A, %swap3A_24], %add3A_23 {strides = array<i32>} : memref<4x10000xf32, #tpu.memory_space<vmem>>, vector<4x10000xf32>,
    return
  }
}

</mosaic_0001>

<sc_bundles>
// kernel: kernel.5.cloned.1.call-start
scs
__scs_entry_jumppad:
0x0: {  	(pc) =	sbr.rel $0x88, $3  }
0x1: {  	(tag) =	ssettag $0x0;
	lr =	simm.s32 $0x1  }
0x2: {  	[smem:$0x3F98] =	sst lr;
	_ =	strace $0xD0000000  }
0x3: {  	_ = 	snop  }
0x4: {  	_ = 	snop  }
0x5: {  	_ = 	snop  }
0x6: {  	_ = 	snop  }
0x7: {  	_ = 	snop  }
__scs_overlays_trampoline_lowered:
0x8: {  	[smem:$0x3FA7] =	sst s0  }
0x9: {  	[smem:$0x3FA8] =	sst s1  }
0xa: {  	[smem:$0x3FA9] =	sst s2  }
0xb: {  	[smem:$0x3FAA] =	sst s3  }
0xc: {  	[smem:$0x3FAB] =	sst s4  }
0xd: {  	[smem:$0x3FAC] =	sst s5  }
0xe: {  	[smem:$0x3FAD] =	sst s6  }
0xf: {  	[smem:$0x3FAE] =	sst s7  }
0x10: {  	[smem:$0x3FAF] =	sst s8  }
0x11: {  	[smem:$0x3FB0] =	sst s9;
	s0 =	simm.s32 @!p0 $0x0  }
0x12: {  	s1 =	sld [smem:$0x3F96];
	s0 =	simm.s32 @p0 $0x1  }
0x13: {  	[smem:$0x3FB1] =	sst s0;
	s0 =	simm.s32 @!p1 $0x0  }
0x14: {  	s2 =	sld [smem:$0x3F95];
	s0 =	simm.s32 @p1 $0x1  }
0x15: {  	[smem:$0x3FB2] =	sst s0;
	s0 =	simm.s32 @!p2 $0x0  }
0x16: {  	s3 =	sld [smem:$0x3FDB];
	s0 =	simm.s32 @p2 $0x1  }
0x17: {  	s4 =	simm.s32 $0x1BF5;
	[smem:$0x3FB4] =	sst s0  }
0x18: {  	s0 =	sld [smem:$0x3F97];
	_ =	swait.ge [sflag:s4], $0x0  }
0x19: {  	s7 =	sld [smem:$0x3F98]  }
0x1a: {  	s8 =	sadd.s32 $0xFFFFE003, lr  }
0x1b: {  	s9 =	sadd.s32 $0xFFFFFEF7, lr;
	s5 =	simm.s32 $0xFFFFFFFF;
	p2 =	slt.u32 s8, $0xFFFFF086  }
0x1c: {  	p1 =	slt.u32 s9, $0xF7A;
	s5 =	simm.s32 @!p2 $0x0  }
0x1d: {  	s5 =	simm.s32 @p1 $0x1;
	p0 =	seq.s32 s7, s2  }
0x1e: {  	s7 =	smul.u32 @!p0 $0xF7A, s2;
	p2 =	seq.s32 @!p0 s5, $0x0  }
0x1f: {  	s9 =	smul.u32 $0xF7A, s1;
	s8 =	simm.s32 @!p0 $0x1BF5;
	p2 =	por !p2, p0  }
0x20: {  	[sflag:s8] =	ssyncset.s32 @!p0 $0xFFFFF086;
	s6 =	sadd.s32 @!p0 s3, s7;
	s7 =	simm.s32 @!p0 $0x108  }
0x21: {  	s3 =	sadd.s32 s3, s9;
	s6 =	sadd.s32 @!p0 $0x88, s6;
	s7 =	simm.s32 @p2 $0x1082  }
0x22: {  	[simem:s7], [sflag:s8] =	dma.local @!p0 [hbm:s6], $0xF7A  }
0x23: {  	s9 =	sor.u32 $0xD0000000, s2;
	s6 =	simm.s32 $0x108;
	_ =	swait.ge @!p0 [sflag:s8], $0x0  }
0x24: {  	s3 =	sadd.s32 $0x88, s3;
	s6 =	simm.s32 @!p1 $0x1082;
	[sflag:s4] =	ssyncset.s32 $0xFFFFF086  }
0x25: {  	[simem:s6], [sflag:s4] =	dma.local [hbm:s3], $0xF7A  }
0x26: {  	[smem:$0x3F98] =	sst s1;
	(tag) =	ssettag s2;
	_ =	strace s9  }
0x27: {  	s1 =	sld [smem:$0x3FA8]  }
0x28: {  	s2 =	sld [smem:$0x3FA9]  }
0x29: {  	s4 =	sld [smem:$0x3FAB]  }
0x2a: {  	p0 =	seq.s32 s5, $0x0;
	s5 =	sld [smem:$0x3FAC]  }
0x2b: {  	s6 =	sld [smem:$0x3FAD]  }
0x2c: {  	s7 =	sld [smem:$0x3FAE]  }
0x2d: {  	s3 =	simm.s32 $0x108;
	s8 =	sld [smem:$0x3FAF]  }
0x2e: {  	s3 =	simm.s32 @!p0 $0x1082;
	s9 =	sld [smem:$0x3FB0]  }
0x2f: {  	lr =	sadd.s32 s0, s3;
	s0 =	sld [smem:$0x3FA7]  }
0x30: {  	s3 =	sld [smem:$0x3FAA]  }
0x31: {  	[smem:$0x3FB3] =	sst s10  }
0x32: {  	s10 =	sld [smem:$0x3FB1];
	_ =	sdelay $0x3  }
0x33: {  	p0 =	seq.s32 s10, $0x1;
	s10 =	sld [smem:$0x3FB3];
	_ =	sdelay $0x3  }
0x34: {  	[smem:$0x3FB3] =	sst s10  }
0x35: {  	s10 =	sld [smem:$0x3FB2];
	_ =	sdelay $0x3  }
0x36: {  	p1 =	seq.s32 s10, $0x1;
	s10 =	sld [smem:$0x3FB3];
	_ =	sdelay $0x3  }
0x37: {  	[smem:$0x3FB3] =	sst s10  }
0x38: {  	s10 =	sld [smem:$0x3FB4]  }
0x39: {  	_ = 	snop;
	(pc) =	sbr.ind lr, $3  }
0x3a: {  	_ = 	snop  }
0x3b: {  	_ = 	snop  }
0x3c: {  	p2 =	seq.s32 s10, $0x1;
	s10 =	sld [smem:$0x3FB3]  }
0x3d: {  	_ =	shalt  }
0x3e: {  	_ =	shalt  }
0x3f: {  	_ =	shalt  }
0x40: {  	_ =	shalt  }
0x41: {  	_ =	shalt  }
0x42: {  	_ =	shalt  }
0x43: {  	_ =	shalt  }
0x44: {  	_ =	shalt  }
0x45: {  	_ =	shalt  }
0x46: {  	_ =	shalt  }
0x47: {  	_ =	shalt  }
0x48: {  	_ =	shalt  }
0x49: {  	_ =	shalt  }
0x4a: {  	_ =	shalt  }
0x4b: {  	_ =	shalt  }
0x4c: {  	_ =	shalt  }
0x4d: {  	_ =	shalt  }
0x4e: {  	_ =	shalt  }
0x4f: {  	_ =	shalt  }
0x50: {  	_ =	shalt  }
0x51: {  	_ =	shalt  }
0x52: {  	_ =	shalt  }
0x53: {  	_ =	shalt  }
0x54: {  	_ =	shalt  }
0x55: {  	_ =	shalt  }
0x56: {  	_ =	shalt  }
0x57: {  	_ =	shalt  }
0x58: {  	_ =	shalt  }
0x59: {  	_ =	shalt  }
0x5a: {  	_ =	shalt  }
0x5b: {  	_ =	shalt  }
0x5c: {  	_ =	shalt  }
0x5d: {  	_ =	shalt  }
0x5e: {  	_ =	shalt  }
0x5f: {  	_ =	shalt  }
0x60: {  	_ =	shalt  }
0x61: {  	_ =	shalt  }
0x62: {  	_ =	shalt  }
0x63: {  	_ =	shalt  }
0x64: {  	_ =	shalt  }
0x65: {  	_ =	shalt  }
0x66: {  	_ =	shalt  }
0x67: {  	_ =	shalt  }
0x68: {  	_ =	shalt  }
0x69: {  	_ =	shalt  }
0x6a: {  	_ =	shalt  }
0x6b: {  	_ =	shalt  }
0x6c: {  	_ =	shalt  }
0x6d: {  	_ =	shalt  }
0x6e: {  	_ =	shalt  }
0x6f: {  	_ =	shalt  }
0x70: {  	_ =	shalt  }
0x71: {  	_ =	shalt  }
0x72: {  	_ =	shalt  }
0x73: {  	_ =	shalt  }
0x74: {  	_ =	shalt  }
0x75: {  	_ =	shalt  }
0x76: {  	_ =	shalt  }
0x77: {  	_ =	shalt  }
0x78: {  	_ =	shalt  }
0x79: {  	_ =	shalt  }
0x7a: {  	_ =	shalt  }
0x7b: {  	_ =	shalt  }
0x7c: {  	_ =	shalt  }
0x7d: {  	_ =	shalt  }
0x7e: {  	_ =	shalt  }
0x7f: {  	_ =	shalt  }
0x80: {  	_ =	shalt  }
0x81: {  	_ =	shalt  }
0x82: {  	_ =	shalt  }
0x83: {  	_ =	shalt  }
0x84: {  	_ =	shalt  }
0x85: {  	_ =	shalt  }
0x86: {  	_ =	shalt  }
0x87: {  	_ =	shalt  }
.Lfunc_end0:
.L_simem_size_0:
called_computation_lowered:
.L_overlay_start_0:
0x88: {  	s2 =	sld [smem:$0x3FD9]  }
0x89: {  	s3 =	sld [smem:$0x3FFE];
	_ =	sdelay $0x1  }
0x8a: {  	s1 =	srdreg.scid  }
0x8b: {  	s0 =	sand.u32 $0x1, s1  }
0x8c: {  	s14 =	sshll.u32 s0, $0xA;
	s2 =	sadd.s32 s3, s2  }
0x8d: {  	s2 =	sadd.s32 s2, s14  }
0x8e: {  	[smem:$0x3FBF] =	sst s2  }
0x8f: {  	_ = 	snop  }
0x90: {  	s2 =	sld [smem:$0x3FD0];
	_ =	sdelay $0x2  }
0x91: {  	s4 =	simm.s32 $0xA;
	s5 =	simm.s32 $0x10;
	s15 =	sld [smem:$0x3FC9]  }
0x92: {  	[smem:s5], [sflag:s4] =	dma.local [hbm:s2], $0x1  }
0x93: {  	_ =	swait.eq [sflag:s4], $0x1  }
0x94: {  	[sflag:s4] =	ssyncset.done $0x0  }
0x95: {  	s16 =	sld [smem:$0x10];
	[sflag:s4] =	ssyncadd.s32 $0xFFFFFFFF  }
0x96: {  	s17 =	sld [smem:$0x11];
	(tm) =	ssettm $0x1  }
0x97: {  	s18 =	sld [smem:$0x3FFB];
	_ =	sdelay $0x3  }
0x98: {  	_ =	strace s18  }
0x99: {  	s5 =	sld [smem:$0x3FFC];
	_ =	sdelay $0x3  }
0x9a: {  	_ =	strace s5  }
0x9b: {  	s5 =	sld [smem:$0x3FFD];
	_ =	sdelay $0x3  }
0x9c: {  	_ =	strace s5  }
0x9d: {  	_ =	strace $0x8FFFFFFF  }
0x9e: {  	s19 =	sld [smem:$0x3FDB];
	_ =	sdelay $0x1  }
0x9f: {  	s6 =	simm.s32 $_scs_section_size  }
0xa0: {  	s7 =	simm.s32 $_size__tile_overlayer_lowered;
	s8 =	simm.s32 $_tile_overlayer_lowered  }
0xa1: {  	s22 =	simm.s32 $0x1BFF;
	s21 =	sshll.u32 s8, $0x1;
	s5 =	sadd.s32 s6, s19  }
0xa2: {  	s9 =	simm.s32 $0x0;
	s20 =	sshll.u32 s7, $0x1;
	s7 =	sadd.s32 s21, s5  }
0xa3: {  	[timem:s9], [sflag:s22] =	dma.local [hbm:s7], s20  }
0xa4: {  	_ =	swait.ge [sflag:s22], s20  }
0xa5: {  	s6 =	ssub.s32 $0x0, s20;
	[sflag:s22] =	ssyncset.done $0x0  }
0xa6: {  	[sflag:s22] =	ssyncadd.s32 s6;
	_ =	sdelay $0x1  }
0xa7: {  	s23 =	simm.s32 $0x1B8B  }
0xa8: {  	_ =	swait.ge [sflag:s23], $0x1  }
0xa9: {  	[sflag:s23] =	ssyncset.done $0x0  }
0xaa: {  	s25 =	simm.s32 $0x1B8E;
	s24 =	sld [smem:$0x3FFE];
	[sflag:s23] =	ssyncadd.s32 $0xFFFFFFFF  }
0xab: {  	s26 =	simm.s32 $execute0_lowered;
	[smem:$0x3FD2] =	sst s25  }
0xac: {  	s7 =	sshll.u32 s26, $0x1;
	_ =	strace $0x80000046;
	[dreg:$0x1] =	wrdreg $0xFFFFFFFF  }
0xad: {  	s28 =	simm.s32 $_size_execute0_lowered;
	s5 =	sadd.s32 s5, s7;
	[dreg:$0x0] =	wrdreg $0x0  }
0xae: {  	s7 =	sshll.u32 s28, $0x1;
	[dreg:$0x2] =	wrdreg s5  }
0xaf: {  	[dreg:$0x3] =	wrdreg s7  }
0xb0: {  	[dreg:$0x4] =	wrdreg $0xC0  }
0xb1: {  	_ =	task [dreg:s9], $0x5FFFF  }
0xb2: {  	[dreg:$0x1] =	wrdreg $0xFFFFFFFF  }
0xb3: {  	[dreg:$0x0] =	wrdreg $0x60  }
0xb4: {  	[dreg:$0x2] =	wrdreg s15  }
0xb5: {  	[dreg:$0x3] =	wrdreg s16  }
0xb6: {  	[dreg:$0x4] =	wrdreg s24  }
0xb7: {  	[dreg:$0x5] =	wrdreg s17  }
0xb8: {  	[dreg:$0x6] =	wrdreg $0x9  }
0xb9: {  	_ =	task.clear_ibuf [dreg:s9], $0x7FFFF;
	_ =	strace $0x90000046  }
0xba: {  	s29 =	simm.s32 $0x9;
	_ =	strace $0x80000048  }
0xbb: {  	_ =	swait.ge [sflag:s29], $0x1  }
0xbc: {  	[sflag:s29] =	ssyncadd.s32 $0xFFFFFFFF  }
0xbd: {  	_ =	strace $0x90000048  }
0xbe: {  	_ =	sfence  }
0xbf: {  	s30 =	sld [smem:$0x0];
	_ =	sdelay $0x2  }
0xc0: {  	s31 =	sshll.u32 s1, $0xD;
	s1 =	sshrl.u32 s1, $0x2  }
0xc1: {  	s3 =	sand.u32 $0x4000, s31;
	s1 =	sadd.s32 s1, s30  }
0xc2: {  	s0 =	sor.u32 s3, s0;
	s1 =	sshll.u32 s1, $0x11  }
0xc3: {  	s0 =	sor.u32 s1, s0  }
0xc4: {  	s0 =	sadd.s32 $0x8F2B, s0  }
0xc5: {  	[sflag:s0] =	ssyncadd.remote.s32 $0x1  }
0xc6: {  	_ =	sfence.sel $0xFFFF  }
0xc7: {  	[dreg:$0x0] =	wrdreg $0xFFFFFFFF;
	(pc) =	sbr.abs _section_cstart, $3  }
0xc8: {  	[dreg:$0x1] =	wrdreg $0xFFFFFFFF  }
0xc9: {  	_ =	task.clear_ibuf [dreg:s9], $0x2FFFF;
	_ =	strace $0x9FFFFFFF  }
0xca: {  	(tm) =	ssettm $0x7FFFFFFF  }
0xcb: {  	_ =	shalt  }
tec
execute0_lowered:
.L_overlay_start_1:
0x0: {  	(tag) =	ssettag $0x1  }
0x1: {  	s8 =	rddreg [dreg:$0x0]  }
0x2: {  	s10 =	rddreg [dreg:$0x1]  }
0x3: {  	s0 =	srdreg.scid;
	s1 =	rddreg [dreg:$0x2]  }
0x4: {  	s5 =	stileid.u32;
	s3 =	rddreg [dreg:$0x3]  }
0x5: {  	s4 =	simm.s32 $0x0;
	s29 =	simm.s32 $0x1;
	s30 =	simm.s32 $0x2  }
0x6: {  	s31 =	simm.s32 $0x7680;
	s28 =	simm.s32 $0x3;
	s0 =	sand.u32 $0x1, s0  }
0x7: {  	s2 =	sshll.u32 s5, $0x1;
	[smem:$0x7FF] =	sst s4;
	s5 =	smul.u32 $0x13C00, s5  }
0x8: {  	s20 =	sadd.s32 $0x10, s8;
	s21 =	sadd.s32 $0x10, s10;
	s23 =	sadd.s32 $0x20, s8  }
0x9: {  	s24 =	sadd.s32 $0x20, s10;
	_ =	strace $0x80000047;
	[dreg:$0x7] =	wrdreg s20  }
0xa: {  	s15 =	sadd.s32 $0x30, s8;
	s16 =	sadd.s32 $0x30, s10;
	[dreg:$0x8] =	wrdreg s21  }
0xb: {  	s8 =	simm.s32 $0x0;
	s2 =	sor.u32 s0, s2;
	[dreg:$0xa] =	wrdreg s23  }
0xc: {  	s6 =	sshll.u32 s0, $0x9;
	s0 =	ssub.s32 $0x2, s0;
	[dreg:$0xb] =	wrdreg s24  }
0xd: {  	s23 =	simm.s32 $0x200;
	s24 =	simm.s32 $0x4F00;
	s2 =	smul.u32 $0x2710, s2  }
0xe: {  	s5 =	sor.u32 s6, s5;
	s7 =	sshrl.u32 s0, $0x1;
	s6 =	simm.s32 $0x4  }
0xf: {  	s5 =	sshrl.u32 s5, $0x3;
	s0 =	ssub.s32 s0, s7;
	s2 =	sshrl.u32 s2, $0x3  }
0x10: {  	s7 =	simm.s32 $0x6;
	s21 =	smax.u32 s0, $0x1;
	s17 =	sadd.s32 s2, s1  }
0x11: {  	s0 =	simm.s32 $0xED00;
	s1 =	sadd.s32 s5, s1;
	s18 =	sadd.s32 $0xA400, s17  }
0x12: {  	s9 =	sadd.s32 s3, s2;
	s19 =	sadd.s32 $0x600, s17;
	[dreg:$0x5] =	wrdreg s18  }
0x13: {  	s3 =	simm.s32 $0xC580;
	s22 =	sadd.s32 $0x14200, s1;
	[dreg:$0x6] =	wrdreg s19  }
0x14: {  	s2 =	simm.s32 $0x11480;
	s25 =	sadd.s32 $0x9C40, s9;
	[dreg:$0x9] =	wrdreg s22  }
0x15: {  	s5 =	simm.s32 $0x5;
	s26 =	sadd.s32 $0x14210, s1;
	[dreg:$0xc] =	wrdreg s25  }
0x16: {  	s17 =	sadd.s32 $0x13880, s9;
	s20 =	sadd.s32 $0x14230, s1;
	[dreg:$0xd] =	wrdreg s26  }
0x17: {  	v1 =	vimm.f32 $1.000000000e+00;
	s18 =	sadd.s32 $0x14220, s1;
	s19 =	sadd.s32 $0x1D4C0, s9;
	s22 =	simm.s32 $0x80  }
0x18: {  	v0 =	vimm.f32 $0.0e+00;
	v1 =	vand.u32 $0x7FFFFFFF, v1;
	s25 =	simm.s32 $0x9E00;
	s26 =	simm.s32 $0x7;
	s1 =	simm.s32 $0x400  }
.LBB2_1:
0x19: {  	s10 =	rddreg [dreg:$0x0]  }
0x1a: {  	[tilespmem:s24], [sflag:$0x1] =	stream.strided.gather [hbm4b:s10+s22], $0x2780, s23, s22, $0x38;
	[tilespmem:$0x18B00] =	vst v63  }
0x1b: {  	s14 =	rddreg [dreg:$0x1]  }
0x1c: {  	[tilespmem:s25], [sflag:$0x2] =	stream.strided.gather [hbm4b:s14+s22], $0x2780, s23, s22, $0x38;
	[tilespmem:$0x18B00] =	vst v63  }
0x1d: {  	s11 =	rddreg [dreg:$0x5]  }
0x1e: {  	[tilespmem:s4], [sflag:$0x7] =	stream.linear.gather [hbm4b:s11+s4], $0x2710, $0x38;
	[tilespmem:$0x18B00] =	vst v63  }
0x1f: {  	_ =	swait.ge [sflag:s26], $0x2710  }
0x20: {  	[sflag:s26] =	ssyncset.done $0x0  }
0x21: {  	s11 =	simm.s32 $0x2780;
	s12 =	rddreg [dreg:$0x6];
	[sflag:s26] =	ssyncadd.s32 $0xFFFFD8F0  }
0x22: {  	[tilespmem:s11], [sflag:$0x7] =	stream.linear.gather [hbm4b:s12+s4], $0x2710, $0x38;
	[tilespmem:$0x18B00] =	vst v63  }
0x23: {  	_ =	swait.ge [sflag:s26], $0x2710  }
0x24: {  	[sflag:s26] =	ssyncset.done $0x0  }
0x25: {  	[sflag:s26] =	ssyncadd.s32 $0xFFFFD8F0  }
0x26: {  	_ =	swait.ge [sflag:s29], $0x2780  }
0x27: {  	[sflag:s29] =	ssyncset.done $0x0  }
0x28: {  	[sflag:s29] =	ssyncadd.s32 $0xFFFFD880  }
0x29: {  	_ =	swait.ge [sflag:s30], $0x2780  }
0x2a: {  	[sflag:s30] =	ssyncset.done $0x0  }
0x2b: {  	s13 =	rddreg [dreg:$0x7];
	[sflag:s30] =	ssyncadd.s32 $0xFFFFD880  }
0x2c: {  	[tilespmem:s31], [sflag:$0x1] =	stream.strided.gather [hbm4b:s13+s22], $0x2780, s23, s22, $0x38;
	[tilespmem:$0x18B00] =	vst v63  }
0x2d: {  	s10 =	simm.s32 $0xED40;
	s14 =	rddreg [dreg:$0x8]  }
0x2e: {  	[tilespmem:s3], [sflag:$0x2] =	stream.strided.gather [hbm4b:s14+s22], $0x2780, s23, s22, $0x38;
	[tilespmem:$0x18B00] =	vst v63  }
0x2f: {  	[tilespmem:s10+$0xFFFFFFC0] =	vst v0  }
0x30: {  	[tilespmem:s10+$0x30] =	vst v0  }
0x31: {  	[tilespmem:s10+$0x20] =	vst v0  }
0x32: {  	[tilespmem:s10+$0x10] =	vst v0  }
0x33: {  	[tilespmem:s10+$0x0] =	vst v0  }
0x34: {  	[tilespmem:s10+$0xFFFFFFF0] =	vst v0  }
0x35: {  	s11 =	simm.s32 $0x0;
	[tilespmem:s10+$0xFFFFFFE0] =	vst v0  }
.LBB2_2:
0x36: {  	s11 =	sadd.s32 $0x8, s11;
	[tilespmem:s10+$0xFFFFFFD0] =	vst v0;
	s10 =	sadd.s32 $0x80, s10  }
0x37: {  	[tilespmem:s10+$0xFFFFFFC0] =	vst v0;
	p0 =	slt.u32 s11, $0x268  }
0x38: {  	[tilespmem:s10+$0x30] =	vst v0  }
.Ltmp0:
0x39: {  	[tilespmem:s10+$0x20] =	vst v0;
	(pc) =	sbr.rel @p0 .LBB2_2-.Ltmp0, $4  }
0x3a: {  	[tilespmem:s10+$0x10] =	vst v0  }
0x3b: {  	[tilespmem:s10+$0x0] =	vst v0  }
0x3c: {  	[tilespmem:s10+$0xFFFFFFF0] =	vst v0  }
0x3d: {  	[tilespmem:s10+$0xFFFFFFE0] =	vst v0  }
0x3e: {  	[tilespmem:s10+$0xFFFFFFD0] =	vst v0  }
0x3f: {  	s12 =	simm.s32 $0x27A0;
	[tilespmem:$0x11400] =	vst v0  }
0x40: {  	s11 =	simm.s32 $0x20;
	v12 =	vld [tilespmem:s12+$0x10]  }
0x41: {  	v13 =	vld [tilespmem:s11+$0x10];
	_ =	sdelay $0x2  }
0x42: {  	v4 =	vld [tilespmem:s12+$0xFFFFFFE0]  }
0x43: {  	v2 =	vld [tilespmem:s11+$0xFFFFFFE0]  }
0x44: {  	v7 =	vld [tilespmem:s11+$0x0]  }
0x45: {  	v11 =	vld [tilespmem:s12+$0x0]  }
0x46: {  	v6 =	vld.idx.msk [tilespmem:v12+s24+$0x0], $0xffff  }
0x47: {  	v8 =	vld.idx.msk [tilespmem:v13+s24+$0x0], $0xffff  }
0x48: {  	v3 =	vld [tilespmem:s11+$0xFFFFFFF0]  }
0x49: {  	v5 =	vld [tilespmem:s12+$0xFFFFFFF0];
	_ =	sdelay $0x1  }
0x4a: {  	v9 =	vld.idx.msk [tilespmem:v4+s24+$0x0], $0xffff  }
0x4b: {  	v10 =	vld.idx.msk [tilespmem:v2+s24+$0x0], $0xffff;
	v15 =	vsub.f32 v8, v6;
	_ =	sdelay $0x1  }
0x4c: {  	v8 =	vld.idx.msk [tilespmem:v7+s24+$0x0], $0xffff;
	v6 =	vand.u32 $0x7FFFFFFF, v15  }
0x4d: {  	v22 =	vadd.f32 $9.999999970e-07, v6;
	v6 =	vld.idx.msk [tilespmem:v11+s24+$0x0], $0xffff  }
0x4e: {  	v14 =	vld.idx.msk [tilespmem:v3+s24+$0x0], $0xffff  }
0x4f: {  	v27 =	vsub.f32 v10, v9;
	v10 =	vld.idx.msk [tilespmem:v5+s24+$0x0], $0xffff;
	v9 =	vshra.s32 v22, $0x1;
	v23 =	vmul.f32 $5.000000000e-01, v22  }
0x50: {  	v9 =	vsub.s32 $0x5F3759DF, v9  }
0x51: {  	v18 =	vmul.f32 v9, v23  }
0x52: {  	v16 =	vand.u32 $0x7FFFFFFF, v27;
	vm2 =	vlt.f32 v15, $0.0e+00;
	v28 =	vsub.f32 v8, v6  }
0x53: {  	vm3 =	vgt.f32 v15, $0.0e+00;
	v17 =	vadd.f32 $9.999999970e-07, v16;
	v6 =	vmul.f32 v9, v18  }
0x54: {  	vm2 =	vmor vm3, vm2;
	v25 =	vsub.f32 v14, v10;
	v10 =	vand.u32 $0x7FFFFFFF, v28  }
0x55: {  	v8 =	vshra.s32 v17, $0x1;
	v6 =	vsub.f32 $1.500000000e+00, v6;
	v21 =	vadd.f32 $9.999999970e-07, v10  }
0x56: {  	v19 =	vmul.f32 $5.000000000e-01, v17;
	v16 =	vsub.s32 $0x5F3759DF, v8;
	v8 =	vand.u32 $0x80000000, v15  }
0x57: {  	v30 =	vld.idx.msk [tilespmem:v7+s25+$0x0], $0xffff;
	v18 =	vmul.f32 v9, v6;
	v9 =	vshra.s32 v21, $0x1;
	v29 =	vmul.f32 $5.000000000e-01, v21  }
0x58: {  	s13 =	simm.s32 $0x60;
	v40 =	vld.idx.msk [tilespmem:v13+s25+$0x0], $0xffff;
	v26 =	vmul.f32 v16, v19;
	v31 =	vor.u32 v8, v1;
	v24 =	vsub.s32 $0x5F3759DF, v9  }
0x59: {  	s14 =	simm.s32 $0x27E0;
	v8 =	vld [tilespmem:s13+$0xFFFFFFE0];
	v10 =	vand.u32 $0x80000000, v25;
	v14 =	vmul.f32 v18, v23;
	v20 =	vmul.f32 v24, v29  }
0x5a: {  	v31 =	vsel vm2, v31, v15;
	v15 =	vld [tilespmem:s14+$0xFFFFFFF0];
	v32 =	vor.u32 v10, v1;
	v6 =	vand.u32 $0x7FFFFFFF, v25  }
0x5b: {  	v9 =	vld [tilespmem:s13+$0x0];
	v10 =	vmul.f32 v14, v18;
	v14 =	vmul.f32 v24, v20;
	v20 =	vadd.f32 $9.999999970e-07, v6  }
0x5c: {  	vm0 =	vgt.f32 v27, $0.0e+00;
	v42 =	vand.u32 $0x80000000, v27;
	v26 =	vmul.f32 v16, v26;
	v6 =	vld [tilespmem:s14+$0xFFFFFFE0]  }
0x5d: {  	v33 =	vsub.f32 $1.500000000e+00, v10;
	v34 =	vsub.f32 $1.500000000e+00, v14;
	v10 =	vld [tilespmem:s13+$0xFFFFFFF0];
	v14 =	vshra.s32 v20, $0x1  }
0x5e: {  	v26 =	vsub.f32 $1.500000000e+00, v26;
	v35 =	vmul.f32 $5.000000000e-01, v20;
	v36 =	vsub.s32 $0x5F3759DF, v14;
	v14 =	vld [tilespmem:s14+$0x10]  }
0x5f: {  	v59 =	vor.u32 v42, v1;
	v33 =	vmul.f32 v33, v18;
	v34 =	vmul.f32 v24, v34;
	v18 =	vld [tilespmem:s13+$0x10]  }
0x60: {  	vm4 =	vgt.f32 v25, $0.0e+00;
	v38 =	vmul.f32 v36, v35;
	v24 =	vmul.f32 v16, v26;
	v16 =	vld [tilespmem:s14+$0x0]  }
0x61: {  	vm1 =	vgt.f32 v28, $0.0e+00;
	v37 =	vand.u32 $0x80000000, v28;
	v43 =	vld.idx.msk [tilespmem:v8+s24+$0x0], $0xffff;
	v23 =	vmul.f32 v33, v23  }
0x62: {  	vm3 =	vlt.f32 v28, $0.0e+00;
	v60 =	vld.idx.msk [tilespmem:v15+s24+$0x0], $0xffff;
	v39 =	vmul.f32 v34, v29;
	v38 =	vmul.f32 v36, v38  }
0x63: {  	vm2 =	vlt.f32 v25, $0.0e+00;
	v37 =	vor.u32 v37, v1;
	v53 =	vld.idx.msk [tilespmem:v9+s24+$0x0], $0xffff;
	v23 =	vmul.f32 v23, v33  }
0x64: {  	vm1 =	vmor vm1, vm3;
	v39 =	vmul.f32 v39, v34;
	v38 =	vsub.f32 $1.500000000e+00, v38;
	v41 =	vld.idx.msk [tilespmem:v6+s24+$0x0], $0xffff  }
0x65: {  	vm2 =	vmor vm4, vm2;
	v28 =	vsel vm1, v37, v28;
	v23 =	vsub.f32 $1.500000000e+00, v23;
	v58 =	vld.idx.msk [tilespmem:v10+s24+$0x0], $0xffff  }
0x66: {  	vm1 =	vlt.f32 v27, $0.0e+00;
	v52 =	vsub.f32 $1.500000000e+00, v39;
	v36 =	vmul.f32 v36, v38;
	v54 =	vld.idx.msk [tilespmem:v14+s24+$0x0], $0xffff  }
0x67: {  	v31 =	vmul.f32 v31, v40;
	v25 =	vsel vm2, v32, v25;
	v23 =	vmul.f32 v23, v33;
	v56 =	vld.idx.msk [tilespmem:v18+s24+$0x0], $0xffff  }
0x68: {  	vm0 =	vmor vm0, vm1;
	v44 =	vmul.f32 v52, v34;
	v55 =	vmul.f32 v36, v35;
	v57 =	vld.idx.msk [tilespmem:v16+s24+$0x0], $0xffff  }
0x69: {  	v28 =	vmul.f32 v28, v30;
	v27 =	vsel vm0, v59, v27;
	v22 =	vmul.f32 v23, v22  }
0x6a: {  	v29 =	vmul.f32 v44, v29;
	v23 =	vsub.f32 v43, v41;
	v32 =	vmul.f32 v55, v36  }
0x6b: {  	v26 =	vmul.f32 v24, v19;
	v41 =	vsub.f32 v58, v60;
	v22 =	vmul.f32 v22, v31  }
0x6c: {  	v30 =	vand.u32 $0x7FFFFFFF, v23;
	v42 =	vsub.f32 $1.500000000e+00, v32;
	v61 =	vmul.f32 v29, v44  }
0x6d: {  	vm0 =	vgt.f32 v23, $0.0e+00;
	v34 =	vsub.f32 v53, v57;
	v45 =	vsub.f32 v56, v54  }
0x6e: {  	v43 =	vand.u32 $0x7FFFFFFF, v41;
	v58 =	vand.u32 $0x80000000, v41;
	vm4 =	vgt.f32 v41, $0.0e+00  }
0x6f: {  	v31 =	vmax.f32 v22, $-1.000000000e+01;
	v22 =	vadd.f32 $9.999999970e-07, v30;
	v46 =	vor.u32 v58, v1  }
0x70: {  	v49 =	vsub.f32 $1.500000000e+00, v61;
	v37 =	vmul.f32 v42, v36;
	v42 =	vand.u32 $0x80000000, v23  }
0x71: {  	v30 =	vmin.f32 v31, $1.000000000e+01;
	v62 =	vand.u32 $0x7FFFFFFF, v34;
	v56 =	vand.u32 $0x7FFFFFFF, v45  }
0x72: {  	vm1 =	vgt.f32 v34, $0.0e+00;
	v31 =	vshra.s32 v22, $0x1;
	v32 =	vadd.f32 $9.999999970e-07, v56  }
0x73: {  	v57 =	vand.u32 $0x80000000, v45;
	v63 =	vsub.s32 $0x5F3759DF, v31;
	v31 =	vmul.f32 $5.000000000e-01, v22  }
0x74: {  	vm2 =	vlt.f32 v45, $0.0e+00;
	v60 =	vshra.s32 v32, $0x1;
	v40 =	vmul.f32 $5.000000000e-01, v32  }
0x75: {  	vm3 =	vgt.f32 v45, $0.0e+00;
	v47 =	vmul.f32 v63, v31;
	v53 =	vsub.s32 $0x5F3759DF, v60  }
0x76: {  	v50 =	vand.u32 $0x80000000, v34;
	v33 =	vadd.f32 $9.999999970e-07, v62;
	v54 =	vmul.f32 v53, v40  }
0x77: {  	v29 =	vsub.f32 $0.0e+00, v30;
	v48 =	vor.u32 v57, v1;
	v47 =	vmul.f32 v63, v47  }
0x78: {  	v59 =	vshra.s32 v33, $0x1;
	v38 =	vmul.f32 $5.000000000e-01, v33;
	v62 =	vmul.f32 v53, v54  }
0x79: {  	vm3 =	vmor vm3, vm2;
	v52 =	vsub.s32 $0x5F3759DF, v59;
	v47 =	vsub.f32 $1.500000000e+00, v47  }
0x7a: {  	v51 =	vmul.f32 v49, v44;
	v61 =	vmul.f32 v52, v38;
	v54 =	vsub.f32 $1.500000000e+00, v62  }
0x7b: {  	vm2 =	vlt.f32 v34, $0.0e+00;
	v49 =	vld.idx.msk [tilespmem:v2+s25+$0x0], $0xffff;
	v44 =	vmul.f32 v63, v47;
	v63 =	vmul.f32 v37, v35  }
0x7c: {  	s10 =	simm.s32 $0x13C20;
	s12 =	simm.s32 $0x4;
	v39 =	vmul.f32 v52, v61;
	v35 =	vsel vm3, v48, v45;
	v45 =	vld.idx.msk [tilespmem:v3+s25+$0x0], $0xffff;
	v53 =	vmul.f32 v53, v54  }
0x7d: {  	s11 =	simm.s32 $0x13C20;
	s13 =	simm.s32 $0x2820;
	s14 =	simm.s32 $0xA0;
	[tilespmem:s10+$0x10] =	vst v30;
	vm3 =	vlt.f32 v41, $0.0e+00;
	v48 =	vld.idx.msk [tilespmem:v9+s25+$0x0], $0xffff;
	v36 =	vmul.f32 v44, v31;
	v47 =	vmul.f32 v63, v37  }
.LBB2_4:
0x7e: {  	v54 =	vld [tilespmem:s14+$0x0];
	s12 =	sadd.s32 $0x4, s12;
	v55 =	vadd.f32 $9.999999970e-07, v43;
	vm3 =	vmor vm4, vm3;
	v56 =	vsub.f32 $1.500000000e+00, v39;
	s10 =	sadd.s32 $0x40, s10  }
0x7f: {  	v57 =	vmul.f32 v26, v24;
	v26 =	vmovc v36;
	v39 =	vld [tilespmem:s14+$0xFFFFFFF0];
	p0 =	slt.u32 s12, $0x26C;
	v41 =	vsel vm3, v46, v41;
	v46 =	vmul.f32 v53, v40  }
0x80: {  	v43 =	vld [tilespmem:s14+$0xFFFFFFE0];
	v58 =	vshra.s32 v55, $0x1;
	v36 =	vmul.f32 $5.000000000e-01, v55;
	v52 =	vmul.f32 v52, v56  }
0x81: {  	v51 =	vmul.f32 v51, v21;
	v21 =	vmovc v33;
	v57 =	vsub.f32 $1.500000000e+00, v57;
	v56 =	vld [tilespmem:s13+$0x0];
	v59 =	vmul.f32 v46, v53  }
0x82: {  	v50 =	vor.u32 v50, v1;
	v33 =	vsub.s32 $0x5F3759DF, v58;
	v46 =	vld [tilespmem:s13+$0xFFFFFFE0];
	v58 =	vmul.f32 v52, v38  }
0x83: {  	v61 =	vmul.f32 v33, v36;
	v57 =	vmul.f32 v57, v24;
	v24 =	vmovc v44;
	v60 =	vld [tilespmem:s13+$0x10];
	v59 =	vsub.f32 $1.500000000e+00, v59  }
0x84: {  	vm1 =	vmor vm1, vm2;
	v51 =	vmul.f32 v51, v28;
	v44 =	vmul.f32 v58, v52;
	v58 =	vld.idx.msk [tilespmem:v18+s25+$0x0], $0xffff  }
0x85: {  	v28 =	vsel vm1, v50, v34;
	v50 =	vmul.f32 v57, v19;
	v19 =	vmovc v31;
	v62 =	vld [tilespmem:s14+$0x10];
	v34 =	vmul.f32 v59, v53  }
0x86: {  	v49 =	vmul.f32 v27, v49;
	v53 =	vmul.f32 v33, v61;
	v31 =	vld [tilespmem:s13+$0xFFFFFFF0];
	v44 =	vsub.f32 $1.500000000e+00, v44  }
0x87: {  	vm1 =	vlt.f32 v23, $0.0e+00;
	v27 =	vmul.f32 v34, v40;
	v40 =	vmul.f32 v50, v57;
	[tilespmem:v12+s0+$0x0] =	vst.idx.add.f32.msk $0xffff, v30  }
0x88: {  	vm0 =	vmor vm0, vm1;
	v30 =	vsub.f32 $1.500000000e+00, v53;
	v12 =	vmovc v14;
	v50 =	vld.idx.msk [tilespmem:v54+s24+$0x0], $0xffff;
	v44 =	vmul.f32 v44, v52;
	v14 =	vmovc v60  }
0x89: {  	v45 =	vmul.f32 v25, v45;
	v27 =	vmul.f32 v27, v34;
	v40 =	vsub.f32 $1.500000000e+00, v40;
	[tilespmem:v13+s0+$0x0] =	vst.idx.add.f32.msk $0xffff, v29  }
0x8a: {  	v25 =	vmovc v41;
	v53 =	vmul.f32 v33, v30;
	v33 =	vsub.f32 $1.500000000e+00, v47;
	v29 =	vld.idx.msk [tilespmem:v46+s24+$0x0], $0xffff;
	v30 =	vmul.f32 v44, v38  }
0x8b: {  	v28 =	vmul.f32 v28, v48;
	v13 =	vmovc v18;
	v38 =	vld.idx.msk [tilespmem:v43+s24+$0x0], $0xffff;
	v41 =	vsub.f32 $1.500000000e+00, v27;
	v40 =	vmul.f32 v40, v57  }
0x8c: {  	v18 =	vor.u32 v42, v1;
	v42 =	vmul.f32 v53, v36;
	v33 =	vmul.f32 v33, v37;
	v47 =	vld.idx.msk [tilespmem:v60+s24+$0x0], $0xffff  }
0x8d: {  	v27 =	vsel vm0, v18, v23;
	v37 =	vld.idx.msk [tilespmem:v62+s24+$0x0], $0xffff;
	v48 =	vmul.f32 v41, v34;
	v23 =	vmul.f32 v40, v17  }
0x8e: {  	v40 =	vmul.f32 v42, v53;
	v33 =	vmul.f32 v33, v20;
	v42 =	vmax.f32 v51, $-1.000000000e+01;
	v20 =	vmovc v55;
	v34 =	vld.idx.msk [tilespmem:v56+s24+$0x0], $0xffff  }
0x8f: {  	v35 =	vmul.f32 v35, v58;
	v18 =	vmovc v62;
	v17 =	vmovc v22;
	v41 =	vmin.f32 v42, $1.000000000e+01;
	v32 =	vmul.f32 v48, v32  }
0x90: {  	v22 =	vmul.f32 v23, v49;
	v33 =	vmul.f32 v33, v45;
	v45 =	vsub.f32 $0.0e+00, v41;
	v42 =	vld.idx.msk [tilespmem:v39+s24+$0x0], $0xffff;
	[tilespmem:s11+$0x0] =	vst v41  }
0x91: {  	v48 =	vsub.f32 $1.500000000e+00, v40;
	v23 =	vsub.f32 v38, v29;
	v38 =	vld.idx.msk [tilespmem:v31+s24+$0x0], $0xffff;
	v29 =	vmul.f32 v32, v35  }
0x92: {  	v35 =	vmul.f32 v30, v44;
	v32 =	vmax.f32 v22, $-1.000000000e+01;
	v33 =	vmax.f32 v33, $-1.000000000e+01;
	[tilespmem:v11+s0+$0x0] =	vst.idx.add.f32.msk $0xffff, v41;
	v11 =	vmovc v16  }
0x93: {  	v40 =	vand.u32 $0x7FFFFFFF, v23;
	vm0 =	vgt.f32 v23, $0.0e+00;
	v29 =	vmax.f32 v29, $-1.000000000e+01;
	[tilespmem:v7+s0+$0x0] =	vst.idx.add.f32.msk $0xffff, v45;
	v7 =	vmovc v9;
	v9 =	vmovc v54  }
0x94: {  	v33 =	vmin.f32 v33, $1.000000000e+01;
	v16 =	vmovc v56;
	v22 =	vadd.f32 $9.999999970e-07, v40;
	v30 =	vmin.f32 v29, $1.000000000e+01  }
0x95: {  	v32 =	vmin.f32 v32, $1.000000000e+01;
	v34 =	vsub.f32 v50, v34;
	v40 =	vsub.f32 $0.0e+00, v33;
	[tilespmem:s11+$0xFFFFFFF0] =	vst v33  }
0x96: {  	v49 =	vsub.f32 $0.0e+00, v32;
	v45 =	vshra.s32 v22, $0x1;
	v29 =	vsub.f32 $0.0e+00, v30;
	[tilespmem:v5+s0+$0x0] =	vst.idx.add.f32.msk $0xffff, v33;
	v5 =	vmovc v15;
	v15 =	vmovc v31  }
0x97: {  	v41 =	vsub.f32 v42, v38;
	v33 =	vand.u32 $0x7FFFFFFF, v34;
	v42 =	vsub.f32 v37, v47;
	[tilespmem:s11+$0xFFFFFFE0] =	vst v32;
	s11 =	smov.u32 s10  }
0x98: {  	v45 =	vsub.s32 $0x5F3759DF, v45;
	v31 =	vmul.f32 $5.000000000e-01, v22;
	v33 =	vadd.f32 $9.999999970e-07, v33;
	[tilespmem:v4+s0+$0x0] =	vst.idx.add.f32.msk $0xffff, v32;
	v4 =	vmovc v6;
	v6 =	vmovc v46  }
0x99: {  	vm1 =	vgt.f32 v34, $0.0e+00;
	v32 =	vand.u32 $0x7FFFFFFF, v42;
	v37 =	vand.u32 $0x80000000, v42;
	[tilespmem:v2+s0+$0x0] =	vst.idx.add.f32.msk $0xffff, v49;
	v2 =	vmovc v8;
	v8 =	vmovc v43  }
0x9a: {  	v38 =	vand.u32 $0x80000000, v41;
	vm2 =	vlt.f32 v42, $0.0e+00;
	v43 =	vand.u32 $0x7FFFFFFF, v41;
	[tilespmem:v3+s0+$0x0] =	vst.idx.add.f32.msk $0xffff, v40;
	v3 =	vmovc v10;
	v10 =	vmovc v39  }
0x9b: {  	v32 =	vadd.f32 $9.999999970e-07, v32;
	v47 =	vor.u32 v37, v1;
	v39 =	vmul.f32 v45, v31;
	[tilespmem:s10+$0x10] =	vst v30  }
0x9c: {  	v35 =	vsub.f32 $1.500000000e+00, v35;
	vm3 =	vgt.f32 v42, $0.0e+00;
	v46 =	vor.u32 v38, v1  }
0x9d: {  	v37 =	vshra.s32 v33, $0x1;
	v38 =	vshra.s32 v32, $0x1;
	v40 =	vmul.f32 $5.000000000e-01, v32  }
0x9e: {  	vm3 =	vmor vm3, vm2;
	v39 =	vmul.f32 v45, v39;
	v54 =	vsub.s32 $0x5F3759DF, v38  }
0x9f: {  	v52 =	vsub.s32 $0x5F3759DF, v37;
	v38 =	vmul.f32 $5.000000000e-01, v33;
	v49 =	vmul.f32 v54, v40  }
0xa0: {  	v51 =	vmul.f32 v35, v44;
	v37 =	vmul.f32 v48, v53;
	v39 =	vsub.f32 $1.500000000e+00, v39  }
.Ltmp1:
0xa1: {  	v50 =	vand.u32 $0x80000000, v34;
	v35 =	vmul.f32 v52, v38;
	v48 =	vmul.f32 v54, v49;
	(pc) =	sbr.rel @p0 .LBB2_4-.Ltmp1, $4  }
0xa2: {  	vm2 =	vlt.f32 v34, $0.0e+00;
	v53 =	vmul.f32 v37, v36;
	v44 =	vmul.f32 v45, v39  }
0xa3: {  	v39 =	vmul.f32 v52, v35;
	v35 =	vsel vm3, v47, v42;
	v55 =	vsub.f32 $1.500000000e+00, v48;
	v45 =	vld.idx.msk [tilespmem:v3+s25+$0x0], $0xffff  }
0xa4: {  	v42 =	vand.u32 $0x80000000, v23;
	v47 =	vmul.f32 v53, v37;
	v36 =	vmul.f32 v44, v31;
	v49 =	vld.idx.msk [tilespmem:v2+s25+$0x0], $0xffff  }
0xa5: {  	s14 =	sadd.s32 $0x40, s14;
	s13 =	sadd.s32 $0x40, s13;
	vm4 =	vgt.f32 v41, $0.0e+00;
	vm3 =	vlt.f32 v41, $0.0e+00;
	v53 =	vmul.f32 v54, v55;
	v48 =	vld.idx.msk [tilespmem:v9+s25+$0x0], $0xffff  }
0xa6: {  	v39 =	vsub.f32 $1.500000000e+00, v39;
	v43 =	vadd.f32 $9.999999970e-07, v43;
	vm3 =	vmor vm4, vm3  }
0xa7: {  	v26 =	vmul.f32 v26, v24;
	v21 =	vmul.f32 v51, v21;
	v50 =	vor.u32 v50, v1  }
0xa8: {  	vm1 =	vmor vm1, vm2;
	v57 =	vshra.s32 v43, $0x1;
	v55 =	vmul.f32 $5.000000000e-01, v43  }
0xa9: {  	v54 =	vmul.f32 v53, v40;
	v39 =	vmul.f32 v52, v39;
	v52 =	vsub.s32 $0x5F3759DF, v57  }
0xaa: {  	v36 =	vmul.f32 v36, v44;
	v26 =	vsub.f32 $1.500000000e+00, v26;
	v58 =	vmul.f32 v52, v55  }
0xab: {  	vm13 =	vlt.f32 v23, $0.0e+00;
	v54 =	vmul.f32 v54, v53;
	v56 =	vmul.f32 v39, v38  }
0xac: {  	v41 =	vsel vm3, v46, v41;
	v60 =	vmul.f32 v26, v24;
	v62 =	vmul.f32 v52, v58  }
0xad: {  	v21 =	vmul.f32 v21, v28;
	v25 =	vmul.f32 v25, v45;
	v59 =	vsub.f32 $1.500000000e+00, v54  }
0xae: {  	v61 =	vmul.f32 v56, v39;
	v19 =	vmul.f32 v60, v19;
	v28 =	vsub.f32 $1.500000000e+00, v62  }
0xaf: {  	v34 =	vsel vm1, v50, v34;
	v27 =	vmul.f32 v27, v49;
	v63 =	vmul.f32 v59, v53  }
0xb0: {  	v58 =	vld.idx.msk [tilespmem:v18+s25+$0x0], $0xffff;
	v26 =	vsub.f32 $1.500000000e+00, v61;
	v19 =	vmul.f32 v19, v60;
	v28 =	vmul.f32 v52, v28  }
0xb1: {  	v34 =	vmul.f32 v34, v48;
	v50 =	vmul.f32 v63, v40;
	v52 =	vsub.f32 $1.500000000e+00, v47  }
0xb2: {  	v26 =	vmul.f32 v26, v39;
	v19 =	vsub.f32 $1.500000000e+00, v19;
	v54 =	vmul.f32 v28, v55  }
0xb3: {  	v57 =	vor.u32 v42, v1;
	v51 =	vmul.f32 v50, v63;
	v37 =	vmul.f32 v52, v37  }
0xb4: {  	v21 =	vmax.f32 v21, $-1.000000000e+01;
	v19 =	vmul.f32 v19, v60;
	v56 =	vmul.f32 v54, v28  }
0xb5: {  	v53 =	vmul.f32 v26, v38;
	v38 =	vmul.f32 v35, v58;
	v39 =	vsub.f32 $1.500000000e+00, v51  }
0xb6: {  	v20 =	vmul.f32 v37, v20;
	v59 =	vmul.f32 v19, v17;
	v24 =	vsub.f32 $1.500000000e+00, v56  }
0xb7: {  	[tilespmem:v12+s0+$0x0] =	vst.idx.add.f32.msk $0xffff, v30;
	v61 =	vmin.f32 v21, $1.000000000e+01;
	v30 =	vmul.f32 v53, v26;
	v39 =	vmul.f32 v39, v63  }
0xb8: {  	[tilespmem:v13+s0+$0x0] =	vst.idx.add.f32.msk $0xffff, v29;
	v62 =	vmul.f32 v20, v25;
	v63 =	vmul.f32 v24, v28;
	v28 =	vsub.f32 $1.500000000e+00, v36  }
0xb9: {  	[tilespmem:s11+$0x0] =	vst v61;
	v29 =	vsub.f32 $0.0e+00, v61;
	v12 =	vmul.f32 v59, v27;
	v60 =	vmul.f32 v39, v32  }
0xba: {  	[tilespmem:v11+s0+$0x0] =	vst.idx.add.f32.msk $0xffff, v61;
	v13 =	vmax.f32 v62, $-1.000000000e+01;
	v32 =	vmul.f32 v63, v55;
	v36 =	vmul.f32 v28, v44  }
0xbb: {  	[tilespmem:v7+s0+$0x0] =	vst.idx.add.f32.msk $0xffff, v29;
	v42 =	vsub.f32 $1.500000000e+00, v30;
	v12 =	vmax.f32 v12, $-1.000000000e+01;
	v39 =	vmin.f32 v13, $1.000000000e+01  }
0xbc: {  	v12 =	vmin.f32 v12, $1.000000000e+01;
	[tilespmem:s11+$0xFFFFFFF0] =	vst v39;
	v44 =	vld.idx.msk [tilespmem:v10+s25+$0x0], $0xffff;
	v11 =	vmul.f32 v32, v63;
	v45 =	vmul.f32 v36, v31  }
0xbd: {  	vm0 =	vmor vm0, vm13;
	v48 =	vld.idx.msk [tilespmem:v8+s25+$0x0], $0xffff;
	v46 =	vmul.f32 v42, v26;
	v17 =	vmul.f32 v60, v38;
	[tilespmem:s11+$0xFFFFFFE0] =	vst v12  }
0xbe: {  	v47 =	vsub.f32 $0.0e+00, v12;
	[tilespmem:v5+s0+$0x0] =	vst.idx.add.f32.msk $0xffff, v39;
	v25 =	vmul.f32 v45, v36;
	v11 =	vsub.f32 $1.500000000e+00, v11  }
0xbf: {  	v49 =	vsel vm0, v57, v23;
	v7 =	vsub.f32 $0.0e+00, v39;
	v50 =	vmul.f32 v46, v33;
	[tilespmem:v4+s0+$0x0] =	vst.idx.add.f32.msk $0xffff, v12  }
0xc0: {  	v51 =	vmax.f32 v17, $-1.000000000e+01;
	[tilespmem:v2+s0+$0x0] =	vst.idx.add.f32.msk $0xffff, v47;
	v2 =	vsub.f32 $1.500000000e+00, v25;
	v11 =	vmul.f32 v11, v63  }
0xc1: {  	s10 =	sadd.s32 $0x40, s10;
	v5 =	vmin.f32 v51, $1.000000000e+01;
	[tilespmem:v3+s0+$0x0] =	vst.idx.add.f32.msk $0xffff, v7;
	v3 =	vmul.f32 v50, v34;
	v52 =	vmul.f32 v41, v44  }
0xc2: {  	v53 =	vsub.f32 $0.0e+00, v5;
	[tilespmem:s10+$0x10] =	vst v5;
	v2 =	vmul.f32 v2, v36;
	v11 =	vmul.f32 v11, v43  }
0xc3: {  	v54 =	vmul.f32 v49, v48;
	[tilespmem:v14+s0+$0x0] =	vst.idx.add.f32.msk $0xffff, v5;
	v3 =	vmax.f32 v3, $-1.000000000e+01  }
0xc4: {  	[tilespmem:v18+s0+$0x0] =	vst.idx.add.f32.msk $0xffff, v53;
	v3 =	vmin.f32 v3, $1.000000000e+01;
	v2 =	vmul.f32 v2, v22;
	v4 =	vmul.f32 v11, v52  }
0xc5: {  	[tilespmem:s10+$0x0] =	vst v3;
	v55 =	vsub.f32 $0.0e+00, v3  }
0xc6: {  	[tilespmem:v16+s0+$0x0] =	vst.idx.add.f32.msk $0xffff, v3;
	v2 =	vmul.f32 v2, v54;
	v4 =	vmax.f32 v4, $-1.000000000e+01  }
0xc7: {  	[tilespmem:v9+s0+$0x0] =	vst.idx.add.f32.msk $0xffff, v55;
	v3 =	vmin.f32 v4, $1.000000000e+01  }
0xc8: {  	v2 =	vmax.f32 v2, $-1.000000000e+01;
	[tilespmem:s10+$0xFFFFFFF0] =	vst v3  }
0xc9: {  	v2 =	vmin.f32 v2, $1.000000000e+01;
	[tilespmem:v15+s0+$0x0] =	vst.idx.add.f32.msk $0xffff, v3  }
0xca: {  	v3 =	vsub.f32 $0.0e+00, v3;
	[tilespmem:s10+$0xFFFFFFE0] =	vst v2  }
0xcb: {  	v56 =	vsub.f32 $0.0e+00, v2;
	[tilespmem:v6+s0+$0x0] =	vst.idx.add.f32.msk $0xffff, v2  }
0xcc: {  	[tilespmem:v10+s0+$0x0] =	vst.idx.add.f32.msk $0xffff, v3  }
0xcd: {  	[tilespmem:v8+s0+$0x0] =	vst.idx.add.f32.msk $0xffff, v56  }
0xce: {  	v2 =	vld [tilespmem:$0x2700]  }
0xcf: {  	v3 =	vld [tilespmem:$0x4E80];
	_ =	sdelay $0x6  }
0xd0: {  	v4 =	vld.idx.msk [tilespmem:v2+s24+$0x0], $0xffff  }
0xd1: {  	v5 =	vld.idx.msk [tilespmem:v3+s24+$0x0], $0xffff;
	_ =	sdelay $0x4  }
0xd2: {  	v4 =	vsub.f32 v4, v5;
	_ =	sdelay $0x1  }
0xd3: {  	v5 =	vand.u32 $0x7FFFFFFF, v4  }
0xd4: {  	v5 =	vadd.f32 $9.999999970e-07, v5;
	_ =	sdelay $0x1  }
0xd5: {  	v57 =	vshra.s32 v5, $0x1;
	v58 =	vmul.f32 $5.000000000e-01, v5  }
0xd6: {  	v6 =	vsub.s32 $0x5F3759DF, v57  }
0xd7: {  	v59 =	vmul.f32 v6, v58;
	_ =	sdelay $0x1  }
0xd8: {  	v8 =	vmul.f32 v6, v59;
	_ =	sdelay $0x1  }
0xd9: {  	v8 =	vsub.f32 $1.500000000e+00, v8;
	_ =	sdelay $0x1  }
0xda: {  	v6 =	vmul.f32 v6, v8;
	_ =	sdelay $0x1  }
0xdb: {  	v8 =	vmul.f32 v6, v58;
	_ =	sdelay $0x1  }
0xdc: {  	v8 =	vmul.f32 v8, v6;
	_ =	sdelay $0x1  }
0xdd: {  	v8 =	vsub.f32 $1.500000000e+00, v8;
	_ =	sdelay $0x1  }
0xde: {  	v6 =	vmul.f32 v8, v6;
	_ =	sdelay $0x1  }
0xdf: {  	v7 =	vmul.f32 v6, v58;
	_ =	sdelay $0x1  }
0xe0: {  	v7 =	vmul.f32 v7, v6  }
0xe1: {  	v60 =	vld.idx.msk [tilespmem:v2+s25+$0x0], $0xffff  }
0xe2: {  	v7 =	vsub.f32 $1.500000000e+00, v7  }
0xe3: {  	v61 =	vand.u32 $0x80000000, v4;
	vm14 =	vlt.f32 v4, $0.0e+00;
	vm15 =	vgt.f32 v4, $0.0e+00  }
0xe4: {  	v62 =	vor.u32 v61, v1;
	vm0 =	vmor vm15, vm14;
	v6 =	vmul.f32 v7, v6  }
0xe5: {  	v4 =	vsel vm0, v62, v4  }
0xe6: {  	v4 =	vmul.f32 v4, v60;
	v5 =	vmul.f32 v6, v5;
	_ =	sdelay $0x1  }
0xe7: {  	v4 =	vmul.f32 v5, v4;
	_ =	sdelay $0x1  }
0xe8: {  	v4 =	vmax.f32 v4, $-1.000000000e+01  }
0xe9: {  	v4 =	vmin.f32 v4, $1.000000000e+01  }
0xea: {  	[tilespmem:$0x16300] =	vst v4;
	v63 =	vsub.f32 $0.0e+00, v4  }
0xeb: {  	[tilespmem:v3+s0+$0x0] =	vst.idx.add.f32.msk $0xffff, v4  }
0xec: {  	s11 =	simm.s32 $0x13C00;
	[tilespmem:v2+s0+$0x0] =	vst.idx.add.f32.msk $0xffff, v63  }
0xed: {  	[hbm4b:s9+s4] =	stream.linear.scatter [tilespmem:s11], [sflag:$0x3], $0x2710, $0x38;
	[tilespmem:$0x18B00] =	vst v63  }
0xee: {  	s12 =	rddreg [dreg:$0x9]  }
0xef: {  	[hbm4b:s12+s22] =	stream.strided.scatter [tilespmem:s0], [sflag:$0x5], $0x2780, s1, s22, $0x38;
	[tilespmem:$0x18B00] =	vst v63  }
0xf0: {  	_ =	swait.ge [sflag:s29], $0x2780  }
0xf1: {  	[sflag:s29] =	ssyncset.done $0x0  }
0xf2: {  	[sflag:s29] =	ssyncadd.s32 $0xFFFFD880  }
0xf3: {  	_ =	swait.ge [sflag:s30], $0x2780  }
0xf4: {  	[sflag:s30] =	ssyncset.done $0x0  }
0xf5: {  	s13 =	rddreg [dreg:$0xa];
	[sflag:s30] =	ssyncadd.s32 $0xFFFFD880  }
0xf6: {  	[tilespmem:s24], [sflag:$0x1] =	stream.strided.gather [hbm4b:s13+s22], $0x2780, s23, s22, $0x38;
	[tilespmem:$0x18B00] =	vst v63  }
0xf7: {  	s10 =	simm.s32 $0x114C0;
	s14 =	rddreg [dreg:$0xb]  }
0xf8: {  	[tilespmem:s25], [sflag:$0x2] =	stream.strided.gather [hbm4b:s14+s22], $0x2780, s23, s22, $0x38;
	[tilespmem:$0x18B00] =	vst v63  }
0xf9: {  	[tilespmem:s10+$0xFFFFFFC0] =	vst v0  }
0xfa: {  	[tilespmem:s10+$0x30] =	vst v0  }
0xfb: {  	[tilespmem:s10+$0x20] =	vst v0  }
0xfc: {  	[tilespmem:s10+$0x10] =	vst v0  }
0xfd: {  	[tilespmem:s10+$0x0] =	vst v0  }
0xfe: {  	[tilespmem:s10+$0xFFFFFFF0] =	vst v0  }
0xff: {  	s11 =	simm.s32 $0x0;
	[tilespmem:s10+$0xFFFFFFE0] =	vst v0  }
.LBB2_6:
0x100: {  	s11 =	sadd.s32 $0x8, s11;
	[tilespmem:s10+$0xFFFFFFD0] =	vst v0;
	s10 =	sadd.s32 $0x80, s10  }
0x101: {  	[tilespmem:s10+$0xFFFFFFC0] =	vst v0;
	p0 =	slt.u32 s11, $0x268  }
0x102: {  	[tilespmem:s10+$0x30] =	vst v0  }
.Ltmp2:
0x103: {  	[tilespmem:s10+$0x20] =	vst v0;
	(pc) =	sbr.rel @p0 .LBB2_6-.Ltmp2, $4  }
0x104: {  	[tilespmem:s10+$0x10] =	vst v0  }
0x105: {  	[tilespmem:s10+$0x0] =	vst v0  }
0x106: {  	[tilespmem:s10+$0xFFFFFFF0] =	vst v0  }
0x107: {  	[tilespmem:s10+$0xFFFFFFE0] =	vst v0  }
0x108: {  	[tilespmem:s10+$0xFFFFFFD0] =	vst v0  }
0x109: {  	s12 =	simm.s32 $0x27A0;
	[tilespmem:$0x13B80] =	vst v0  }
0x10a: {  	s11 =	simm.s32 $0x20;
	v12 =	vld [tilespmem:s12+$0x10]  }
0x10b: {  	v13 =	vld [tilespmem:s11+$0x10];
	_ =	sdelay $0x2  }
0x10c: {  	v4 =	vld [tilespmem:s12+$0xFFFFFFE0]  }
0x10d: {  	v2 =	vld [tilespmem:s11+$0xFFFFFFE0]  }
0x10e: {  	v7 =	vld [tilespmem:s11+$0x0]  }
0x10f: {  	v11 =	vld [tilespmem:s12+$0x0]  }
0x110: {  	v6 =	vld.idx.msk [tilespmem:v12+s31+$0x0], $0xffff  }
0x111: {  	v8 =	vld.idx.msk [tilespmem:v13+s31+$0x0], $0xffff  }
0x112: {  	v3 =	vld [tilespmem:s11+$0xFFFFFFF0]  }
0x113: {  	v5 =	vld [tilespmem:s12+$0xFFFFFFF0];
	_ =	sdelay $0x1  }
0x114: {  	v9 =	vld.idx.msk [tilespmem:v4+s31+$0x0], $0xffff  }
0x115: {  	v10 =	vld.idx.msk [tilespmem:v2+s31+$0x0], $0xffff;
	v15 =	vsub.f32 v8, v6;
	_ =	sdelay $0x1  }
0x116: {  	v8 =	vld.idx.msk [tilespmem:v7+s31+$0x0], $0xffff;
	v6 =	vand.u32 $0x7FFFFFFF, v15  }
0x117: {  	v22 =	vadd.f32 $9.999999970e-07, v6;
	v6 =	vld.idx.msk [tilespmem:v11+s31+$0x0], $0xffff  }
0x118: {  	v14 =	vld.idx.msk [tilespmem:v3+s31+$0x0], $0xffff  }
0x119: {  	v27 =	vsub.f32 v10, v9;
	v10 =	vld.idx.msk [tilespmem:v5+s31+$0x0], $0xffff;
	v9 =	vshra.s32 v22, $0x1;
	v23 =	vmul.f32 $5.000000000e-01, v22  }
0x11a: {  	v9 =	vsub.s32 $0x5F3759DF, v9  }
0x11b: {  	v18 =	vmul.f32 v9, v23  }
0x11c: {  	v16 =	vand.u32 $0x7FFFFFFF, v27;
	vm2 =	vlt.f32 v15, $0.0e+00;
	v28 =	vsub.f32 v8, v6  }
0x11d: {  	vm3 =	vgt.f32 v15, $0.0e+00;
	v17 =	vadd.f32 $9.999999970e-07, v16;
	v6 =	vmul.f32 v9, v18  }
0x11e: {  	vm2 =	vmor vm3, vm2;
	v25 =	vsub.f32 v14, v10;
	v10 =	vand.u32 $0x7FFFFFFF, v28  }
0x11f: {  	v8 =	vshra.s32 v17, $0x1;
	v6 =	vsub.f32 $1.500000000e+00, v6;
	v21 =	vadd.f32 $9.999999970e-07, v10  }
0x120: {  	v19 =	vmul.f32 $5.000000000e-01, v17;
	v16 =	vsub.s32 $0x5F3759DF, v8;
	v8 =	vand.u32 $0x80000000, v15  }
0x121: {  	v30 =	vld.idx.msk [tilespmem:v7+s3+$0x0], $0xffff;
	v18 =	vmul.f32 v9, v6;
	v9 =	vshra.s32 v21, $0x1;
	v29 =	vmul.f32 $5.000000000e-01, v21  }
0x122: {  	s13 =	simm.s32 $0x60;
	v40 =	vld.idx.msk [tilespmem:v13+s3+$0x0], $0xffff;
	v26 =	vmul.f32 v16, v19;
	v31 =	vor.u32 v8, v1;
	v24 =	vsub.s32 $0x5F3759DF, v9  }
0x123: {  	s14 =	simm.s32 $0x27E0;
	v8 =	vld [tilespmem:s13+$0xFFFFFFE0];
	v10 =	vand.u32 $0x80000000, v25;
	v14 =	vmul.f32 v18, v23;
	v20 =	vmul.f32 v24, v29  }
0x124: {  	v31 =	vsel vm2, v31, v15;
	v15 =	vld [tilespmem:s14+$0xFFFFFFF0];
	v32 =	vor.u32 v10, v1;
	v6 =	vand.u32 $0x7FFFFFFF, v25  }
0x125: {  	v9 =	vld [tilespmem:s13+$0x0];
	v10 =	vmul.f32 v14, v18;
	v14 =	vmul.f32 v24, v20;
	v20 =	vadd.f32 $9.999999970e-07, v6  }
0x126: {  	vm0 =	vgt.f32 v27, $0.0e+00;
	v42 =	vand.u32 $0x80000000, v27;
	v26 =	vmul.f32 v16, v26;
	v6 =	vld [tilespmem:s14+$0xFFFFFFE0]  }
0x127: {  	v33 =	vsub.f32 $1.500000000e+00, v10;
	v34 =	vsub.f32 $1.500000000e+00, v14;
	v10 =	vld [tilespmem:s13+$0xFFFFFFF0];
	v14 =	vshra.s32 v20, $0x1  }
0x128: {  	v26 =	vsub.f32 $1.500000000e+00, v26;
	v35 =	vmul.f32 $5.000000000e-01, v20;
	v36 =	vsub.s32 $0x5F3759DF, v14;
	v14 =	vld [tilespmem:s14+$0x10]  }
0x129: {  	v59 =	vor.u32 v42, v1;
	v33 =	vmul.f32 v33, v18;
	v34 =	vmul.f32 v24, v34;
	v18 =	vld [tilespmem:s13+$0x10]  }
0x12a: {  	vm4 =	vgt.f32 v25, $0.0e+00;
	v38 =	vmul.f32 v36, v35;
	v24 =	vmul.f32 v16, v26;
	v16 =	vld [tilespmem:s14+$0x0]  }
0x12b: {  	vm1 =	vgt.f32 v28, $0.0e+00;
	v37 =	vand.u32 $0x80000000, v28;
	v43 =	vld.idx.msk [tilespmem:v8+s31+$0x0], $0xffff;
	v23 =	vmul.f32 v33, v23  }
0x12c: {  	vm3 =	vlt.f32 v28, $0.0e+00;
	v60 =	vld.idx.msk [tilespmem:v15+s31+$0x0], $0xffff;
	v39 =	vmul.f32 v34, v29;
	v38 =	vmul.f32 v36, v38  }
0x12d: {  	vm2 =	vlt.f32 v25, $0.0e+00;
	v37 =	vor.u32 v37, v1;
	v53 =	vld.idx.msk [tilespmem:v9+s31+$0x0], $0xffff;
	v23 =	vmul.f32 v23, v33  }
0x12e: {  	vm1 =	vmor vm1, vm3;
	v39 =	vmul.f32 v39, v34;
	v38 =	vsub.f32 $1.500000000e+00, v38;
	v41 =	vld.idx.msk [tilespmem:v6+s31+$0x0], $0xffff  }
0x12f: {  	vm2 =	vmor vm4, vm2;
	v28 =	vsel vm1, v37, v28;
	v23 =	vsub.f32 $1.500000000e+00, v23;
	v58 =	vld.idx.msk [tilespmem:v10+s31+$0x0], $0xffff  }
0x130: {  	vm1 =	vlt.f32 v27, $0.0e+00;
	v52 =	vsub.f32 $1.500000000e+00, v39;
	v36 =	vmul.f32 v36, v38;
	v54 =	vld.idx.msk [tilespmem:v14+s31+$0x0], $0xffff  }
0x131: {  	v31 =	vmul.f32 v31, v40;
	v25 =	vsel vm2, v32, v25;
	v23 =	vmul.f32 v23, v33;
	v56 =	vld.idx.msk [tilespmem:v18+s31+$0x0], $0xffff  }
0x132: {  	vm0 =	vmor vm0, vm1;
	v44 =	vmul.f32 v52, v34;
	v55 =	vmul.f32 v36, v35;
	v57 =	vld.idx.msk [tilespmem:v16+s31+$0x0], $0xffff  }
0x133: {  	v28 =	vmul.f32 v28, v30;
	v27 =	vsel vm0, v59, v27;
	v22 =	vmul.f32 v23, v22  }
0x134: {  	v29 =	vmul.f32 v44, v29;
	v23 =	vsub.f32 v43, v41;
	v32 =	vmul.f32 v55, v36  }
0x135: {  	v26 =	vmul.f32 v24, v19;
	v41 =	vsub.f32 v58, v60;
	v22 =	vmul.f32 v22, v31  }
0x136: {  	v30 =	vand.u32 $0x7FFFFFFF, v23;
	v42 =	vsub.f32 $1.500000000e+00, v32;
	v61 =	vmul.f32 v29, v44  }
0x137: {  	vm0 =	vgt.f32 v23, $0.0e+00;
	v34 =	vsub.f32 v53, v57;
	v45 =	vsub.f32 v56, v54  }
0x138: {  	v43 =	vand.u32 $0x7FFFFFFF, v41;
	v58 =	vand.u32 $0x80000000, v41;
	vm4 =	vgt.f32 v41, $0.0e+00  }
0x139: {  	v31 =	vmax.f32 v22, $-1.000000000e+01;
	v22 =	vadd.f32 $9.999999970e-07, v30;
	v46 =	vor.u32 v58, v1  }
0x13a: {  	v49 =	vsub.f32 $1.500000000e+00, v61;
	v37 =	vmul.f32 v42, v36;
	v42 =	vand.u32 $0x80000000, v23  }
0x13b: {  	v30 =	vmin.f32 v31, $1.000000000e+01;
	v62 =	vand.u32 $0x7FFFFFFF, v34;
	v56 =	vand.u32 $0x7FFFFFFF, v45  }
0x13c: {  	vm1 =	vgt.f32 v34, $0.0e+00;
	v31 =	vshra.s32 v22, $0x1;
	v32 =	vadd.f32 $9.999999970e-07, v56  }
0x13d: {  	v57 =	vand.u32 $0x80000000, v45;
	v63 =	vsub.s32 $0x5F3759DF, v31;
	v31 =	vmul.f32 $5.000000000e-01, v22  }
0x13e: {  	vm2 =	vlt.f32 v45, $0.0e+00;
	v60 =	vshra.s32 v32, $0x1;
	v40 =	vmul.f32 $5.000000000e-01, v32  }
0x13f: {  	vm3 =	vgt.f32 v45, $0.0e+00;
	v47 =	vmul.f32 v63, v31;
	v53 =	vsub.s32 $0x5F3759DF, v60  }
0x140: {  	v50 =	vand.u32 $0x80000000, v34;
	v33 =	vadd.f32 $9.999999970e-07, v62;
	v54 =	vmul.f32 v53, v40  }
0x141: {  	v29 =	vsub.f32 $0.0e+00, v30;
	v48 =	vor.u32 v57, v1;
	v47 =	vmul.f32 v63, v47  }
0x142: {  	v59 =	vshra.s32 v33, $0x1;
	v38 =	vmul.f32 $5.000000000e-01, v33;
	v62 =	vmul.f32 v53, v54  }
0x143: {  	vm3 =	vmor vm3, vm2;
	v52 =	vsub.s32 $0x5F3759DF, v59;
	v47 =	vsub.f32 $1.500000000e+00, v47  }
0x144: {  	v51 =	vmul.f32 v49, v44;
	v61 =	vmul.f32 v52, v38;
	v54 =	vsub.f32 $1.500000000e+00, v62  }
0x145: {  	vm2 =	vlt.f32 v34, $0.0e+00;
	v49 =	vld.idx.msk [tilespmem:v2+s3+$0x0], $0xffff;
	v44 =	vmul.f32 v63, v47;
	v63 =	vmul.f32 v37, v35  }
0x146: {  	s10 =	simm.s32 $0x163A0;
	s12 =	simm.s32 $0x4;
	v39 =	vmul.f32 v52, v61;
	v35 =	vsel vm3, v48, v45;
	v45 =	vld.idx.msk [tilespmem:v3+s3+$0x0], $0xffff;
	v53 =	vmul.f32 v53, v54  }
0x147: {  	s11 =	simm.s32 $0x163A0;
	s13 =	simm.s32 $0x2820;
	s14 =	simm.s32 $0xA0;
	[tilespmem:s10+$0x10] =	vst v30;
	vm3 =	vlt.f32 v41, $0.0e+00;
	v48 =	vld.idx.msk [tilespmem:v9+s3+$0x0], $0xffff;
	v36 =	vmul.f32 v44, v31;
	v47 =	vmul.f32 v63, v37  }
.LBB2_8:
0x148: {  	v54 =	vld [tilespmem:s14+$0x0];
	s12 =	sadd.s32 $0x4, s12;
	v55 =	vadd.f32 $9.999999970e-07, v43;
	vm3 =	vmor vm4, vm3;
	v56 =	vsub.f32 $1.500000000e+00, v39;
	s10 =	sadd.s32 $0x40, s10  }
0x149: {  	v57 =	vmul.f32 v26, v24;
	v26 =	vmovc v36;
	v39 =	vld [tilespmem:s14+$0xFFFFFFF0];
	p0 =	slt.u32 s12, $0x26C;
	v41 =	vsel vm3, v46, v41;
	v46 =	vmul.f32 v53, v40  }
0x14a: {  	v43 =	vld [tilespmem:s14+$0xFFFFFFE0];
	v58 =	vshra.s32 v55, $0x1;
	v36 =	vmul.f32 $5.000000000e-01, v55;
	v52 =	vmul.f32 v52, v56  }
0x14b: {  	v51 =	vmul.f32 v51, v21;
	v21 =	vmovc v33;
	v57 =	vsub.f32 $1.500000000e+00, v57;
	v56 =	vld [tilespmem:s13+$0x0];
	v59 =	vmul.f32 v46, v53  }
0x14c: {  	v50 =	vor.u32 v50, v1;
	v33 =	vsub.s32 $0x5F3759DF, v58;
	v46 =	vld [tilespmem:s13+$0xFFFFFFE0];
	v58 =	vmul.f32 v52, v38  }
0x14d: {  	v61 =	vmul.f32 v33, v36;
	v57 =	vmul.f32 v57, v24;
	v24 =	vmovc v44;
	v60 =	vld [tilespmem:s13+$0x10];
	v59 =	vsub.f32 $1.500000000e+00, v59  }
0x14e: {  	vm1 =	vmor vm1, vm2;
	v51 =	vmul.f32 v51, v28;
	v44 =	vmul.f32 v58, v52;
	v58 =	vld.idx.msk [tilespmem:v18+s3+$0x0], $0xffff  }
0x14f: {  	v28 =	vsel vm1, v50, v34;
	v50 =	vmul.f32 v57, v19;
	v19 =	vmovc v31;
	v62 =	vld [tilespmem:s14+$0x10];
	v34 =	vmul.f32 v59, v53  }
0x150: {  	v49 =	vmul.f32 v27, v49;
	v53 =	vmul.f32 v33, v61;
	v31 =	vld [tilespmem:s13+$0xFFFFFFF0];
	v44 =	vsub.f32 $1.500000000e+00, v44  }
0x151: {  	vm1 =	vlt.f32 v23, $0.0e+00;
	v27 =	vmul.f32 v34, v40;
	v40 =	vmul.f32 v50, v57;
	[tilespmem:v12+s2+$0x0] =	vst.idx.add.f32.msk $0xffff, v30  }
0x152: {  	vm0 =	vmor vm0, vm1;
	v30 =	vsub.f32 $1.500000000e+00, v53;
	v12 =	vmovc v14;
	v50 =	vld.idx.msk [tilespmem:v54+s31+$0x0], $0xffff;
	v44 =	vmul.f32 v44, v52;
	v14 =	vmovc v60  }
0x153: {  	v45 =	vmul.f32 v25, v45;
	v27 =	vmul.f32 v27, v34;
	v40 =	vsub.f32 $1.500000000e+00, v40;
	[tilespmem:v13+s2+$0x0] =	vst.idx.add.f32.msk $0xffff, v29  }
0x154: {  	v25 =	vmovc v41;
	v53 =	vmul.f32 v33, v30;
	v33 =	vsub.f32 $1.500000000e+00, v47;
	v29 =	vld.idx.msk [tilespmem:v46+s31+$0x0], $0xffff;
	v30 =	vmul.f32 v44, v38  }
0x155: {  	v28 =	vmul.f32 v28, v48;
	v13 =	vmovc v18;
	v38 =	vld.idx.msk [tilespmem:v43+s31+$0x0], $0xffff;
	v41 =	vsub.f32 $1.500000000e+00, v27;
	v40 =	vmul.f32 v40, v57  }
0x156: {  	v18 =	vor.u32 v42, v1;
	v42 =	vmul.f32 v53, v36;
	v33 =	vmul.f32 v33, v37;
	v47 =	vld.idx.msk [tilespmem:v60+s31+$0x0], $0xffff  }
0x157: {  	v27 =	vsel vm0, v18, v23;
	v37 =	vld.idx.msk [tilespmem:v62+s31+$0x0], $0xffff;
	v48 =	vmul.f32 v41, v34;
	v23 =	vmul.f32 v40, v17  }
0x158: {  	v40 =	vmul.f32 v42, v53;
	v33 =	vmul.f32 v33, v20;
	v42 =	vmax.f32 v51, $-1.000000000e+01;
	v20 =	vmovc v55;
	v34 =	vld.idx.msk [tilespmem:v56+s31+$0x0], $0xffff  }
0x159: {  	v35 =	vmul.f32 v35, v58;
	v18 =	vmovc v62;
	v17 =	vmovc v22;
	v41 =	vmin.f32 v42, $1.000000000e+01;
	v32 =	vmul.f32 v48, v32  }
0x15a: {  	v22 =	vmul.f32 v23, v49;
	v33 =	vmul.f32 v33, v45;
	v45 =	vsub.f32 $0.0e+00, v41;
	v42 =	vld.idx.msk [tilespmem:v39+s31+$0x0], $0xffff;
	[tilespmem:s11+$0x0] =	vst v41  }
0x15b: {  	v48 =	vsub.f32 $1.500000000e+00, v40;
	v23 =	vsub.f32 v38, v29;
	v38 =	vld.idx.msk [tilespmem:v31+s31+$0x0], $0xffff;
	v29 =	vmul.f32 v32, v35  }
0x15c: {  	v35 =	vmul.f32 v30, v44;
	v32 =	vmax.f32 v22, $-1.000000000e+01;
	v33 =	vmax.f32 v33, $-1.000000000e+01;
	[tilespmem:v11+s2+$0x0] =	vst.idx.add.f32.msk $0xffff, v41;
	v11 =	vmovc v16  }
0x15d: {  	v40 =	vand.u32 $0x7FFFFFFF, v23;
	vm0 =	vgt.f32 v23, $0.0e+00;
	v29 =	vmax.f32 v29, $-1.000000000e+01;
	[tilespmem:v7+s2+$0x0] =	vst.idx.add.f32.msk $0xffff, v45;
	v7 =	vmovc v9;
	v9 =	vmovc v54  }
0x15e: {  	v33 =	vmin.f32 v33, $1.000000000e+01;
	v16 =	vmovc v56;
	v22 =	vadd.f32 $9.999999970e-07, v40;
	v30 =	vmin.f32 v29, $1.000000000e+01  }
0x15f: {  	v32 =	vmin.f32 v32, $1.000000000e+01;
	v34 =	vsub.f32 v50, v34;
	v40 =	vsub.f32 $0.0e+00, v33;
	[tilespmem:s11+$0xFFFFFFF0] =	vst v33  }
0x160: {  	v49 =	vsub.f32 $0.0e+00, v32;
	v45 =	vshra.s32 v22, $0x1;
	v29 =	vsub.f32 $0.0e+00, v30;
	[tilespmem:v5+s2+$0x0] =	vst.idx.add.f32.msk $0xffff, v33;
	v5 =	vmovc v15;
	v15 =	vmovc v31  }
0x161: {  	v41 =	vsub.f32 v42, v38;
	v33 =	vand.u32 $0x7FFFFFFF, v34;
	v42 =	vsub.f32 v37, v47;
	[tilespmem:s11+$0xFFFFFFE0] =	vst v32;
	s11 =	smov.u32 s10  }
0x162: {  	v45 =	vsub.s32 $0x5F3759DF, v45;
	v31 =	vmul.f32 $5.000000000e-01, v22;
	v33 =	vadd.f32 $9.999999970e-07, v33;
	[tilespmem:v4+s2+$0x0] =	vst.idx.add.f32.msk $0xffff, v32;
	v4 =	vmovc v6;
	v6 =	vmovc v46  }
0x163: {  	vm1 =	vgt.f32 v34, $0.0e+00;
	v32 =	vand.u32 $0x7FFFFFFF, v42;
	v37 =	vand.u32 $0x80000000, v42;
	[tilespmem:v2+s2+$0x0] =	vst.idx.add.f32.msk $0xffff, v49;
	v2 =	vmovc v8;
	v8 =	vmovc v43  }
0x164: {  	v38 =	vand.u32 $0x80000000, v41;
	vm2 =	vlt.f32 v42, $0.0e+00;
	v43 =	vand.u32 $0x7FFFFFFF, v41;
	[tilespmem:v3+s2+$0x0] =	vst.idx.add.f32.msk $0xffff, v40;
	v3 =	vmovc v10;
	v10 =	vmovc v39  }
0x165: {  	v32 =	vadd.f32 $9.999999970e-07, v32;
	v47 =	vor.u32 v37, v1;
	v39 =	vmul.f32 v45, v31;
	[tilespmem:s10+$0x10] =	vst v30  }
0x166: {  	v35 =	vsub.f32 $1.500000000e+00, v35;
	vm3 =	vgt.f32 v42, $0.0e+00;
	v46 =	vor.u32 v38, v1  }
0x167: {  	v37 =	vshra.s32 v33, $0x1;
	v38 =	vshra.s32 v32, $0x1;
	v40 =	vmul.f32 $5.000000000e-01, v32  }
0x168: {  	vm3 =	vmor vm3, vm2;
	v39 =	vmul.f32 v45, v39;
	v54 =	vsub.s32 $0x5F3759DF, v38  }
0x169: {  	v52 =	vsub.s32 $0x5F3759DF, v37;
	v38 =	vmul.f32 $5.000000000e-01, v33;
	v49 =	vmul.f32 v54, v40  }
0x16a: {  	v51 =	vmul.f32 v35, v44;
	v37 =	vmul.f32 v48, v53;
	v39 =	vsub.f32 $1.500000000e+00, v39  }
.Ltmp3:
0x16b: {  	v50 =	vand.u32 $0x80000000, v34;
	v35 =	vmul.f32 v52, v38;
	v48 =	vmul.f32 v54, v49;
	(pc) =	sbr.rel @p0 .LBB2_8-.Ltmp3, $4  }
0x16c: {  	vm2 =	vlt.f32 v34, $0.0e+00;
	v53 =	vmul.f32 v37, v36;
	v44 =	vmul.f32 v45, v39  }
0x16d: {  	v39 =	vmul.f32 v52, v35;
	v35 =	vsel vm3, v47, v42;
	v55 =	vsub.f32 $1.500000000e+00, v48;
	v45 =	vld.idx.msk [tilespmem:v3+s3+$0x0], $0xffff  }
0x16e: {  	v42 =	vand.u32 $0x80000000, v23;
	v47 =	vmul.f32 v53, v37;
	v36 =	vmul.f32 v44, v31;
	v49 =	vld.idx.msk [tilespmem:v2+s3+$0x0], $0xffff  }
0x16f: {  	s14 =	sadd.s32 $0x40, s14;
	s13 =	sadd.s32 $0x40, s13;
	vm4 =	vgt.f32 v41, $0.0e+00;
	vm3 =	vlt.f32 v41, $0.0e+00;
	v53 =	vmul.f32 v54, v55;
	v48 =	vld.idx.msk [tilespmem:v9+s3+$0x0], $0xffff  }
0x170: {  	v39 =	vsub.f32 $1.500000000e+00, v39;
	v43 =	vadd.f32 $9.999999970e-07, v43;
	vm3 =	vmor vm4, vm3  }
0x171: {  	v26 =	vmul.f32 v26, v24;
	v21 =	vmul.f32 v51, v21;
	v50 =	vor.u32 v50, v1  }
0x172: {  	vm1 =	vmor vm1, vm2;
	v57 =	vshra.s32 v43, $0x1;
	v55 =	vmul.f32 $5.000000000e-01, v43  }
0x173: {  	v54 =	vmul.f32 v53, v40;
	v39 =	vmul.f32 v52, v39;
	v52 =	vsub.s32 $0x5F3759DF, v57  }
0x174: {  	v36 =	vmul.f32 v36, v44;
	v26 =	vsub.f32 $1.500000000e+00, v26;
	v58 =	vmul.f32 v52, v55  }
0x175: {  	vm13 =	vlt.f32 v23, $0.0e+00;
	v54 =	vmul.f32 v54, v53;
	v56 =	vmul.f32 v39, v38  }
0x176: {  	v41 =	vsel vm3, v46, v41;
	v60 =	vmul.f32 v26, v24;
	v62 =	vmul.f32 v52, v58  }
0x177: {  	v21 =	vmul.f32 v21, v28;
	v25 =	vmul.f32 v25, v45;
	v59 =	vsub.f32 $1.500000000e+00, v54  }
0x178: {  	v61 =	vmul.f32 v56, v39;
	v19 =	vmul.f32 v60, v19;
	v28 =	vsub.f32 $1.500000000e+00, v62  }
0x179: {  	v34 =	vsel vm1, v50, v34;
	v27 =	vmul.f32 v27, v49;
	v63 =	vmul.f32 v59, v53  }
0x17a: {  	v58 =	vld.idx.msk [tilespmem:v18+s3+$0x0], $0xffff;
	v26 =	vsub.f32 $1.500000000e+00, v61;
	v19 =	vmul.f32 v19, v60;
	v28 =	vmul.f32 v52, v28  }
0x17b: {  	v34 =	vmul.f32 v34, v48;
	v50 =	vmul.f32 v63, v40;
	v52 =	vsub.f32 $1.500000000e+00, v47  }
0x17c: {  	v26 =	vmul.f32 v26, v39;
	v19 =	vsub.f32 $1.500000000e+00, v19;
	v54 =	vmul.f32 v28, v55  }
0x17d: {  	v57 =	vor.u32 v42, v1;
	v51 =	vmul.f32 v50, v63;
	v37 =	vmul.f32 v52, v37  }
0x17e: {  	v21 =	vmax.f32 v21, $-1.000000000e+01;
	v19 =	vmul.f32 v19, v60;
	v56 =	vmul.f32 v54, v28  }
0x17f: {  	v53 =	vmul.f32 v26, v38;
	v38 =	vmul.f32 v35, v58;
	v39 =	vsub.f32 $1.500000000e+00, v51  }
0x180: {  	v20 =	vmul.f32 v37, v20;
	v59 =	vmul.f32 v19, v17;
	v24 =	vsub.f32 $1.500000000e+00, v56  }
0x181: {  	[tilespmem:v12+s2+$0x0] =	vst.idx.add.f32.msk $0xffff, v30;
	v61 =	vmin.f32 v21, $1.000000000e+01;
	v30 =	vmul.f32 v53, v26;
	v39 =	vmul.f32 v39, v63  }
0x182: {  	[tilespmem:v13+s2+$0x0] =	vst.idx.add.f32.msk $0xffff, v29;
	v62 =	vmul.f32 v20, v25;
	v63 =	vmul.f32 v24, v28;
	v28 =	vsub.f32 $1.500000000e+00, v36  }
0x183: {  	[tilespmem:s11+$0x0] =	vst v61;
	v29 =	vsub.f32 $0.0e+00, v61;
	v12 =	vmul.f32 v59, v27;
	v60 =	vmul.f32 v39, v32  }
0x184: {  	[tilespmem:v11+s2+$0x0] =	vst.idx.add.f32.msk $0xffff, v61;
	v13 =	vmax.f32 v62, $-1.000000000e+01;
	v32 =	vmul.f32 v63, v55;
	v36 =	vmul.f32 v28, v44  }
0x185: {  	[tilespmem:v7+s2+$0x0] =	vst.idx.add.f32.msk $0xffff, v29;
	v42 =	vsub.f32 $1.500000000e+00, v30;
	v12 =	vmax.f32 v12, $-1.000000000e+01;
	v39 =	vmin.f32 v13, $1.000000000e+01  }
0x186: {  	v12 =	vmin.f32 v12, $1.000000000e+01;
	[tilespmem:s11+$0xFFFFFFF0] =	vst v39;
	v44 =	vld.idx.msk [tilespmem:v10+s3+$0x0], $0xffff;
	v11 =	vmul.f32 v32, v63;
	v45 =	vmul.f32 v36, v31  }
0x187: {  	vm0 =	vmor vm0, vm13;
	v48 =	vld.idx.msk [tilespmem:v8+s3+$0x0], $0xffff;
	v46 =	vmul.f32 v42, v26;
	v17 =	vmul.f32 v60, v38;
	[tilespmem:s11+$0xFFFFFFE0] =	vst v12  }
0x188: {  	v47 =	vsub.f32 $0.0e+00, v12;
	[tilespmem:v5+s2+$0x0] =	vst.idx.add.f32.msk $0xffff, v39;
	v25 =	vmul.f32 v45, v36;
	v11 =	vsub.f32 $1.500000000e+00, v11  }
0x189: {  	v49 =	vsel vm0, v57, v23;
	v7 =	vsub.f32 $0.0e+00, v39;
	v50 =	vmul.f32 v46, v33;
	[tilespmem:v4+s2+$0x0] =	vst.idx.add.f32.msk $0xffff, v12  }
0x18a: {  	v51 =	vmax.f32 v17, $-1.000000000e+01;
	[tilespmem:v2+s2+$0x0] =	vst.idx.add.f32.msk $0xffff, v47;
	v2 =	vsub.f32 $1.500000000e+00, v25;
	v11 =	vmul.f32 v11, v63  }
0x18b: {  	s10 =	sadd.s32 $0x40, s10;
	v5 =	vmin.f32 v51, $1.000000000e+01;
	[tilespmem:v3+s2+$0x0] =	vst.idx.add.f32.msk $0xffff, v7;
	v3 =	vmul.f32 v50, v34;
	v52 =	vmul.f32 v41, v44  }
0x18c: {  	v53 =	vsub.f32 $0.0e+00, v5;
	[tilespmem:s10+$0x10] =	vst v5;
	v2 =	vmul.f32 v2, v36;
	v11 =	vmul.f32 v11, v43  }
0x18d: {  	v54 =	vmul.f32 v49, v48;
	[tilespmem:v14+s2+$0x0] =	vst.idx.add.f32.msk $0xffff, v5;
	v3 =	vmax.f32 v3, $-1.000000000e+01  }
0x18e: {  	[tilespmem:v18+s2+$0x0] =	vst.idx.add.f32.msk $0xffff, v53;
	v3 =	vmin.f32 v3, $1.000000000e+01;
	v2 =	vmul.f32 v2, v22;
	v4 =	vmul.f32 v11, v52  }
0x18f: {  	[tilespmem:s10+$0x0] =	vst v3;
	v55 =	vsub.f32 $0.0e+00, v3  }
0x190: {  	[tilespmem:v16+s2+$0x0] =	vst.idx.add.f32.msk $0xffff, v3;
	v2 =	vmul.f32 v2, v54;
	v4 =	vmax.f32 v4, $-1.000000000e+01  }
0x191: {  	[tilespmem:v9+s2+$0x0] =	vst.idx.add.f32.msk $0xffff, v55;
	v3 =	vmin.f32 v4, $1.000000000e+01  }
0x192: {  	v2 =	vmax.f32 v2, $-1.000000000e+01;
	[tilespmem:s10+$0xFFFFFFF0] =	vst v3  }
0x193: {  	v2 =	vmin.f32 v2, $1.000000000e+01;
	[tilespmem:v15+s2+$0x0] =	vst.idx.add.f32.msk $0xffff, v3  }
0x194: {  	v3 =	vsub.f32 $0.0e+00, v3;
	[tilespmem:s10+$0xFFFFFFE0] =	vst v2  }
0x195: {  	v56 =	vsub.f32 $0.0e+00, v2;
	[tilespmem:v6+s2+$0x0] =	vst.idx.add.f32.msk $0xffff, v2  }
0x196: {  	[tilespmem:v10+s2+$0x0] =	vst.idx.add.f32.msk $0xffff, v3  }
0x197: {  	[tilespmem:v8+s2+$0x0] =	vst.idx.add.f32.msk $0xffff, v56  }
0x198: {  	v2 =	vld [tilespmem:$0x2700]  }
0x199: {  	v3 =	vld [tilespmem:$0x4E80];
	_ =	sdelay $0x6  }
0x19a: {  	v4 =	vld.idx.msk [tilespmem:v2+s31+$0x0], $0xffff  }
0x19b: {  	v5 =	vld.idx.msk [tilespmem:v3+s31+$0x0], $0xffff;
	_ =	sdelay $0x4  }
0x19c: {  	v4 =	vsub.f32 v4, v5;
	_ =	sdelay $0x1  }
0x19d: {  	v5 =	vand.u32 $0x7FFFFFFF, v4  }
0x19e: {  	v5 =	vadd.f32 $9.999999970e-07, v5;
	_ =	sdelay $0x1  }
0x19f: {  	v57 =	vshra.s32 v5, $0x1;
	v58 =	vmul.f32 $5.000000000e-01, v5  }
0x1a0: {  	v6 =	vsub.s32 $0x5F3759DF, v57  }
0x1a1: {  	v59 =	vmul.f32 v6, v58;
	_ =	sdelay $0x1  }
0x1a2: {  	v8 =	vmul.f32 v6, v59;
	_ =	sdelay $0x1  }
0x1a3: {  	v8 =	vsub.f32 $1.500000000e+00, v8;
	_ =	sdelay $0x1  }
0x1a4: {  	v6 =	vmul.f32 v6, v8;
	_ =	sdelay $0x1  }
0x1a5: {  	v8 =	vmul.f32 v6, v58;
	_ =	sdelay $0x1  }
0x1a6: {  	v8 =	vmul.f32 v8, v6;
	_ =	sdelay $0x1  }
0x1a7: {  	v8 =	vsub.f32 $1.500000000e+00, v8;
	_ =	sdelay $0x1  }
0x1a8: {  	v6 =	vmul.f32 v8, v6;
	_ =	sdelay $0x1  }
0x1a9: {  	v7 =	vmul.f32 v6, v58;
	_ =	sdelay $0x1  }
0x1aa: {  	v7 =	vmul.f32 v7, v6  }
0x1ab: {  	v60 =	vld.idx.msk [tilespmem:v2+s3+$0x0], $0xffff  }
0x1ac: {  	v7 =	vsub.f32 $1.500000000e+00, v7  }
0x1ad: {  	v61 =	vand.u32 $0x80000000, v4;
	vm14 =	vlt.f32 v4, $0.0e+00;
	vm15 =	vgt.f32 v4, $0.0e+00  }
0x1ae: {  	v62 =	vor.u32 v61, v1;
	vm0 =	vmor vm15, vm14;
	v6 =	vmul.f32 v7, v6  }
0x1af: {  	v4 =	vsel vm0, v62, v4  }
0x1b0: {  	v4 =	vmul.f32 v4, v60;
	v5 =	vmul.f32 v6, v5;
	_ =	sdelay $0x1  }
0x1b1: {  	v4 =	vmul.f32 v5, v4;
	_ =	sdelay $0x1  }
0x1b2: {  	v4 =	vmax.f32 v4, $-1.000000000e+01  }
0x1b3: {  	v4 =	vmin.f32 v4, $1.000000000e+01  }
0x1b4: {  	[tilespmem:$0x18A80] =	vst v4;
	v63 =	vsub.f32 $0.0e+00, v4  }
0x1b5: {  	[tilespmem:v3+s2+$0x0] =	vst.idx.add.f32.msk $0xffff, v4  }
0x1b6: {  	s13 =	simm.s32 $0x16380;
	s10 =	rddreg [dreg:$0xc];
	[tilespmem:v2+s2+$0x0] =	vst.idx.add.f32.msk $0xffff, v63  }
0x1b7: {  	[hbm4b:s10+s4] =	stream.linear.scatter [tilespmem:s13], [sflag:$0x4], $0x2710, $0x38;
	[tilespmem:$0x18B00] =	vst v63  }
0x1b8: {  	s14 =	rddreg [dreg:$0xd]  }
0x1b9: {  	[hbm4b:s14+s22] =	stream.strided.scatter [tilespmem:s2], [sflag:$0x6], $0x2780, s1, s22, $0x38;
	[tilespmem:$0x18B00] =	vst v63  }
0x1ba: {  	_ =	swait.ge [sflag:s29], $0x2780  }
0x1bb: {  	[sflag:s29] =	ssyncset.done $0x0  }
0x1bc: {  	[sflag:s29] =	ssyncadd.s32 $0xFFFFD880  }
0x1bd: {  	_ =	swait.ge [sflag:s30], $0x2780  }
0x1be: {  	[sflag:s30] =	ssyncset.done $0x0  }
0x1bf: {  	[sflag:s30] =	ssyncadd.s32 $0xFFFFD880  }
0x1c0: {  	[tilespmem:s31], [sflag:$0x1] =	stream.strided.gather [hbm4b:s15+s22], $0x2780, s23, s22, $0x38;
	[tilespmem:$0x18B00] =	vst v63  }
0x1c1: {  	_ = 	snop  }
0x1c2: {  	[tilespmem:s3], [sflag:$0x2] =	stream.strided.gather [hbm4b:s16+s22], $0x2780, s23, s22, $0x38;
	[tilespmem:$0x18B00] =	vst v63  }
0x1c3: {  	_ =	swait.ge [sflag:s28], $0x2710  }
0x1c4: {  	[sflag:s28] =	ssyncset.done $0x0  }
0x1c5: {  	[sflag:s28] =	ssyncadd.s32 $0xFFFFD8F0  }
0x1c6: {  	_ =	swait.ge [sflag:s5], $0x2780  }
0x1c7: {  	[sflag:s5] =	ssyncset.done $0x0  }
0x1c8: {  	s10 =	simm.s32 $0xED40;
	[sflag:s5] =	ssyncadd.s32 $0xFFFFD880  }
0x1c9: {  	[tilespmem:s10+$0xFFFFFFC0] =	vst v0  }
0x1ca: {  	[tilespmem:s10+$0x30] =	vst v0  }
0x1cb: {  	[tilespmem:s10+$0x20] =	vst v0  }
0x1cc: {  	[tilespmem:s10+$0x10] =	vst v0  }
0x1cd: {  	[tilespmem:s10+$0x0] =	vst v0  }
0x1ce: {  	[tilespmem:s10+$0xFFFFFFF0] =	vst v0  }
0x1cf: {  	s11 =	simm.s32 $0x0;
	[tilespmem:s10+$0xFFFFFFE0] =	vst v0  }
.LBB2_10:
0x1d0: {  	s11 =	sadd.s32 $0x8, s11;
	[tilespmem:s10+$0xFFFFFFD0] =	vst v0;
	s10 =	sadd.s32 $0x80, s10  }
0x1d1: {  	[tilespmem:s10+$0xFFFFFFC0] =	vst v0;
	p0 =	slt.u32 s11, $0x268  }
0x1d2: {  	[tilespmem:s10+$0x30] =	vst v0  }
.Ltmp4:
0x1d3: {  	[tilespmem:s10+$0x20] =	vst v0;
	(pc) =	sbr.rel @p0 .LBB2_10-.Ltmp4, $4  }
0x1d4: {  	[tilespmem:s10+$0x10] =	vst v0  }
0x1d5: {  	[tilespmem:s10+$0x0] =	vst v0  }
0x1d6: {  	[tilespmem:s10+$0xFFFFFFF0] =	vst v0  }
0x1d7: {  	[tilespmem:s10+$0xFFFFFFE0] =	vst v0  }
0x1d8: {  	[tilespmem:s10+$0xFFFFFFD0] =	vst v0  }
0x1d9: {  	s12 =	simm.s32 $0x27A0;
	[tilespmem:$0x11400] =	vst v0  }
0x1da: {  	s11 =	simm.s32 $0x20;
	v12 =	vld [tilespmem:s12+$0x10]  }
0x1db: {  	v13 =	vld [tilespmem:s11+$0x10];
	_ =	sdelay $0x2  }
0x1dc: {  	v4 =	vld [tilespmem:s12+$0xFFFFFFE0]  }
0x1dd: {  	v2 =	vld [tilespmem:s11+$0xFFFFFFE0]  }
0x1de: {  	v7 =	vld [tilespmem:s11+$0x0]  }
0x1df: {  	v11 =	vld [tilespmem:s12+$0x0]  }
0x1e0: {  	v6 =	vld.idx.msk [tilespmem:v12+s24+$0x0], $0xffff  }
0x1e1: {  	v8 =	vld.idx.msk [tilespmem:v13+s24+$0x0], $0xffff  }
0x1e2: {  	v3 =	vld [tilespmem:s11+$0xFFFFFFF0]  }
0x1e3: {  	v5 =	vld [tilespmem:s12+$0xFFFFFFF0];
	_ =	sdelay $0x1  }
0x1e4: {  	v9 =	vld.idx.msk [tilespmem:v4+s24+$0x0], $0xffff  }
0x1e5: {  	v10 =	vld.idx.msk [tilespmem:v2+s24+$0x0], $0xffff;
	v15 =	vsub.f32 v8, v6;
	_ =	sdelay $0x1  }
0x1e6: {  	v8 =	vld.idx.msk [tilespmem:v7+s24+$0x0], $0xffff;
	v6 =	vand.u32 $0x7FFFFFFF, v15  }
0x1e7: {  	v22 =	vadd.f32 $9.999999970e-07, v6;
	v6 =	vld.idx.msk [tilespmem:v11+s24+$0x0], $0xffff  }
0x1e8: {  	v14 =	vld.idx.msk [tilespmem:v3+s24+$0x0], $0xffff  }
0x1e9: {  	v27 =	vsub.f32 v10, v9;
	v10 =	vld.idx.msk [tilespmem:v5+s24+$0x0], $0xffff;
	v9 =	vshra.s32 v22, $0x1;
	v23 =	vmul.f32 $5.000000000e-01, v22  }
0x1ea: {  	v9 =	vsub.s32 $0x5F3759DF, v9  }
0x1eb: {  	v18 =	vmul.f32 v9, v23  }
0x1ec: {  	v16 =	vand.u32 $0x7FFFFFFF, v27;
	vm2 =	vlt.f32 v15, $0.0e+00;
	v28 =	vsub.f32 v8, v6  }
0x1ed: {  	vm3 =	vgt.f32 v15, $0.0e+00;
	v17 =	vadd.f32 $9.999999970e-07, v16;
	v6 =	vmul.f32 v9, v18  }
0x1ee: {  	vm2 =	vmor vm3, vm2;
	v25 =	vsub.f32 v14, v10;
	v10 =	vand.u32 $0x7FFFFFFF, v28  }
0x1ef: {  	v8 =	vshra.s32 v17, $0x1;
	v6 =	vsub.f32 $1.500000000e+00, v6;
	v21 =	vadd.f32 $9.999999970e-07, v10  }
0x1f0: {  	v19 =	vmul.f32 $5.000000000e-01, v17;
	v16 =	vsub.s32 $0x5F3759DF, v8;
	v8 =	vand.u32 $0x80000000, v15  }
0x1f1: {  	v30 =	vld.idx.msk [tilespmem:v7+s25+$0x0], $0xffff;
	v18 =	vmul.f32 v9, v6;
	v9 =	vshra.s32 v21, $0x1;
	v29 =	vmul.f32 $5.000000000e-01, v21  }
0x1f2: {  	s13 =	simm.s32 $0x60;
	v40 =	vld.idx.msk [tilespmem:v13+s25+$0x0], $0xffff;
	v26 =	vmul.f32 v16, v19;
	v31 =	vor.u32 v8, v1;
	v24 =	vsub.s32 $0x5F3759DF, v9  }
0x1f3: {  	s14 =	simm.s32 $0x27E0;
	v8 =	vld [tilespmem:s13+$0xFFFFFFE0];
	v10 =	vand.u32 $0x80000000, v25;
	v14 =	vmul.f32 v18, v23;
	v20 =	vmul.f32 v24, v29  }
0x1f4: {  	v31 =	vsel vm2, v31, v15;
	v15 =	vld [tilespmem:s14+$0xFFFFFFF0];
	v32 =	vor.u32 v10, v1;
	v6 =	vand.u32 $0x7FFFFFFF, v25  }
0x1f5: {  	v9 =	vld [tilespmem:s13+$0x0];
	v10 =	vmul.f32 v14, v18;
	v14 =	vmul.f32 v24, v20;
	v20 =	vadd.f32 $9.999999970e-07, v6  }
0x1f6: {  	vm0 =	vgt.f32 v27, $0.0e+00;
	v42 =	vand.u32 $0x80000000, v27;
	v26 =	vmul.f32 v16, v26;
	v6 =	vld [tilespmem:s14+$0xFFFFFFE0]  }
0x1f7: {  	v33 =	vsub.f32 $1.500000000e+00, v10;
	v34 =	vsub.f32 $1.500000000e+00, v14;
	v10 =	vld [tilespmem:s13+$0xFFFFFFF0];
	v14 =	vshra.s32 v20, $0x1  }
0x1f8: {  	v26 =	vsub.f32 $1.500000000e+00, v26;
	v35 =	vmul.f32 $5.000000000e-01, v20;
	v36 =	vsub.s32 $0x5F3759DF, v14;
	v14 =	vld [tilespmem:s14+$0x10]  }
0x1f9: {  	v59 =	vor.u32 v42, v1;
	v33 =	vmul.f32 v33, v18;
	v34 =	vmul.f32 v24, v34;
	v18 =	vld [tilespmem:s13+$0x10]  }
0x1fa: {  	vm4 =	vgt.f32 v25, $0.0e+00;
	v38 =	vmul.f32 v36, v35;
	v24 =	vmul.f32 v16, v26;
	v16 =	vld [tilespmem:s14+$0x0]  }
0x1fb: {  	vm1 =	vgt.f32 v28, $0.0e+00;
	v37 =	vand.u32 $0x80000000, v28;
	v43 =	vld.idx.msk [tilespmem:v8+s24+$0x0], $0xffff;
	v23 =	vmul.f32 v33, v23  }
0x1fc: {  	vm3 =	vlt.f32 v28, $0.0e+00;
	v60 =	vld.idx.msk [tilespmem:v15+s24+$0x0], $0xffff;
	v39 =	vmul.f32 v34, v29;
	v38 =	vmul.f32 v36, v38  }
0x1fd: {  	vm2 =	vlt.f32 v25, $0.0e+00;
	v37 =	vor.u32 v37, v1;
	v53 =	vld.idx.msk [tilespmem:v9+s24+$0x0], $0xffff;
	v23 =	vmul.f32 v23, v33  }
0x1fe: {  	vm1 =	vmor vm1, vm3;
	v39 =	vmul.f32 v39, v34;
	v38 =	vsub.f32 $1.500000000e+00, v38;
	v41 =	vld.idx.msk [tilespmem:v6+s24+$0x0], $0xffff  }
0x1ff: {  	vm2 =	vmor vm4, vm2;
	v28 =	vsel vm1, v37, v28;
	v23 =	vsub.f32 $1.500000000e+00, v23;
	v58 =	vld.idx.msk [tilespmem:v10+s24+$0x0], $0xffff  }
0x200: {  	vm1 =	vlt.f32 v27, $0.0e+00;
	v52 =	vsub.f32 $1.500000000e+00, v39;
	v36 =	vmul.f32 v36, v38;
	v54 =	vld.idx.msk [tilespmem:v14+s24+$0x0], $0xffff  }
0x201: {  	v31 =	vmul.f32 v31, v40;
	v25 =	vsel vm2, v32, v25;
	v23 =	vmul.f32 v23, v33;
	v56 =	vld.idx.msk [tilespmem:v18+s24+$0x0], $0xffff  }
0x202: {  	vm0 =	vmor vm0, vm1;
	v44 =	vmul.f32 v52, v34;
	v55 =	vmul.f32 v36, v35;
	v57 =	vld.idx.msk [tilespmem:v16+s24+$0x0], $0xffff  }
0x203: {  	v28 =	vmul.f32 v28, v30;
	v27 =	vsel vm0, v59, v27;
	v22 =	vmul.f32 v23, v22  }
0x204: {  	v29 =	vmul.f32 v44, v29;
	v23 =	vsub.f32 v43, v41;
	v32 =	vmul.f32 v55, v36  }
0x205: {  	v26 =	vmul.f32 v24, v19;
	v41 =	vsub.f32 v58, v60;
	v22 =	vmul.f32 v22, v31  }
0x206: {  	v30 =	vand.u32 $0x7FFFFFFF, v23;
	v42 =	vsub.f32 $1.500000000e+00, v32;
	v61 =	vmul.f32 v29, v44  }
0x207: {  	vm0 =	vgt.f32 v23, $0.0e+00;
	v34 =	vsub.f32 v53, v57;
	v45 =	vsub.f32 v56, v54  }
0x208: {  	v43 =	vand.u32 $0x7FFFFFFF, v41;
	v58 =	vand.u32 $0x80000000, v41;
	vm4 =	vgt.f32 v41, $0.0e+00  }
0x209: {  	v31 =	vmax.f32 v22, $-1.000000000e+01;
	v22 =	vadd.f32 $9.999999970e-07, v30;
	v46 =	vor.u32 v58, v1  }
0x20a: {  	v49 =	vsub.f32 $1.500000000e+00, v61;
	v37 =	vmul.f32 v42, v36;
	v42 =	vand.u32 $0x80000000, v23  }
0x20b: {  	v30 =	vmin.f32 v31, $1.000000000e+01;
	v62 =	vand.u32 $0x7FFFFFFF, v34;
	v56 =	vand.u32 $0x7FFFFFFF, v45  }
0x20c: {  	vm1 =	vgt.f32 v34, $0.0e+00;
	v31 =	vshra.s32 v22, $0x1;
	v32 =	vadd.f32 $9.999999970e-07, v56  }
0x20d: {  	v57 =	vand.u32 $0x80000000, v45;
	v63 =	vsub.s32 $0x5F3759DF, v31;
	v31 =	vmul.f32 $5.000000000e-01, v22  }
0x20e: {  	vm2 =	vlt.f32 v45, $0.0e+00;
	v60 =	vshra.s32 v32, $0x1;
	v40 =	vmul.f32 $5.000000000e-01, v32  }
0x20f: {  	vm3 =	vgt.f32 v45, $0.0e+00;
	v47 =	vmul.f32 v63, v31;
	v53 =	vsub.s32 $0x5F3759DF, v60  }
0x210: {  	v50 =	vand.u32 $0x80000000, v34;
	v33 =	vadd.f32 $9.999999970e-07, v62;
	v54 =	vmul.f32 v53, v40  }
0x211: {  	v29 =	vsub.f32 $0.0e+00, v30;
	v48 =	vor.u32 v57, v1;
	v47 =	vmul.f32 v63, v47  }
0x212: {  	v59 =	vshra.s32 v33, $0x1;
	v38 =	vmul.f32 $5.000000000e-01, v33;
	v62 =	vmul.f32 v53, v54  }
0x213: {  	vm3 =	vmor vm3, vm2;
	v52 =	vsub.s32 $0x5F3759DF, v59;
	v47 =	vsub.f32 $1.500000000e+00, v47  }
0x214: {  	v51 =	vmul.f32 v49, v44;
	v61 =	vmul.f32 v52, v38;
	v54 =	vsub.f32 $1.500000000e+00, v62  }
0x215: {  	vm2 =	vlt.f32 v34, $0.0e+00;
	v49 =	vld.idx.msk [tilespmem:v2+s25+$0x0], $0xffff;
	v44 =	vmul.f32 v63, v47;
	v63 =	vmul.f32 v37, v35  }
0x216: {  	s10 =	simm.s32 $0x13C20;
	s12 =	simm.s32 $0x4;
	v39 =	vmul.f32 v52, v61;
	v35 =	vsel vm3, v48, v45;
	v45 =	vld.idx.msk [tilespmem:v3+s25+$0x0], $0xffff;
	v53 =	vmul.f32 v53, v54  }
0x217: {  	s11 =	simm.s32 $0x13C20;
	s13 =	simm.s32 $0x2820;
	s14 =	simm.s32 $0xA0;
	[tilespmem:s10+$0x10] =	vst v30;
	vm3 =	vlt.f32 v41, $0.0e+00;
	v48 =	vld.idx.msk [tilespmem:v9+s25+$0x0], $0xffff;
	v36 =	vmul.f32 v44, v31;
	v47 =	vmul.f32 v63, v37  }
.LBB2_12:
0x218: {  	v54 =	vld [tilespmem:s14+$0x0];
	s12 =	sadd.s32 $0x4, s12;
	v55 =	vadd.f32 $9.999999970e-07, v43;
	vm3 =	vmor vm4, vm3;
	v56 =	vsub.f32 $1.500000000e+00, v39;
	s10 =	sadd.s32 $0x40, s10  }
0x219: {  	v57 =	vmul.f32 v26, v24;
	v26 =	vmovc v36;
	v39 =	vld [tilespmem:s14+$0xFFFFFFF0];
	p0 =	slt.u32 s12, $0x26C;
	v41 =	vsel vm3, v46, v41;
	v46 =	vmul.f32 v53, v40  }
0x21a: {  	v43 =	vld [tilespmem:s14+$0xFFFFFFE0];
	v58 =	vshra.s32 v55, $0x1;
	v36 =	vmul.f32 $5.000000000e-01, v55;
	v52 =	vmul.f32 v52, v56  }
0x21b: {  	v51 =	vmul.f32 v51, v21;
	v21 =	vmovc v33;
	v57 =	vsub.f32 $1.500000000e+00, v57;
	v56 =	vld [tilespmem:s13+$0x0];
	v59 =	vmul.f32 v46, v53  }
0x21c: {  	v50 =	vor.u32 v50, v1;
	v33 =	vsub.s32 $0x5F3759DF, v58;
	v46 =	vld [tilespmem:s13+$0xFFFFFFE0];
	v58 =	vmul.f32 v52, v38  }
0x21d: {  	v61 =	vmul.f32 v33, v36;
	v57 =	vmul.f32 v57, v24;
	v24 =	vmovc v44;
	v60 =	vld [tilespmem:s13+$0x10];
	v59 =	vsub.f32 $1.500000000e+00, v59  }
0x21e: {  	vm1 =	vmor vm1, vm2;
	v51 =	vmul.f32 v51, v28;
	v44 =	vmul.f32 v58, v52;
	v58 =	vld.idx.msk [tilespmem:v18+s25+$0x0], $0xffff  }
0x21f: {  	v28 =	vsel vm1, v50, v34;
	v50 =	vmul.f32 v57, v19;
	v19 =	vmovc v31;
	v62 =	vld [tilespmem:s14+$0x10];
	v34 =	vmul.f32 v59, v53  }
0x220: {  	v49 =	vmul.f32 v27, v49;
	v53 =	vmul.f32 v33, v61;
	v31 =	vld [tilespmem:s13+$0xFFFFFFF0];
	v44 =	vsub.f32 $1.500000000e+00, v44  }
0x221: {  	vm1 =	vlt.f32 v23, $0.0e+00;
	v27 =	vmul.f32 v34, v40;
	v40 =	vmul.f32 v50, v57;
	[tilespmem:v12+s0+$0x0] =	vst.idx.add.f32.msk $0xffff, v30  }
0x222: {  	vm0 =	vmor vm0, vm1;
	v30 =	vsub.f32 $1.500000000e+00, v53;
	v12 =	vmovc v14;
	v50 =	vld.idx.msk [tilespmem:v54+s24+$0x0], $0xffff;
	v44 =	vmul.f32 v44, v52;
	v14 =	vmovc v60  }
0x223: {  	v45 =	vmul.f32 v25, v45;
	v27 =	vmul.f32 v27, v34;
	v40 =	vsub.f32 $1.500000000e+00, v40;
	[tilespmem:v13+s0+$0x0] =	vst.idx.add.f32.msk $0xffff, v29  }
0x224: {  	v25 =	vmovc v41;
	v53 =	vmul.f32 v33, v30;
	v33 =	vsub.f32 $1.500000000e+00, v47;
	v29 =	vld.idx.msk [tilespmem:v46+s24+$0x0], $0xffff;
	v30 =	vmul.f32 v44, v38  }
0x225: {  	v28 =	vmul.f32 v28, v48;
	v13 =	vmovc v18;
	v38 =	vld.idx.msk [tilespmem:v43+s24+$0x0], $0xffff;
	v41 =	vsub.f32 $1.500000000e+00, v27;
	v40 =	vmul.f32 v40, v57  }
0x226: {  	v18 =	vor.u32 v42, v1;
	v42 =	vmul.f32 v53, v36;
	v33 =	vmul.f32 v33, v37;
	v47 =	vld.idx.msk [tilespmem:v60+s24+$0x0], $0xffff  }
0x227: {  	v27 =	vsel vm0, v18, v23;
	v37 =	vld.idx.msk [tilespmem:v62+s24+$0x0], $0xffff;
	v48 =	vmul.f32 v41, v34;
	v23 =	vmul.f32 v40, v17  }
0x228: {  	v40 =	vmul.f32 v42, v53;
	v33 =	vmul.f32 v33, v20;
	v42 =	vmax.f32 v51, $-1.000000000e+01;
	v20 =	vmovc v55;
	v34 =	vld.idx.msk [tilespmem:v56+s24+$0x0], $0xffff  }
0x229: {  	v35 =	vmul.f32 v35, v58;
	v18 =	vmovc v62;
	v17 =	vmovc v22;
	v41 =	vmin.f32 v42, $1.000000000e+01;
	v32 =	vmul.f32 v48, v32  }
0x22a: {  	v22 =	vmul.f32 v23, v49;
	v33 =	vmul.f32 v33, v45;
	v45 =	vsub.f32 $0.0e+00, v41;
	v42 =	vld.idx.msk [tilespmem:v39+s24+$0x0], $0xffff;
	[tilespmem:s11+$0x0] =	vst v41  }
0x22b: {  	v48 =	vsub.f32 $1.500000000e+00, v40;
	v23 =	vsub.f32 v38, v29;
	v38 =	vld.idx.msk [tilespmem:v31+s24+$0x0], $0xffff;
	v29 =	vmul.f32 v32, v35  }
0x22c: {  	v35 =	vmul.f32 v30, v44;
	v32 =	vmax.f32 v22, $-1.000000000e+01;
	v33 =	vmax.f32 v33, $-1.000000000e+01;
	[tilespmem:v11+s0+$0x0] =	vst.idx.add.f32.msk $0xffff, v41;
	v11 =	vmovc v16  }
0x22d: {  	v40 =	vand.u32 $0x7FFFFFFF, v23;
	vm0 =	vgt.f32 v23, $0.0e+00;
	v29 =	vmax.f32 v29, $-1.000000000e+01;
	[tilespmem:v7+s0+$0x0] =	vst.idx.add.f32.msk $0xffff, v45;
	v7 =	vmovc v9;
	v9 =	vmovc v54  }
0x22e: {  	v33 =	vmin.f32 v33, $1.000000000e+01;
	v16 =	vmovc v56;
	v22 =	vadd.f32 $9.999999970e-07, v40;
	v30 =	vmin.f32 v29, $1.000000000e+01  }
0x22f: {  	v32 =	vmin.f32 v32, $1.000000000e+01;
	v34 =	vsub.f32 v50, v34;
	v40 =	vsub.f32 $0.0e+00, v33;
	[tilespmem:s11+$0xFFFFFFF0] =	vst v33  }
0x230: {  	v49 =	vsub.f32 $0.0e+00, v32;
	v45 =	vshra.s32 v22, $0x1;
	v29 =	vsub.f32 $0.0e+00, v30;
	[tilespmem:v5+s0+$0x0] =	vst.idx.add.f32.msk $0xffff, v33;
	v5 =	vmovc v15;
	v15 =	vmovc v31  }
0x231: {  	v41 =	vsub.f32 v42, v38;
	v33 =	vand.u32 $0x7FFFFFFF, v34;
	v42 =	vsub.f32 v37, v47;
	[tilespmem:s11+$0xFFFFFFE0] =	vst v32;
	s11 =	smov.u32 s10  }
0x232: {  	v45 =	vsub.s32 $0x5F3759DF, v45;
	v31 =	vmul.f32 $5.000000000e-01, v22;
	v33 =	vadd.f32 $9.999999970e-07, v33;
	[tilespmem:v4+s0+$0x0] =	vst.idx.add.f32.msk $0xffff, v32;
	v4 =	vmovc v6;
	v6 =	vmovc v46  }
0x233: {  	vm1 =	vgt.f32 v34, $0.0e+00;
	v32 =	vand.u32 $0x7FFFFFFF, v42;
	v37 =	vand.u32 $0x80000000, v42;
	[tilespmem:v2+s0+$0x0] =	vst.idx.add.f32.msk $0xffff, v49;
	v2 =	vmovc v8;
	v8 =	vmovc v43  }
0x234: {  	v38 =	vand.u32 $0x80000000, v41;
	vm2 =	vlt.f32 v42, $0.0e+00;
	v43 =	vand.u32 $0x7FFFFFFF, v41;
	[tilespmem:v3+s0+$0x0] =	vst.idx.add.f32.msk $0xffff, v40;
	v3 =	vmovc v10;
	v10 =	vmovc v39  }
0x235: {  	v32 =	vadd.f32 $9.999999970e-07, v32;
	v47 =	vor.u32 v37, v1;
	v39 =	vmul.f32 v45, v31;
	[tilespmem:s10+$0x10] =	vst v30  }
0x236: {  	v35 =	vsub.f32 $1.500000000e+00, v35;
	vm3 =	vgt.f32 v42, $0.0e+00;
	v46 =	vor.u32 v38, v1  }
0x237: {  	v37 =	vshra.s32 v33, $0x1;
	v38 =	vshra.s32 v32, $0x1;
	v40 =	vmul.f32 $5.000000000e-01, v32  }
0x238: {  	vm3 =	vmor vm3, vm2;
	v39 =	vmul.f32 v45, v39;
	v54 =	vsub.s32 $0x5F3759DF, v38  }
0x239: {  	v52 =	vsub.s32 $0x5F3759DF, v37;
	v38 =	vmul.f32 $5.000000000e-01, v33;
	v49 =	vmul.f32 v54, v40  }
0x23a: {  	v51 =	vmul.f32 v35, v44;
	v37 =	vmul.f32 v48, v53;
	v39 =	vsub.f32 $1.500000000e+00, v39  }
.Ltmp5:
0x23b: {  	v50 =	vand.u32 $0x80000000, v34;
	v35 =	vmul.f32 v52, v38;
	v48 =	vmul.f32 v54, v49;
	(pc) =	sbr.rel @p0 .LBB2_12-.Ltmp5, $4  }
0x23c: {  	vm2 =	vlt.f32 v34, $0.0e+00;
	v53 =	vmul.f32 v37, v36;
	v44 =	vmul.f32 v45, v39  }
0x23d: {  	v39 =	vmul.f32 v52, v35;
	v35 =	vsel vm3, v47, v42;
	v55 =	vsub.f32 $1.500000000e+00, v48;
	v45 =	vld.idx.msk [tilespmem:v3+s25+$0x0], $0xffff  }
0x23e: {  	v42 =	vand.u32 $0x80000000, v23;
	v47 =	vmul.f32 v53, v37;
	v36 =	vmul.f32 v44, v31;
	v49 =	vld.idx.msk [tilespmem:v2+s25+$0x0], $0xffff  }
0x23f: {  	s14 =	sadd.s32 $0x40, s14;
	s13 =	sadd.s32 $0x40, s13;
	vm4 =	vgt.f32 v41, $0.0e+00;
	vm3 =	vlt.f32 v41, $0.0e+00;
	v53 =	vmul.f32 v54, v55;
	v48 =	vld.idx.msk [tilespmem:v9+s25+$0x0], $0xffff  }
0x240: {  	v39 =	vsub.f32 $1.500000000e+00, v39;
	v43 =	vadd.f32 $9.999999970e-07, v43;
	vm3 =	vmor vm4, vm3  }
0x241: {  	v26 =	vmul.f32 v26, v24;
	v21 =	vmul.f32 v51, v21;
	v50 =	vor.u32 v50, v1  }
0x242: {  	vm1 =	vmor vm1, vm2;
	v57 =	vshra.s32 v43, $0x1;
	v55 =	vmul.f32 $5.000000000e-01, v43  }
0x243: {  	v54 =	vmul.f32 v53, v40;
	v39 =	vmul.f32 v52, v39;
	v52 =	vsub.s32 $0x5F3759DF, v57  }
0x244: {  	v36 =	vmul.f32 v36, v44;
	v26 =	vsub.f32 $1.500000000e+00, v26;
	v58 =	vmul.f32 v52, v55  }
0x245: {  	vm13 =	vlt.f32 v23, $0.0e+00;
	v54 =	vmul.f32 v54, v53;
	v56 =	vmul.f32 v39, v38  }
0x246: {  	v41 =	vsel vm3, v46, v41;
	v60 =	vmul.f32 v26, v24;
	v62 =	vmul.f32 v52, v58  }
0x247: {  	v21 =	vmul.f32 v21, v28;
	v25 =	vmul.f32 v25, v45;
	v59 =	vsub.f32 $1.500000000e+00, v54  }
0x248: {  	v61 =	vmul.f32 v56, v39;
	v19 =	vmul.f32 v60, v19;
	v28 =	vsub.f32 $1.500000000e+00, v62  }
0x249: {  	v34 =	vsel vm1, v50, v34;
	v27 =	vmul.f32 v27, v49;
	v63 =	vmul.f32 v59, v53  }
0x24a: {  	v58 =	vld.idx.msk [tilespmem:v18+s25+$0x0], $0xffff;
	v26 =	vsub.f32 $1.500000000e+00, v61;
	v19 =	vmul.f32 v19, v60;
	v28 =	vmul.f32 v52, v28  }
0x24b: {  	v34 =	vmul.f32 v34, v48;
	v50 =	vmul.f32 v63, v40;
	v52 =	vsub.f32 $1.500000000e+00, v47  }
0x24c: {  	v26 =	vmul.f32 v26, v39;
	v19 =	vsub.f32 $1.500000000e+00, v19;
	v54 =	vmul.f32 v28, v55  }
0x24d: {  	v57 =	vor.u32 v42, v1;
	v51 =	vmul.f32 v50, v63;
	v37 =	vmul.f32 v52, v37  }
0x24e: {  	v21 =	vmax.f32 v21, $-1.000000000e+01;
	v19 =	vmul.f32 v19, v60;
	v56 =	vmul.f32 v54, v28  }
0x24f: {  	v53 =	vmul.f32 v26, v38;
	v38 =	vmul.f32 v35, v58;
	v39 =	vsub.f32 $1.500000000e+00, v51  }
0x250: {  	v20 =	vmul.f32 v37, v20;
	v59 =	vmul.f32 v19, v17;
	v24 =	vsub.f32 $1.500000000e+00, v56  }
0x251: {  	[tilespmem:v12+s0+$0x0] =	vst.idx.add.f32.msk $0xffff, v30;
	v61 =	vmin.f32 v21, $1.000000000e+01;
	v30 =	vmul.f32 v53, v26;
	v39 =	vmul.f32 v39, v63  }
0x252: {  	[tilespmem:v13+s0+$0x0] =	vst.idx.add.f32.msk $0xffff, v29;
	v62 =	vmul.f32 v20, v25;
	v63 =	vmul.f32 v24, v28;
	v28 =	vsub.f32 $1.500000000e+00, v36  }
0x253: {  	[tilespmem:s11+$0x0] =	vst v61;
	v29 =	vsub.f32 $0.0e+00, v61;
	v12 =	vmul.f32 v59, v27;
	v60 =	vmul.f32 v39, v32  }
0x254: {  	[tilespmem:v11+s0+$0x0] =	vst.idx.add.f32.msk $0xffff, v61;
	v13 =	vmax.f32 v62, $-1.000000000e+01;
	v32 =	vmul.f32 v63, v55;
	v36 =	vmul.f32 v28, v44  }
0x255: {  	[tilespmem:v7+s0+$0x0] =	vst.idx.add.f32.msk $0xffff, v29;
	v42 =	vsub.f32 $1.500000000e+00, v30;
	v12 =	vmax.f32 v12, $-1.000000000e+01;
	v39 =	vmin.f32 v13, $1.000000000e+01  }
0x256: {  	v12 =	vmin.f32 v12, $1.000000000e+01;
	[tilespmem:s11+$0xFFFFFFF0] =	vst v39;
	v44 =	vld.idx.msk [tilespmem:v10+s25+$0x0], $0xffff;
	v11 =	vmul.f32 v32, v63;
	v45 =	vmul.f32 v36, v31  }
0x257: {  	vm0 =	vmor vm0, vm13;
	v48 =	vld.idx.msk [tilespmem:v8+s25+$0x0], $0xffff;
	v46 =	vmul.f32 v42, v26;
	v17 =	vmul.f32 v60, v38;
	[tilespmem:s11+$0xFFFFFFE0] =	vst v12  }
0x258: {  	v47 =	vsub.f32 $0.0e+00, v12;
	[tilespmem:v5+s0+$0x0] =	vst.idx.add.f32.msk $0xffff, v39;
	v25 =	vmul.f32 v45, v36;
	v11 =	vsub.f32 $1.500000000e+00, v11  }
0x259: {  	v49 =	vsel vm0, v57, v23;
	v7 =	vsub.f32 $0.0e+00, v39;
	v50 =	vmul.f32 v46, v33;
	[tilespmem:v4+s0+$0x0] =	vst.idx.add.f32.msk $0xffff, v12  }
0x25a: {  	v51 =	vmax.f32 v17, $-1.000000000e+01;
	[tilespmem:v2+s0+$0x0] =	vst.idx.add.f32.msk $0xffff, v47;
	v2 =	vsub.f32 $1.500000000e+00, v25;
	v11 =	vmul.f32 v11, v63  }
0x25b: {  	s10 =	sadd.s32 $0x40, s10;
	v5 =	vmin.f32 v51, $1.000000000e+01;
	[tilespmem:v3+s0+$0x0] =	vst.idx.add.f32.msk $0xffff, v7;
	v3 =	vmul.f32 v50, v34;
	v52 =	vmul.f32 v41, v44  }
0x25c: {  	v53 =	vsub.f32 $0.0e+00, v5;
	[tilespmem:s10+$0x10] =	vst v5;
	v2 =	vmul.f32 v2, v36;
	v11 =	vmul.f32 v11, v43  }
0x25d: {  	v54 =	vmul.f32 v49, v48;
	[tilespmem:v14+s0+$0x0] =	vst.idx.add.f32.msk $0xffff, v5;
	v3 =	vmax.f32 v3, $-1.000000000e+01  }
0x25e: {  	[tilespmem:v18+s0+$0x0] =	vst.idx.add.f32.msk $0xffff, v53;
	v3 =	vmin.f32 v3, $1.000000000e+01;
	v2 =	vmul.f32 v2, v22;
	v4 =	vmul.f32 v11, v52  }
0x25f: {  	[tilespmem:s10+$0x0] =	vst v3;
	v55 =	vsub.f32 $0.0e+00, v3  }
0x260: {  	[tilespmem:v16+s0+$0x0] =	vst.idx.add.f32.msk $0xffff, v3;
	v2 =	vmul.f32 v2, v54;
	v4 =	vmax.f32 v4, $-1.000000000e+01  }
0x261: {  	[tilespmem:v9+s0+$0x0] =	vst.idx.add.f32.msk $0xffff, v55;
	v3 =	vmin.f32 v4, $1.000000000e+01  }
0x262: {  	v2 =	vmax.f32 v2, $-1.000000000e+01;
	[tilespmem:s10+$0xFFFFFFF0] =	vst v3  }
0x263: {  	v2 =	vmin.f32 v2, $1.000000000e+01;
	[tilespmem:v15+s0+$0x0] =	vst.idx.add.f32.msk $0xffff, v3  }
0x264: {  	v3 =	vsub.f32 $0.0e+00, v3;
	[tilespmem:s10+$0xFFFFFFE0] =	vst v2  }
0x265: {  	v56 =	vsub.f32 $0.0e+00, v2;
	[tilespmem:v6+s0+$0x0] =	vst.idx.add.f32.msk $0xffff, v2  }
0x266: {  	[tilespmem:v10+s0+$0x0] =	vst.idx.add.f32.msk $0xffff, v3  }
0x267: {  	[tilespmem:v8+s0+$0x0] =	vst.idx.add.f32.msk $0xffff, v56  }
0x268: {  	v2 =	vld [tilespmem:$0x2700]  }
0x269: {  	v3 =	vld [tilespmem:$0x4E80];
	_ =	sdelay $0x6  }
0x26a: {  	v4 =	vld.idx.msk [tilespmem:v2+s24+$0x0], $0xffff  }
0x26b: {  	v5 =	vld.idx.msk [tilespmem:v3+s24+$0x0], $0xffff;
	_ =	sdelay $0x4  }
0x26c: {  	v4 =	vsub.f32 v4, v5;
	_ =	sdelay $0x1  }
0x26d: {  	v5 =	vand.u32 $0x7FFFFFFF, v4  }
0x26e: {  	v5 =	vadd.f32 $9.999999970e-07, v5;
	_ =	sdelay $0x1  }
0x26f: {  	v57 =	vshra.s32 v5, $0x1;
	v58 =	vmul.f32 $5.000000000e-01, v5  }
0x270: {  	v6 =	vsub.s32 $0x5F3759DF, v57  }
0x271: {  	v59 =	vmul.f32 v6, v58;
	_ =	sdelay $0x1  }
0x272: {  	v8 =	vmul.f32 v6, v59;
	_ =	sdelay $0x1  }
0x273: {  	v8 =	vsub.f32 $1.500000000e+00, v8;
	_ =	sdelay $0x1  }
0x274: {  	v6 =	vmul.f32 v6, v8;
	_ =	sdelay $0x1  }
0x275: {  	v8 =	vmul.f32 v6, v58;
	_ =	sdelay $0x1  }
0x276: {  	v8 =	vmul.f32 v8, v6;
	_ =	sdelay $0x1  }
0x277: {  	v8 =	vsub.f32 $1.500000000e+00, v8;
	_ =	sdelay $0x1  }
0x278: {  	v6 =	vmul.f32 v8, v6;
	_ =	sdelay $0x1  }
0x279: {  	v7 =	vmul.f32 v6, v58;
	_ =	sdelay $0x1  }
0x27a: {  	v7 =	vmul.f32 v7, v6  }
0x27b: {  	v60 =	vld.idx.msk [tilespmem:v2+s25+$0x0], $0xffff  }
0x27c: {  	v7 =	vsub.f32 $1.500000000e+00, v7  }
0x27d: {  	v61 =	vand.u32 $0x80000000, v4;
	vm14 =	vlt.f32 v4, $0.0e+00;
	vm15 =	vgt.f32 v4, $0.0e+00  }
0x27e: {  	v62 =	vor.u32 v61, v1;
	vm0 =	vmor vm15, vm14;
	v6 =	vmul.f32 v7, v6  }
0x27f: {  	v4 =	vsel vm0, v62, v4  }
0x280: {  	v4 =	vmul.f32 v4, v60;
	v5 =	vmul.f32 v6, v5;
	_ =	sdelay $0x1  }
0x281: {  	v4 =	vmul.f32 v5, v4;
	_ =	sdelay $0x1  }
0x282: {  	v4 =	vmax.f32 v4, $-1.000000000e+01  }
0x283: {  	v4 =	vmin.f32 v4, $1.000000000e+01  }
0x284: {  	[tilespmem:$0x16300] =	vst v4;
	v63 =	vsub.f32 $0.0e+00, v4  }
0x285: {  	[tilespmem:v3+s0+$0x0] =	vst.idx.add.f32.msk $0xffff, v4  }
0x286: {  	s14 =	simm.s32 $0x13C00;
	[tilespmem:v2+s0+$0x0] =	vst.idx.add.f32.msk $0xffff, v63  }
0x287: {  	[hbm4b:s17+s4] =	stream.linear.scatter [tilespmem:s14], [sflag:$0x3], $0x2710, $0x38;
	[tilespmem:$0x18B00] =	vst v63  }
0x288: {  	_ = 	snop  }
0x289: {  	[hbm4b:s18+s22] =	stream.strided.scatter [tilespmem:s0], [sflag:$0x5], $0x2780, s1, s22, $0x38;
	[tilespmem:$0x18B00] =	vst v63  }
0x28a: {  	_ =	swait.ge [sflag:s29], $0x2780  }
0x28b: {  	[sflag:s29] =	ssyncset.done $0x0  }
0x28c: {  	[sflag:s29] =	ssyncadd.s32 $0xFFFFD880  }
0x28d: {  	_ =	swait.ge [sflag:s30], $0x2780  }
0x28e: {  	[sflag:s30] =	ssyncset.done $0x0  }
0x28f: {  	[sflag:s30] =	ssyncadd.s32 $0xFFFFD880  }
0x290: {  	_ =	swait.ge [sflag:s6], $0x2710  }
0x291: {  	[sflag:s6] =	ssyncset.done $0x0  }
0x292: {  	[sflag:s6] =	ssyncadd.s32 $0xFFFFD8F0  }
0x293: {  	_ =	swait.ge [sflag:s7], $0x2780  }
0x294: {  	[sflag:s7] =	ssyncset.done $0x0  }
0x295: {  	s10 =	simm.s32 $0x114C0;
	[sflag:s7] =	ssyncadd.s32 $0xFFFFD880  }
0x296: {  	[tilespmem:s10+$0xFFFFFFC0] =	vst v0  }
0x297: {  	[tilespmem:s10+$0x30] =	vst v0  }
0x298: {  	[tilespmem:s10+$0x20] =	vst v0  }
0x299: {  	[tilespmem:s10+$0x10] =	vst v0  }
0x29a: {  	[tilespmem:s10+$0x0] =	vst v0  }
0x29b: {  	[tilespmem:s10+$0xFFFFFFF0] =	vst v0  }
0x29c: {  	s11 =	simm.s32 $0x0;
	[tilespmem:s10+$0xFFFFFFE0] =	vst v0  }
.LBB2_14:
0x29d: {  	s11 =	sadd.s32 $0x8, s11;
	[tilespmem:s10+$0xFFFFFFD0] =	vst v0;
	s10 =	sadd.s32 $0x80, s10  }
0x29e: {  	[tilespmem:s10+$0xFFFFFFC0] =	vst v0;
	p0 =	slt.u32 s11, $0x268  }
0x29f: {  	[tilespmem:s10+$0x30] =	vst v0  }
.Ltmp6:
0x2a0: {  	[tilespmem:s10+$0x20] =	vst v0;
	(pc) =	sbr.rel @p0 .LBB2_14-.Ltmp6, $4  }
0x2a1: {  	[tilespmem:s10+$0x10] =	vst v0  }
0x2a2: {  	[tilespmem:s10+$0x0] =	vst v0  }
0x2a3: {  	[tilespmem:s10+$0xFFFFFFF0] =	vst v0  }
0x2a4: {  	[tilespmem:s10+$0xFFFFFFE0] =	vst v0  }
0x2a5: {  	[tilespmem:s10+$0xFFFFFFD0] =	vst v0  }
0x2a6: {  	s12 =	simm.s32 $0x27A0;
	[tilespmem:$0x13B80] =	vst v0  }
0x2a7: {  	s11 =	simm.s32 $0x20;
	v12 =	vld [tilespmem:s12+$0x10]  }
0x2a8: {  	v13 =	vld [tilespmem:s11+$0x10];
	_ =	sdelay $0x2  }
0x2a9: {  	v4 =	vld [tilespmem:s12+$0xFFFFFFE0]  }
0x2aa: {  	v2 =	vld [tilespmem:s11+$0xFFFFFFE0]  }
0x2ab: {  	v7 =	vld [tilespmem:s11+$0x0]  }
0x2ac: {  	v11 =	vld [tilespmem:s12+$0x0]  }
0x2ad: {  	v6 =	vld.idx.msk [tilespmem:v12+s31+$0x0], $0xffff  }
0x2ae: {  	v8 =	vld.idx.msk [tilespmem:v13+s31+$0x0], $0xffff  }
0x2af: {  	v3 =	vld [tilespmem:s11+$0xFFFFFFF0]  }
0x2b0: {  	v5 =	vld [tilespmem:s12+$0xFFFFFFF0];
	_ =	sdelay $0x1  }
0x2b1: {  	v9 =	vld.idx.msk [tilespmem:v4+s31+$0x0], $0xffff  }
0x2b2: {  	v10 =	vld.idx.msk [tilespmem:v2+s31+$0x0], $0xffff;
	v15 =	vsub.f32 v8, v6;
	_ =	sdelay $0x1  }
0x2b3: {  	v8 =	vld.idx.msk [tilespmem:v7+s31+$0x0], $0xffff;
	v6 =	vand.u32 $0x7FFFFFFF, v15  }
0x2b4: {  	v22 =	vadd.f32 $9.999999970e-07, v6;
	v6 =	vld.idx.msk [tilespmem:v11+s31+$0x0], $0xffff  }
0x2b5: {  	v14 =	vld.idx.msk [tilespmem:v3+s31+$0x0], $0xffff  }
0x2b6: {  	v27 =	vsub.f32 v10, v9;
	v10 =	vld.idx.msk [tilespmem:v5+s31+$0x0], $0xffff;
	v9 =	vshra.s32 v22, $0x1;
	v23 =	vmul.f32 $5.000000000e-01, v22  }
0x2b7: {  	v9 =	vsub.s32 $0x5F3759DF, v9  }
0x2b8: {  	v18 =	vmul.f32 v9, v23  }
0x2b9: {  	v16 =	vand.u32 $0x7FFFFFFF, v27;
	vm2 =	vlt.f32 v15, $0.0e+00;
	v28 =	vsub.f32 v8, v6  }
0x2ba: {  	vm3 =	vgt.f32 v15, $0.0e+00;
	v17 =	vadd.f32 $9.999999970e-07, v16;
	v6 =	vmul.f32 v9, v18  }
0x2bb: {  	vm2 =	vmor vm3, vm2;
	v25 =	vsub.f32 v14, v10;
	v10 =	vand.u32 $0x7FFFFFFF, v28  }
0x2bc: {  	v8 =	vshra.s32 v17, $0x1;
	v6 =	vsub.f32 $1.500000000e+00, v6;
	v21 =	vadd.f32 $9.999999970e-07, v10  }
0x2bd: {  	v19 =	vmul.f32 $5.000000000e-01, v17;
	v16 =	vsub.s32 $0x5F3759DF, v8;
	v8 =	vand.u32 $0x80000000, v15  }
0x2be: {  	v30 =	vld.idx.msk [tilespmem:v7+s3+$0x0], $0xffff;
	v18 =	vmul.f32 v9, v6;
	v9 =	vshra.s32 v21, $0x1;
	v29 =	vmul.f32 $5.000000000e-01, v21  }
0x2bf: {  	s13 =	simm.s32 $0x60;
	v40 =	vld.idx.msk [tilespmem:v13+s3+$0x0], $0xffff;
	v26 =	vmul.f32 v16, v19;
	v31 =	vor.u32 v8, v1;
	v24 =	vsub.s32 $0x5F3759DF, v9  }
0x2c0: {  	s14 =	simm.s32 $0x27E0;
	v8 =	vld [tilespmem:s13+$0xFFFFFFE0];
	v10 =	vand.u32 $0x80000000, v25;
	v14 =	vmul.f32 v18, v23;
	v20 =	vmul.f32 v24, v29  }
0x2c1: {  	v31 =	vsel vm2, v31, v15;
	v15 =	vld [tilespmem:s14+$0xFFFFFFF0];
	v32 =	vor.u32 v10, v1;
	v6 =	vand.u32 $0x7FFFFFFF, v25  }
0x2c2: {  	v9 =	vld [tilespmem:s13+$0x0];
	v10 =	vmul.f32 v14, v18;
	v14 =	vmul.f32 v24, v20;
	v20 =	vadd.f32 $9.999999970e-07, v6  }
0x2c3: {  	vm0 =	vgt.f32 v27, $0.0e+00;
	v42 =	vand.u32 $0x80000000, v27;
	v26 =	vmul.f32 v16, v26;
	v6 =	vld [tilespmem:s14+$0xFFFFFFE0]  }
0x2c4: {  	v33 =	vsub.f32 $1.500000000e+00, v10;
	v34 =	vsub.f32 $1.500000000e+00, v14;
	v10 =	vld [tilespmem:s13+$0xFFFFFFF0];
	v14 =	vshra.s32 v20, $0x1  }
0x2c5: {  	v26 =	vsub.f32 $1.500000000e+00, v26;
	v35 =	vmul.f32 $5.000000000e-01, v20;
	v36 =	vsub.s32 $0x5F3759DF, v14;
	v14 =	vld [tilespmem:s14+$0x10]  }
0x2c6: {  	v59 =	vor.u32 v42, v1;
	v33 =	vmul.f32 v33, v18;
	v34 =	vmul.f32 v24, v34;
	v18 =	vld [tilespmem:s13+$0x10]  }
0x2c7: {  	vm4 =	vgt.f32 v25, $0.0e+00;
	v38 =	vmul.f32 v36, v35;
	v24 =	vmul.f32 v16, v26;
	v16 =	vld [tilespmem:s14+$0x0]  }
0x2c8: {  	vm1 =	vgt.f32 v28, $0.0e+00;
	v37 =	vand.u32 $0x80000000, v28;
	v43 =	vld.idx.msk [tilespmem:v8+s31+$0x0], $0xffff;
	v23 =	vmul.f32 v33, v23  }
0x2c9: {  	vm3 =	vlt.f32 v28, $0.0e+00;
	v60 =	vld.idx.msk [tilespmem:v15+s31+$0x0], $0xffff;
	v39 =	vmul.f32 v34, v29;
	v38 =	vmul.f32 v36, v38  }
0x2ca: {  	vm2 =	vlt.f32 v25, $0.0e+00;
	v37 =	vor.u32 v37, v1;
	v53 =	vld.idx.msk [tilespmem:v9+s31+$0x0], $0xffff;
	v23 =	vmul.f32 v23, v33  }
0x2cb: {  	vm1 =	vmor vm1, vm3;
	v39 =	vmul.f32 v39, v34;
	v38 =	vsub.f32 $1.500000000e+00, v38;
	v41 =	vld.idx.msk [tilespmem:v6+s31+$0x0], $0xffff  }
0x2cc: {  	vm2 =	vmor vm4, vm2;
	v28 =	vsel vm1, v37, v28;
	v23 =	vsub.f32 $1.500000000e+00, v23;
	v58 =	vld.idx.msk [tilespmem:v10+s31+$0x0], $0xffff  }
0x2cd: {  	vm1 =	vlt.f32 v27, $0.0e+00;
	v52 =	vsub.f32 $1.500000000e+00, v39;
	v36 =	vmul.f32 v36, v38;
	v54 =	vld.idx.msk [tilespmem:v14+s31+$0x0], $0xffff  }
0x2ce: {  	v31 =	vmul.f32 v31, v40;
	v25 =	vsel vm2, v32, v25;
	v23 =	vmul.f32 v23, v33;
	v56 =	vld.idx.msk [tilespmem:v18+s31+$0x0], $0xffff  }
0x2cf: {  	vm0 =	vmor vm0, vm1;
	v44 =	vmul.f32 v52, v34;
	v55 =	vmul.f32 v36, v35;
	v57 =	vld.idx.msk [tilespmem:v16+s31+$0x0], $0xffff  }
0x2d0: {  	v28 =	vmul.f32 v28, v30;
	v27 =	vsel vm0, v59, v27;
	v22 =	vmul.f32 v23, v22  }
0x2d1: {  	v29 =	vmul.f32 v44, v29;
	v23 =	vsub.f32 v43, v41;
	v32 =	vmul.f32 v55, v36  }
0x2d2: {  	v26 =	vmul.f32 v24, v19;
	v41 =	vsub.f32 v58, v60;
	v22 =	vmul.f32 v22, v31  }
0x2d3: {  	v30 =	vand.u32 $0x7FFFFFFF, v23;
	v42 =	vsub.f32 $1.500000000e+00, v32;
	v61 =	vmul.f32 v29, v44  }
0x2d4: {  	vm0 =	vgt.f32 v23, $0.0e+00;
	v34 =	vsub.f32 v53, v57;
	v45 =	vsub.f32 v56, v54  }
0x2d5: {  	v43 =	vand.u32 $0x7FFFFFFF, v41;
	v58 =	vand.u32 $0x80000000, v41;
	vm4 =	vgt.f32 v41, $0.0e+00  }
0x2d6: {  	v31 =	vmax.f32 v22, $-1.000000000e+01;
	v22 =	vadd.f32 $9.999999970e-07, v30;
	v46 =	vor.u32 v58, v1  }
0x2d7: {  	v49 =	vsub.f32 $1.500000000e+00, v61;
	v37 =	vmul.f32 v42, v36;
	v42 =	vand.u32 $0x80000000, v23  }
0x2d8: {  	v30 =	vmin.f32 v31, $1.000000000e+01;
	v62 =	vand.u32 $0x7FFFFFFF, v34;
	v56 =	vand.u32 $0x7FFFFFFF, v45  }
0x2d9: {  	vm1 =	vgt.f32 v34, $0.0e+00;
	v31 =	vshra.s32 v22, $0x1;
	v32 =	vadd.f32 $9.999999970e-07, v56  }
0x2da: {  	v57 =	vand.u32 $0x80000000, v45;
	v63 =	vsub.s32 $0x5F3759DF, v31;
	v31 =	vmul.f32 $5.000000000e-01, v22  }
0x2db: {  	vm2 =	vlt.f32 v45, $0.0e+00;
	v60 =	vshra.s32 v32, $0x1;
	v40 =	vmul.f32 $5.000000000e-01, v32  }
0x2dc: {  	vm3 =	vgt.f32 v45, $0.0e+00;
	v47 =	vmul.f32 v63, v31;
	v53 =	vsub.s32 $0x5F3759DF, v60  }
0x2dd: {  	v50 =	vand.u32 $0x80000000, v34;
	v33 =	vadd.f32 $9.999999970e-07, v62;
	v54 =	vmul.f32 v53, v40  }
0x2de: {  	v29 =	vsub.f32 $0.0e+00, v30;
	v48 =	vor.u32 v57, v1;
	v47 =	vmul.f32 v63, v47  }
0x2df: {  	v59 =	vshra.s32 v33, $0x1;
	v38 =	vmul.f32 $5.000000000e-01, v33;
	v62 =	vmul.f32 v53, v54  }
0x2e0: {  	vm3 =	vmor vm3, vm2;
	v52 =	vsub.s32 $0x5F3759DF, v59;
	v47 =	vsub.f32 $1.500000000e+00, v47  }
0x2e1: {  	v51 =	vmul.f32 v49, v44;
	v61 =	vmul.f32 v52, v38;
	v54 =	vsub.f32 $1.500000000e+00, v62  }
0x2e2: {  	vm2 =	vlt.f32 v34, $0.0e+00;
	v49 =	vld.idx.msk [tilespmem:v2+s3+$0x0], $0xffff;
	v44 =	vmul.f32 v63, v47;
	v63 =	vmul.f32 v37, v35  }
0x2e3: {  	s10 =	simm.s32 $0x163A0;
	s12 =	simm.s32 $0x4;
	v39 =	vmul.f32 v52, v61;
	v35 =	vsel vm3, v48, v45;
	v45 =	vld.idx.msk [tilespmem:v3+s3+$0x0], $0xffff;
	v53 =	vmul.f32 v53, v54  }
0x2e4: {  	s11 =	simm.s32 $0x163A0;
	s13 =	simm.s32 $0x2820;
	s14 =	simm.s32 $0xA0;
	[tilespmem:s10+$0x10] =	vst v30;
	vm3 =	vlt.f32 v41, $0.0e+00;
	v48 =	vld.idx.msk [tilespmem:v9+s3+$0x0], $0xffff;
	v36 =	vmul.f32 v44, v31;
	v47 =	vmul.f32 v63, v37  }
.LBB2_16:
0x2e5: {  	v54 =	vld [tilespmem:s14+$0x0];
	s12 =	sadd.s32 $0x4, s12;
	v55 =	vadd.f32 $9.999999970e-07, v43;
	vm3 =	vmor vm4, vm3;
	v56 =	vsub.f32 $1.500000000e+00, v39;
	s10 =	sadd.s32 $0x40, s10  }
0x2e6: {  	v57 =	vmul.f32 v26, v24;
	v26 =	vmovc v36;
	v39 =	vld [tilespmem:s14+$0xFFFFFFF0];
	p0 =	slt.u32 s12, $0x26C;
	v41 =	vsel vm3, v46, v41;
	v46 =	vmul.f32 v53, v40  }
0x2e7: {  	v43 =	vld [tilespmem:s14+$0xFFFFFFE0];
	v58 =	vshra.s32 v55, $0x1;
	v36 =	vmul.f32 $5.000000000e-01, v55;
	v52 =	vmul.f32 v52, v56  }
0x2e8: {  	v51 =	vmul.f32 v51, v21;
	v21 =	vmovc v33;
	v57 =	vsub.f32 $1.500000000e+00, v57;
	v56 =	vld [tilespmem:s13+$0x0];
	v59 =	vmul.f32 v46, v53  }
0x2e9: {  	v50 =	vor.u32 v50, v1;
	v33 =	vsub.s32 $0x5F3759DF, v58;
	v46 =	vld [tilespmem:s13+$0xFFFFFFE0];
	v58 =	vmul.f32 v52, v38  }
0x2ea: {  	v61 =	vmul.f32 v33, v36;
	v57 =	vmul.f32 v57, v24;
	v24 =	vmovc v44;
	v60 =	vld [tilespmem:s13+$0x10];
	v59 =	vsub.f32 $1.500000000e+00, v59  }
0x2eb: {  	vm1 =	vmor vm1, vm2;
	v51 =	vmul.f32 v51, v28;
	v44 =	vmul.f32 v58, v52;
	v58 =	vld.idx.msk [tilespmem:v18+s3+$0x0], $0xffff  }
0x2ec: {  	v28 =	vsel vm1, v50, v34;
	v50 =	vmul.f32 v57, v19;
	v19 =	vmovc v31;
	v62 =	vld [tilespmem:s14+$0x10];
	v34 =	vmul.f32 v59, v53  }
0x2ed: {  	v49 =	vmul.f32 v27, v49;
	v53 =	vmul.f32 v33, v61;
	v31 =	vld [tilespmem:s13+$0xFFFFFFF0];
	v44 =	vsub.f32 $1.500000000e+00, v44  }
0x2ee: {  	vm1 =	vlt.f32 v23, $0.0e+00;
	v27 =	vmul.f32 v34, v40;
	v40 =	vmul.f32 v50, v57;
	[tilespmem:v12+s2+$0x0] =	vst.idx.add.f32.msk $0xffff, v30  }
0x2ef: {  	vm0 =	vmor vm0, vm1;
	v30 =	vsub.f32 $1.500000000e+00, v53;
	v12 =	vmovc v14;
	v50 =	vld.idx.msk [tilespmem:v54+s31+$0x0], $0xffff;
	v44 =	vmul.f32 v44, v52;
	v14 =	vmovc v60  }
0x2f0: {  	v45 =	vmul.f32 v25, v45;
	v27 =	vmul.f32 v27, v34;
	v40 =	vsub.f32 $1.500000000e+00, v40;
	[tilespmem:v13+s2+$0x0] =	vst.idx.add.f32.msk $0xffff, v29  }
0x2f1: {  	v25 =	vmovc v41;
	v53 =	vmul.f32 v33, v30;
	v33 =	vsub.f32 $1.500000000e+00, v47;
	v29 =	vld.idx.msk [tilespmem:v46+s31+$0x0], $0xffff;
	v30 =	vmul.f32 v44, v38  }
0x2f2: {  	v28 =	vmul.f32 v28, v48;
	v13 =	vmovc v18;
	v38 =	vld.idx.msk [tilespmem:v43+s31+$0x0], $0xffff;
	v41 =	vsub.f32 $1.500000000e+00, v27;
	v40 =	vmul.f32 v40, v57  }
0x2f3: {  	v18 =	vor.u32 v42, v1;
	v42 =	vmul.f32 v53, v36;
	v33 =	vmul.f32 v33, v37;
	v47 =	vld.idx.msk [tilespmem:v60+s31+$0x0], $0xffff  }
0x2f4: {  	v27 =	vsel vm0, v18, v23;
	v37 =	vld.idx.msk [tilespmem:v62+s31+$0x0], $0xffff;
	v48 =	vmul.f32 v41, v34;
	v23 =	vmul.f32 v40, v17  }
0x2f5: {  	v40 =	vmul.f32 v42, v53;
	v33 =	vmul.f32 v33, v20;
	v42 =	vmax.f32 v51, $-1.000000000e+01;
	v20 =	vmovc v55;
	v34 =	vld.idx.msk [tilespmem:v56+s31+$0x0], $0xffff  }
0x2f6: {  	v35 =	vmul.f32 v35, v58;
	v18 =	vmovc v62;
	v17 =	vmovc v22;
	v41 =	vmin.f32 v42, $1.000000000e+01;
	v32 =	vmul.f32 v48, v32  }
0x2f7: {  	v22 =	vmul.f32 v23, v49;
	v33 =	vmul.f32 v33, v45;
	v45 =	vsub.f32 $0.0e+00, v41;
	v42 =	vld.idx.msk [tilespmem:v39+s31+$0x0], $0xffff;
	[tilespmem:s11+$0x0] =	vst v41  }
0x2f8: {  	v48 =	vsub.f32 $1.500000000e+00, v40;
	v23 =	vsub.f32 v38, v29;
	v38 =	vld.idx.msk [tilespmem:v31+s31+$0x0], $0xffff;
	v29 =	vmul.f32 v32, v35  }
0x2f9: {  	v35 =	vmul.f32 v30, v44;
	v32 =	vmax.f32 v22, $-1.000000000e+01;
	v33 =	vmax.f32 v33, $-1.000000000e+01;
	[tilespmem:v11+s2+$0x0] =	vst.idx.add.f32.msk $0xffff, v41;
	v11 =	vmovc v16  }
0x2fa: {  	v40 =	vand.u32 $0x7FFFFFFF, v23;
	vm0 =	vgt.f32 v23, $0.0e+00;
	v29 =	vmax.f32 v29, $-1.000000000e+01;
	[tilespmem:v7+s2+$0x0] =	vst.idx.add.f32.msk $0xffff, v45;
	v7 =	vmovc v9;
	v9 =	vmovc v54  }
0x2fb: {  	v33 =	vmin.f32 v33, $1.000000000e+01;
	v16 =	vmovc v56;
	v22 =	vadd.f32 $9.999999970e-07, v40;
	v30 =	vmin.f32 v29, $1.000000000e+01  }
0x2fc: {  	v32 =	vmin.f32 v32, $1.000000000e+01;
	v34 =	vsub.f32 v50, v34;
	v40 =	vsub.f32 $0.0e+00, v33;
	[tilespmem:s11+$0xFFFFFFF0] =	vst v33  }
0x2fd: {  	v49 =	vsub.f32 $0.0e+00, v32;
	v45 =	vshra.s32 v22, $0x1;
	v29 =	vsub.f32 $0.0e+00, v30;
	[tilespmem:v5+s2+$0x0] =	vst.idx.add.f32.msk $0xffff, v33;
	v5 =	vmovc v15;
	v15 =	vmovc v31  }
0x2fe: {  	v41 =	vsub.f32 v42, v38;
	v33 =	vand.u32 $0x7FFFFFFF, v34;
	v42 =	vsub.f32 v37, v47;
	[tilespmem:s11+$0xFFFFFFE0] =	vst v32;
	s11 =	smov.u32 s10  }
0x2ff: {  	v45 =	vsub.s32 $0x5F3759DF, v45;
	v31 =	vmul.f32 $5.000000000e-01, v22;
	v33 =	vadd.f32 $9.999999970e-07, v33;
	[tilespmem:v4+s2+$0x0] =	vst.idx.add.f32.msk $0xffff, v32;
	v4 =	vmovc v6;
	v6 =	vmovc v46  }
0x300: {  	vm1 =	vgt.f32 v34, $0.0e+00;
	v32 =	vand.u32 $0x7FFFFFFF, v42;
	v37 =	vand.u32 $0x80000000, v42;
	[tilespmem:v2+s2+$0x0] =	vst.idx.add.f32.msk $0xffff, v49;
	v2 =	vmovc v8;
	v8 =	vmovc v43  }
0x301: {  	v38 =	vand.u32 $0x80000000, v41;
	vm2 =	vlt.f32 v42, $0.0e+00;
	v43 =	vand.u32 $0x7FFFFFFF, v41;
	[tilespmem:v3+s2+$0x0] =	vst.idx.add.f32.msk $0xffff, v40;
	v3 =	vmovc v10;
	v10 =	vmovc v39  }
0x302: {  	v32 =	vadd.f32 $9.999999970e-07, v32;
	v47 =	vor.u32 v37, v1;
	v39 =	vmul.f32 v45, v31;
	[tilespmem:s10+$0x10] =	vst v30  }
0x303: {  	v35 =	vsub.f32 $1.500000000e+00, v35;
	vm3 =	vgt.f32 v42, $0.0e+00;
	v46 =	vor.u32 v38, v1  }
0x304: {  	v37 =	vshra.s32 v33, $0x1;
	v38 =	vshra.s32 v32, $0x1;
	v40 =	vmul.f32 $5.000000000e-01, v32  }
0x305: {  	vm3 =	vmor vm3, vm2;
	v39 =	vmul.f32 v45, v39;
	v54 =	vsub.s32 $0x5F3759DF, v38  }
0x306: {  	v52 =	vsub.s32 $0x5F3759DF, v37;
	v38 =	vmul.f32 $5.000000000e-01, v33;
	v49 =	vmul.f32 v54, v40  }
0x307: {  	v51 =	vmul.f32 v35, v44;
	v37 =	vmul.f32 v48, v53;
	v39 =	vsub.f32 $1.500000000e+00, v39  }
.Ltmp7:
0x308: {  	v50 =	vand.u32 $0x80000000, v34;
	v35 =	vmul.f32 v52, v38;
	v48 =	vmul.f32 v54, v49;
	(pc) =	sbr.rel @p0 .LBB2_16-.Ltmp7, $4  }
0x309: {  	vm2 =	vlt.f32 v34, $0.0e+00;
	v53 =	vmul.f32 v37, v36;
	v44 =	vmul.f32 v45, v39  }
0x30a: {  	v39 =	vmul.f32 v52, v35;
	v35 =	vsel vm3, v47, v42;
	v55 =	vsub.f32 $1.500000000e+00, v48;
	v45 =	vld.idx.msk [tilespmem:v3+s3+$0x0], $0xffff  }
0x30b: {  	v42 =	vand.u32 $0x80000000, v23;
	v47 =	vmul.f32 v53, v37;
	v36 =	vmul.f32 v44, v31;
	v49 =	vld.idx.msk [tilespmem:v2+s3+$0x0], $0xffff  }
0x30c: {  	s14 =	sadd.s32 $0x40, s14;
	s13 =	sadd.s32 $0x40, s13;
	vm4 =	vgt.f32 v41, $0.0e+00;
	vm3 =	vlt.f32 v41, $0.0e+00;
	v53 =	vmul.f32 v54, v55;
	v48 =	vld.idx.msk [tilespmem:v9+s3+$0x0], $0xffff  }
0x30d: {  	v39 =	vsub.f32 $1.500000000e+00, v39;
	v43 =	vadd.f32 $9.999999970e-07, v43;
	vm3 =	vmor vm4, vm3  }
0x30e: {  	v26 =	vmul.f32 v26, v24;
	v21 =	vmul.f32 v51, v21;
	v50 =	vor.u32 v50, v1  }
0x30f: {  	vm1 =	vmor vm1, vm2;
	v57 =	vshra.s32 v43, $0x1;
	v55 =	vmul.f32 $5.000000000e-01, v43  }
0x310: {  	v54 =	vmul.f32 v53, v40;
	v39 =	vmul.f32 v52, v39;
	v52 =	vsub.s32 $0x5F3759DF, v57  }
0x311: {  	v36 =	vmul.f32 v36, v44;
	v26 =	vsub.f32 $1.500000000e+00, v26;
	v58 =	vmul.f32 v52, v55  }
0x312: {  	vm13 =	vlt.f32 v23, $0.0e+00;
	v54 =	vmul.f32 v54, v53;
	v56 =	vmul.f32 v39, v38  }
0x313: {  	v41 =	vsel vm3, v46, v41;
	v60 =	vmul.f32 v26, v24;
	v62 =	vmul.f32 v52, v58  }
0x314: {  	v21 =	vmul.f32 v21, v28;
	v25 =	vmul.f32 v25, v45;
	v59 =	vsub.f32 $1.500000000e+00, v54  }
0x315: {  	v61 =	vmul.f32 v56, v39;
	v19 =	vmul.f32 v60, v19;
	v28 =	vsub.f32 $1.500000000e+00, v62  }
0x316: {  	v34 =	vsel vm1, v50, v34;
	v27 =	vmul.f32 v27, v49;
	v63 =	vmul.f32 v59, v53  }
0x317: {  	v58 =	vld.idx.msk [tilespmem:v18+s3+$0x0], $0xffff;
	v26 =	vsub.f32 $1.500000000e+00, v61;
	v19 =	vmul.f32 v19, v60;
	v28 =	vmul.f32 v52, v28  }
0x318: {  	v34 =	vmul.f32 v34, v48;
	v50 =	vmul.f32 v63, v40;
	v52 =	vsub.f32 $1.500000000e+00, v47  }
0x319: {  	v26 =	vmul.f32 v26, v39;
	v19 =	vsub.f32 $1.500000000e+00, v19;
	v54 =	vmul.f32 v28, v55  }
0x31a: {  	v57 =	vor.u32 v42, v1;
	v51 =	vmul.f32 v50, v63;
	v37 =	vmul.f32 v52, v37  }
0x31b: {  	v21 =	vmax.f32 v21, $-1.000000000e+01;
	v19 =	vmul.f32 v19, v60;
	v56 =	vmul.f32 v54, v28  }
0x31c: {  	v53 =	vmul.f32 v26, v38;
	v38 =	vmul.f32 v35, v58;
	v39 =	vsub.f32 $1.500000000e+00, v51  }
0x31d: {  	v20 =	vmul.f32 v37, v20;
	v59 =	vmul.f32 v19, v17;
	v24 =	vsub.f32 $1.500000000e+00, v56  }
0x31e: {  	[tilespmem:v12+s2+$0x0] =	vst.idx.add.f32.msk $0xffff, v30;
	v61 =	vmin.f32 v21, $1.000000000e+01;
	v30 =	vmul.f32 v53, v26;
	v39 =	vmul.f32 v39, v63  }
0x31f: {  	[tilespmem:v13+s2+$0x0] =	vst.idx.add.f32.msk $0xffff, v29;
	v62 =	vmul.f32 v20, v25;
	v63 =	vmul.f32 v24, v28;
	v28 =	vsub.f32 $1.500000000e+00, v36  }
0x320: {  	[tilespmem:s11+$0x0] =	vst v61;
	v29 =	vsub.f32 $0.0e+00, v61;
	v12 =	vmul.f32 v59, v27;
	v60 =	vmul.f32 v39, v32  }
0x321: {  	[tilespmem:v11+s2+$0x0] =	vst.idx.add.f32.msk $0xffff, v61;
	v13 =	vmax.f32 v62, $-1.000000000e+01;
	v32 =	vmul.f32 v63, v55;
	v36 =	vmul.f32 v28, v44  }
0x322: {  	[tilespmem:v7+s2+$0x0] =	vst.idx.add.f32.msk $0xffff, v29;
	v42 =	vsub.f32 $1.500000000e+00, v30;
	v12 =	vmax.f32 v12, $-1.000000000e+01;
	v39 =	vmin.f32 v13, $1.000000000e+01  }
0x323: {  	v12 =	vmin.f32 v12, $1.000000000e+01;
	[tilespmem:s11+$0xFFFFFFF0] =	vst v39;
	v44 =	vld.idx.msk [tilespmem:v10+s3+$0x0], $0xffff;
	v11 =	vmul.f32 v32, v63;
	v45 =	vmul.f32 v36, v31  }
0x324: {  	vm0 =	vmor vm0, vm13;
	v48 =	vld.idx.msk [tilespmem:v8+s3+$0x0], $0xffff;
	v46 =	vmul.f32 v42, v26;
	v17 =	vmul.f32 v60, v38;
	[tilespmem:s11+$0xFFFFFFE0] =	vst v12  }
0x325: {  	v47 =	vsub.f32 $0.0e+00, v12;
	[tilespmem:v5+s2+$0x0] =	vst.idx.add.f32.msk $0xffff, v39;
	v25 =	vmul.f32 v45, v36;
	v11 =	vsub.f32 $1.500000000e+00, v11  }
0x326: {  	v49 =	vsel vm0, v57, v23;
	v7 =	vsub.f32 $0.0e+00, v39;
	v50 =	vmul.f32 v46, v33;
	[tilespmem:v4+s2+$0x0] =	vst.idx.add.f32.msk $0xffff, v12  }
0x327: {  	v51 =	vmax.f32 v17, $-1.000000000e+01;
	[tilespmem:v2+s2+$0x0] =	vst.idx.add.f32.msk $0xffff, v47;
	v2 =	vsub.f32 $1.500000000e+00, v25;
	v11 =	vmul.f32 v11, v63  }
0x328: {  	s10 =	sadd.s32 $0x40, s10;
	v5 =	vmin.f32 v51, $1.000000000e+01;
	[tilespmem:v3+s2+$0x0] =	vst.idx.add.f32.msk $0xffff, v7;
	v3 =	vmul.f32 v50, v34;
	v52 =	vmul.f32 v41, v44  }
0x329: {  	v53 =	vsub.f32 $0.0e+00, v5;
	[tilespmem:s10+$0x10] =	vst v5;
	v2 =	vmul.f32 v2, v36;
	v11 =	vmul.f32 v11, v43  }
0x32a: {  	v54 =	vmul.f32 v49, v48;
	[tilespmem:v14+s2+$0x0] =	vst.idx.add.f32.msk $0xffff, v5;
	v3 =	vmax.f32 v3, $-1.000000000e+01  }
0x32b: {  	[tilespmem:v18+s2+$0x0] =	vst.idx.add.f32.msk $0xffff, v53;
	v3 =	vmin.f32 v3, $1.000000000e+01;
	v2 =	vmul.f32 v2, v22;
	v4 =	vmul.f32 v11, v52  }
0x32c: {  	[tilespmem:s10+$0x0] =	vst v3;
	v55 =	vsub.f32 $0.0e+00, v3  }
0x32d: {  	[tilespmem:v16+s2+$0x0] =	vst.idx.add.f32.msk $0xffff, v3;
	v2 =	vmul.f32 v2, v54;
	v4 =	vmax.f32 v4, $-1.000000000e+01  }
0x32e: {  	[tilespmem:v9+s2+$0x0] =	vst.idx.add.f32.msk $0xffff, v55;
	v3 =	vmin.f32 v4, $1.000000000e+01  }
0x32f: {  	v2 =	vmax.f32 v2, $-1.000000000e+01;
	[tilespmem:s10+$0xFFFFFFF0] =	vst v3  }
0x330: {  	v2 =	vmin.f32 v2, $1.000000000e+01;
	[tilespmem:v15+s2+$0x0] =	vst.idx.add.f32.msk $0xffff, v3  }
0x331: {  	v3 =	vsub.f32 $0.0e+00, v3;
	[tilespmem:s10+$0xFFFFFFE0] =	vst v2  }
0x332: {  	v56 =	vsub.f32 $0.0e+00, v2;
	[tilespmem:v6+s2+$0x0] =	vst.idx.add.f32.msk $0xffff, v2  }
0x333: {  	[tilespmem:v10+s2+$0x0] =	vst.idx.add.f32.msk $0xffff, v3  }
0x334: {  	[tilespmem:v8+s2+$0x0] =	vst.idx.add.f32.msk $0xffff, v56  }
0x335: {  	v2 =	vld [tilespmem:$0x2700]  }
0x336: {  	v3 =	vld [tilespmem:$0x4E80];
	_ =	sdelay $0x6  }
0x337: {  	v4 =	vld.idx.msk [tilespmem:v2+s31+$0x0], $0xffff  }
0x338: {  	v5 =	vld.idx.msk [tilespmem:v3+s31+$0x0], $0xffff;
	_ =	sdelay $0x4  }
0x339: {  	v4 =	vsub.f32 v4, v5;
	_ =	sdelay $0x1  }
0x33a: {  	v5 =	vand.u32 $0x7FFFFFFF, v4  }
0x33b: {  	v5 =	vadd.f32 $9.999999970e-07, v5;
	_ =	sdelay $0x1  }
0x33c: {  	v57 =	vshra.s32 v5, $0x1;
	v58 =	vmul.f32 $5.000000000e-01, v5  }
0x33d: {  	v6 =	vsub.s32 $0x5F3759DF, v57  }
0x33e: {  	v59 =	vmul.f32 v6, v58;
	_ =	sdelay $0x1  }
0x33f: {  	v8 =	vmul.f32 v6, v59;
	_ =	sdelay $0x1  }
0x340: {  	v8 =	vsub.f32 $1.500000000e+00, v8;
	_ =	sdelay $0x1  }
0x341: {  	v6 =	vmul.f32 v6, v8;
	_ =	sdelay $0x1  }
0x342: {  	v8 =	vmul.f32 v6, v58;
	_ =	sdelay $0x1  }
0x343: {  	v8 =	vmul.f32 v8, v6;
	_ =	sdelay $0x1  }
0x344: {  	v8 =	vsub.f32 $1.500000000e+00, v8;
	_ =	sdelay $0x1  }
0x345: {  	v6 =	vmul.f32 v8, v6;
	_ =	sdelay $0x1  }
0x346: {  	v7 =	vmul.f32 v6, v58;
	_ =	sdelay $0x1  }
0x347: {  	v7 =	vmul.f32 v7, v6  }
0x348: {  	v60 =	vld.idx.msk [tilespmem:v2+s3+$0x0], $0xffff  }
0x349: {  	v7 =	vsub.f32 $1.500000000e+00, v7  }
0x34a: {  	v61 =	vand.u32 $0x80000000, v4;
	vm14 =	vlt.f32 v4, $0.0e+00;
	vm15 =	vgt.f32 v4, $0.0e+00  }
0x34b: {  	v62 =	vor.u32 v61, v1;
	vm0 =	vmor vm15, vm14;
	v6 =	vmul.f32 v7, v6  }
0x34c: {  	v4 =	vsel vm0, v62, v4  }
0x34d: {  	v4 =	vmul.f32 v4, v60;
	v5 =	vmul.f32 v6, v5;
	_ =	sdelay $0x1  }
0x34e: {  	v4 =	vmul.f32 v5, v4;
	_ =	sdelay $0x1  }
0x34f: {  	v4 =	vmax.f32 v4, $-1.000000000e+01  }
0x350: {  	v4 =	vmin.f32 v4, $1.000000000e+01  }
0x351: {  	[tilespmem:$0x18A80] =	vst v4;
	v63 =	vsub.f32 $0.0e+00, v4  }
0x352: {  	[tilespmem:v3+s2+$0x0] =	vst.idx.add.f32.msk $0xffff, v4  }
0x353: {  	s14 =	simm.s32 $0x16380;
	[tilespmem:v2+s2+$0x0] =	vst.idx.add.f32.msk $0xffff, v63  }
0x354: {  	[hbm4b:s19+s4] =	stream.linear.scatter [tilespmem:s14], [sflag:$0x4], $0x2710, $0x38;
	[tilespmem:$0x18B00] =	vst v63  }
0x355: {  	_ = 	snop  }
0x356: {  	[hbm4b:s20+s22] =	stream.strided.scatter [tilespmem:s2], [sflag:$0x6], $0x2780, s1, s22, $0x38;
	[tilespmem:$0x18B00] =	vst v63  }
0x357: {  	_ =	swait.ge [sflag:s28], $0x2710  }
0x358: {  	[sflag:s28] =	ssyncset.done $0x0  }
0x359: {  	[sflag:s28] =	ssyncadd.s32 $0xFFFFD8F0  }
0x35a: {  	_ =	swait.ge [sflag:s5], $0x2780  }
0x35b: {  	[sflag:s5] =	ssyncset.done $0x0  }
0x35c: {  	s8 =	sadd.s32 $0x1, s8;
	[sflag:s5] =	ssyncadd.s32 $0xFFFFD880  }
0x35d: {  	p0 =	sne.s32 s8, s21;
	_ =	swait.ge [sflag:s6], $0x2710  }
.Ltmp8:
0x35e: {  	[sflag:s6] =	ssyncset.done $0x0;
	(pc) =	sbr.rel @p0 .LBB2_1-.Ltmp8, $4  }
0x35f: {  	[sflag:s6] =	ssyncadd.s32 $0xFFFFD8F0  }
0x360: {  	_ =	swait.ge [sflag:s7], $0x2780  }
0x361: {  	[sflag:s7] =	ssyncset.done $0x0  }
0x362: {  	[sflag:s7] =	ssyncadd.s32 $0xFFFFD880  }
0x363: {  	_ =	sfence.sel $0x180000  }
0x364: {  	[bflag:$0x0] =	sbarrier.arrive $0xFFFF  }
0x365: {  	_ =	strace $0x90000047  }
0x366: {  	s0 =	stileid.u32;
	[bflag:$0x2] =	sbarrier.arrive $0xFFFF  }
0x367: {  	p0 =	sne.s32 s0, $0x0;
	s0 =	rddreg [dreg:$0x4]  }
0x368: {  	s0 =	sadd.s32 @!p0 $0x100000, s0  }
0x369: {  	[sflag:s0] =	ssyncadd.tile.s32 @!p0 $0x1;
	_ =	shalt  }
.Lfunc_end2:
_tile_overlayer_lowered:
.L_overlay_start_2:
0x36a: {  	(tag) =	ssettag $0x2  }
0x36b: {  	s0 =	rddreg [dreg:$0x0];
	s2 =	stileid.u32  }
0x36c: {  	s1 =	rddreg [dreg:$0x1];
	p0 =	sne.s32 s2, $0x0  }
0x36d: {  	s3 =	rddreg [dreg:$0x2];
	[bflag:$0x3] =	sbarrier.arrive $0xFFFF;
	s2 =	simm.s32 @!p0 $0x1C07  }
0x36e: {  	[timem:s3], [sflag:s2] =	dma.local @!p0 [hbm:s0], s1  }
0x36f: {  	s0 =	simm.s32 @!p0 $0x7  }
0x370: {  	_ =	swait.ge @!p0 [sflag:s0], s1  }
0x371: {  	s1 =	ssub.s32 @!p0 $0x0, s1;
	[sflag:s0] =	ssyncset.done @!p0 $0x0  }
0x372: {  	[sflag:s0] =	ssyncadd.s32 @!p0 s1  }
0x373: {  	[bflag:$0x3] =	sbarrier.arrive $0xFFFF  }
0x374: {  	_ =	shalt  }

</sc_bundles>
